<compile_context>
chip_gen: v7x
topology: tpu7x:2x2x1
jax: 0.10.2.dev20260603
libtpu: 0.0.44.dev20260713+nightly
codegen_flags: <defaults>
</compile_context>

<pallas_src>
import functools

import jax
import jax.numpy as jnp
from jax import lax
from jax.experimental import pallas as pl
from jax.experimental.pallas import tpu as pltpu
from jax.experimental.pallas import tpu_sc as plsc

N = 10000
NP = 10240
E = 320000
D = 128

NC = 2
NS = 16
RPT = NP // NS

CH = 120
CPP = 167
NCH0 = 103
NCH1 = CPP - NCH0
TOTCH = NS * CPP
E2 = TOTCH * CH
NSL = 3
NT = (NCH0 + 3 + 2) // 3
DSP = 92
NTD = (DSP + 3 + 2) // 3
ZCP = 80

_mesh = plsc.VectorSubcoreMesh(core_axis_name="c", subcore_axis_name="s")


@functools.partial(
    pl.kernel,
    out_type=jax.ShapeDtypeStruct((NC * NP,), jnp.float32),
    mesh=_mesh,
    scratch_types=[
        [pltpu.VMEM((CH,), jnp.int32) for _ in range(NSL)],
        pltpu.VMEM((128,), jnp.float32),
        pltpu.VMEM((640,), jnp.float32),
        pltpu.VMEM_SHARED((NP,), jnp.float32),
        [pltpu.SemaphoreType.DMA for _ in range(NSL)],
        [pltpu.SemaphoreType.DMA for _ in range(NSL)],
    ],
)
def _sc_deg(dst_hbm, out_hbm, idx_v, ones_v, zbuf_v, deg_sh, sem_i, sem_d):
    c = lax.axis_index("c")
    s = lax.axis_index("s")
    coff = c * DSP
    ncht = jnp.where(c == 0, DSP, CPP - DSP)

    def set_ones(i, carry):
        ones_v[pl.ds(i * 16, 16)] = jnp.ones((16,), jnp.float32)
        return carry
    lax.fori_loop(0, 128 // 16, set_ones, 0)

    def set_zero(i, carry):
        zbuf_v[pl.ds(i * 16, 16)] = jnp.zeros((16,), jnp.float32)
        return carry
    lax.fori_loop(0, 640 // 16, set_zero, 0)
    pltpu.sync_copy(zbuf_v.at[pl.ds(0, RPT)], deg_sh.at[pl.ds(s * RPT, RPT)])
    plsc.subcore_barrier()

    def idx_copy(g, j):
        return pltpu.make_async_copy(dst_hbm.at[s, coff + g], idx_v[j],
                                     sem_i[j])

    def scat_copy(j):
        return pltpu.make_async_copy(ones_v.at[pl.ds(0, CH)],
                                     deg_sh.at[idx_v[j]], sem_d[j])

    def step(t, carry):
        for r in range(NSL):
            g = 3 * t + r
            j0 = r
            j1 = (r - 1) % NSL
            j2 = (r - 2) % NSL

            @pl.when(jnp.logical_and(g >= 2, g < ncht + 2))
            def _():
                scat_copy(j2).wait()

            @pl.when(g < ncht)
            def _():
                idx_copy(g, j0).start()

            @pl.when(jnp.logical_and(g >= 1, g < ncht + 1))
            def _():
                idx_copy(g - 1, j1).wait()
                pltpu.async_copy(ones_v.at[pl.ds(0, CH)],
                                 deg_sh.at[idx_v[j1]], sem_d[j1], add=True)
        return carry
    lax.fori_loop(0, NTD, step, 0)

    plsc.subcore_barrier()
    pltpu.sync_copy(deg_sh.at[pl.ds(s * RPT, RPT)],
                    out_hbm.at[pl.ds(c * NP + s * RPT, RPT)])


@functools.partial(
    pl.kernel,
    out_type=jax.ShapeDtypeStruct((NC * NP, D), jnp.float32),
    mesh=_mesh,
    scratch_types=[
        [pltpu.VMEM((CH,), jnp.int32) for _ in range(NSL)],
        [pltpu.VMEM((CH,), jnp.int32) for _ in range(NSL)],
        [pltpu.VMEM((CH, D), jnp.float32) for _ in range(NSL)],
        pltpu.VMEM_SHARED((NP, D), jnp.float32),
        [pltpu.SemaphoreType.DMA for _ in range(NSL)],
        [pltpu.SemaphoreType.DMA for _ in range(NSL)],
        [pltpu.SemaphoreType.DMA for _ in range(NSL)],
    ],
)
def _sc_agg(src_hbm, dst_hbm, g_hbm, out_hbm,
            src_v, dst_v, rows, acc_sh, sem_i, sem_g, sem_s):
    c = lax.axis_index("c")
    s = lax.axis_index("s")
    coff = c * NCH0
    ncht = jnp.where(c == 0, NCH0, NCH1)

    def zrow(i, carry):
        def zcol(j, carry2):
            rows[0][i, pl.ds(j * 16, 16)] = jnp.zeros((16,), jnp.float32)
            return carry2
        lax.fori_loop(0, D // 16, zcol, 0)
        return carry
    lax.fori_loop(0, ZCP, zrow, 0)

    def zcopy(k, carry):
        pltpu.sync_copy(rows[0].at[pl.ds(0, ZCP)],
                        acc_sh.at[pl.ds(s * RPT + k * ZCP, ZCP)])
        return carry
    lax.fori_loop(0, RPT // ZCP, zcopy, 0)
    plsc.subcore_barrier()

    def idx_copies(g, j):
        return (pltpu.make_async_copy(src_hbm.at[s, coff + g], src_v[j],
                                      sem_i[j]),
                pltpu.make_async_copy(dst_hbm.at[s, coff + g], dst_v[j],
                                      sem_i[j]))

    def gather_copy(j):
        return pltpu.make_async_copy(g_hbm.at[src_v[j]], rows[j], sem_g[j])

    def scatter_copy(j):
        return pltpu.make_async_copy(rows[j], acc_sh.at[dst_v[j]], sem_s[j])

    def step(t, carry):
        for r in range(NSL):
            g = 3 * t + r
            j0 = r
            j1 = (r - 1) % NSL
            j2 = (r - 2) % NSL

            @pl.when(jnp.logical_and(g >= 3, g < ncht + 3))
            def _():
                scatter_copy(j0).wait()

            @pl.when(g < ncht)
            def _():
                ic1, ic2 = idx_copies(g, j0)
                ic1.start()
                ic2.start()

            @pl.when(jnp.logical_and(g >= 1, g < ncht + 1))
            def _():
                ic1, ic2 = idx_copies(g - 1, j1)
                ic1.wait()
                ic2.wait()
                gather_copy(j1).start()

            @pl.when(jnp.logical_and(g >= 2, g < ncht + 2))
            def _():
                gather_copy(j2).wait()
                pltpu.async_copy(rows[j2], acc_sh.at[dst_v[j2]],
                                 sem_s[j2], add=True)
        return carry
    lax.fori_loop(0, NT, step, 0)

    plsc.subcore_barrier()

    def dump(k, carry):
        r = s * RPT + k * ZCP
        pltpu.sync_copy(acc_sh.at[pl.ds(r, ZCP)],
                        out_hbm.at[pl.ds(c * NP + r, ZCP)])
        return carry
    lax.fori_loop(0, RPT // ZCP, dump, 0)


def _tc_mm_body(x_ref, w_ref, h_ref):
    h_ref[...] = jnp.dot(x_ref[...], w_ref[...],
                         preferred_element_type=jnp.float32)


def _tc_dinv_g_body(degp_ref, h_ref, dinv_ref, g_ref):
    deg = degp_ref[0] + degp_ref[1] + 1.0
    dinv = lax.rsqrt(deg)
    dinv_ref[...] = dinv
    g_ref[...] = dinv * h_ref[...]


def _tc_mid_body(acc_ref, g_ref, dinv_ref, b_ref, w_ref, g2_ref):
    t = dinv_ref[...] * (acc_ref[0] + acc_ref[1] + g_ref[...]) + b_ref[...]
    h = jnp.maximum(t, 0.0)
    g2_ref[...] = dinv_ref[...] * jnp.dot(h, w_ref[...],
                                          preferred_element_type=jnp.float32)


def _tc_fin_body(acc_ref, g_ref, dinv_ref, b_ref, z_ref):
    z_ref[...] = (dinv_ref[...] * (acc_ref[0] + acc_ref[1] + g_ref[...])
                  + b_ref[...])


_tc_mm = pl.pallas_call(
    _tc_mm_body, out_shape=jax.ShapeDtypeStruct((NP, D), jnp.float32))
_tc_dinv_g = pl.pallas_call(
    _tc_dinv_g_body,
    out_shape=(jax.ShapeDtypeStruct((NP, 1), jnp.float32),
               jax.ShapeDtypeStruct((NP, D), jnp.float32)))
_tc_mid = pl.pallas_call(
    _tc_mid_body, out_shape=jax.ShapeDtypeStruct((NP, D), jnp.float32))
_tc_fin = pl.pallas_call(
    _tc_fin_body, out_shape=jax.ShapeDtypeStruct((NP, D), jnp.float32))


@jax.jit
def kernel(x, edge_index, W1, b1, W2, b2):
    src = edge_index[0]
    dst = edge_index[1]
    x_pad = jnp.pad(x, ((0, NP - N), (0, 0)))
    b1r = b1.reshape(1, D)
    b2r = b2.reshape(1, D)
    pad = jnp.full((E2 - E,), N, dtype=src.dtype)
    srcp = jnp.concatenate([src, pad]).reshape(NS, CPP, CH)
    dstp = jnp.concatenate([dst, pad]).reshape(NS, CPP, CH)

    degp = _sc_deg(dstp).reshape(NC, NP, 1)
    h1 = _tc_mm(x_pad, W1)
    dinv, g1 = _tc_dinv_g(degp, h1)
    acc1 = _sc_agg(srcp, dstp, g1).reshape(NC, NP, D)
    g2 = _tc_mid(acc1, g1, dinv, b1r, W2)
    acc2 = _sc_agg(srcp, dstp, g2).reshape(NC, NP, D)
    z = _tc_fin(acc2, g2, dinv, b2r)
    return z[:N]

# --- scband reference (transcript-rebuilt; emitter-appended) ---
"""Pipeline reference for scband-gaemodel-53730040873121 (READ-ONLY COPY).

The authoritative reference and input builder live on the scoring server;
editing this copy changes nothing except your own understanding.
"""

import jax, jax.numpy as jnp
import numpy as np

N_NODES = 10000
N_EDGES = 320000
D_IN = 128
D_HID = 128


def setup_inputs(seed: int = 0) -> dict:
    key = jax.random.key(seed)
    k1, k2, k3, k4 = jax.random.split(key, 4)
    x = jax.random.normal(k1, (N_NODES, D_IN), dtype=jnp.float32)
    edge_index = jax.random.randint(k2, (2, N_EDGES), 0, N_NODES, dtype=jnp.int32)
    # GCNConv glorot-initialized weights, zero bias (as in PyG defaults)
    s1 = np.sqrt(6.0 / (D_IN + D_HID)).astype(np.float32)
    W1 = jax.random.uniform(k3, (D_IN, D_HID), dtype=jnp.float32, minval=-s1, maxval=s1)
    b1 = jnp.zeros((D_HID,), dtype=jnp.float32)
    s2 = np.sqrt(6.0 / (D_HID + D_HID)).astype(np.float32)
    W2 = jax.random.uniform(k4, (D_HID, D_HID), dtype=jnp.float32, minval=-s2, maxval=s2)
    b2 = jnp.zeros((D_HID,), dtype=jnp.float32)
    return {"x": x, "edge_index": edge_index, "W1": W1, "b1": b1, "W2": W2, "b2": b2}


def gcn_conv(x, edge_index, W, b):
    # PyG GCNConv: add self-loops, symmetric normalization D^-1/2 (A+I) D^-1/2 X W + b
    n = x.shape[0]
    loop = jnp.arange(n, dtype=edge_index.dtype)
    src = jnp.concatenate([edge_index[0], loop])
    dst = jnp.concatenate([edge_index[1], loop])
    deg = jax.ops.segment_sum(jnp.ones_like(dst, dtype=x.dtype), dst, num_segments=n)
    dinv = jnp.where(deg > 0, jax.lax.rsqrt(deg), 0.0)
    norm = dinv[src] * dinv[dst]
    h = x @ W
    msg = h[src] * norm[:, None]
    out = jax.ops.segment_sum(msg, dst, num_segments=n)
    return out + b


def reference(x, edge_index, W1, b1, W2, b2):
    # Encoder: GCNConv -> ReLU -> GCNConv ; GAE forward returns latent z
    h = jax.nn.relu(gcn_conv(x, edge_index, W1, b1))
    z = gcn_conv(h, edge_index, W2, b2)
    return z

if __name__ == "__main__":
    import jax
    _d = setup_inputs()
    print(jax.jit(kernel)(*tuple(_d.values())))

</pallas_src>

<mosaic_0001>
#map = affine_map<(d0, d1) -> (0, 0, 0)>
#map1 = affine_map<(d0, d1) -> (0, 0)>
module attributes {stable_mosaic.version = 14 : i64} {
  func.func @_sc_agg(%arg0: i32, %arg1: i32, %arg2: memref<16x167x120xi32, #tpu.memory_space<hbm>>, %arg3: memref<16x167x120xi32, #tpu.memory_space<hbm>>, %arg4: memref<10240x128xf32, #tpu.memory_space<hbm>>, %arg5: memref<20480x128xf32, #tpu.memory_space<hbm>>, %arg6: memref<120xi32, #tpu.memory_space<vmem>>, %arg7: memref<120xi32, #tpu.memory_space<vmem>>, %arg8: memref<120xi32, #tpu.memory_space<vmem>>, %arg9: memref<120xi32, #tpu.memory_space<vmem>>, %arg10: memref<120xi32, #tpu.memory_space<vmem>>, %arg11: memref<120xi32, #tpu.memory_space<vmem>>, %arg12: memref<120x128xf32, #tpu.memory_space<vmem>>, %arg13: memref<120x128xf32, #tpu.memory_space<vmem>>, %arg14: memref<120x128xf32, #tpu.memory_space<vmem>>, %arg15: memref<10240x128xf32, #tpu.memory_space<vmem_shared>>, %arg16: memref<!tpu.dma_semaphore, #tpu.memory_space<semaphore_mem>>, %arg17: memref<!tpu.dma_semaphore, #tpu.memory_space<semaphore_mem>>, %arg18: memref<!tpu.dma_semaphore, #tpu.memory_space<semaphore_mem>>, %arg19: memref<!tpu.dma_semaphore, #tpu.memory_space<semaphore_mem>>, %arg20: memref<!tpu.dma_semaphore, #tpu.memory_space<semaphore_mem>>, %arg21: memref<!tpu.dma_semaphore, #tpu.memory_space<semaphore_mem>>, %arg22: memref<!tpu.dma_semaphore, #tpu.memory_space<semaphore_mem>>, %arg23: memref<!tpu.dma_semaphore, #tpu.memory_space<semaphore_mem>>, %arg24: memref<!tpu.dma_semaphore, #tpu.memory_space<semaphore_mem>>) attributes {dimension_semantics = [#tpu.dimension_semantics<core_parallel>, #tpu.dimension_semantics<subcore_parallel>], iteration_bounds = array<i64: 2, 16>, scalar_prefetch = 0 : i64, scratch_operands = 19 : i64, tpu.core_type = #tpu.core_type<sc_vector_subcore>, window_params = [{transform_indices = #map}, {transform_indices = #map}, {transform_indices = #map1}, {transform_indices = #map1}]} {
    %mul3A = arith.constant 103 : i32
    %mul3A_0 = arith.muli %arg0, %mul3A : i32
    %eq3A = arith.constant 0 : i32
    %eq3A_1 = arith.cmpi eq, %arg0, %eq3A : i32
    %jit3A = arith.constant 103 : i32
    %jit3A_2 = arith.constant 64 : i32
    %select_n3A = arith.select %eq3A_1, %jit3A, %jit3A_2 : i32
    %scan3A = arith.constant 0 : i32
    %scan3A_3 = arith.constant 0 : i32
    %scan3A_4 = arith.constant 80 : i32
    %scan3A_5 = arith.addi %scan3A_3, %scan3A_4 : i32
    %scan3A_6 = arith.constant 1 : i32
    scf.for %scan3A_27 = %scan3A_3 to %scan3A_5 step %scan3A_6  : i32 {
      %scan3A_28 = arith.constant 0 : i32
      %scan3A_29 = arith.constant 0 : i32
      %scan3A_30 = arith.constant 8 : i32
      %scan3A_31 = arith.addi %scan3A_29, %scan3A_30 : i32
      %scan3A_32 = arith.constant 1 : i32
      scf.for %scan3A_34 = %scan3A_29 to %scan3A_31 step %scan3A_32  : i32 {
        %broadcast_in_dim3A = arith.constant 0.000000e+00 : f32
        %broadcast_in_dim3A_35 = vector.broadcast %broadcast_in_dim3A : f32 to vector<16xf32>
        %mul3A_36 = arith.constant 16 : i32
        %mul3A_37 = arith.muli %scan3A_34, %mul3A_36 : i32
        %swap3A = arith.index_cast %scan3A_27 : i32 to index
        %swap3A_38 = arith.index_cast %mul3A_37 : i32 to index
        %swap3A_39 = tpu.vector_load %arg12[%swap3A, %swap3A_38] {strides = array<i32>} : memref<120x128xf32, #tpu.memory_space<vmem>>, vector<1x16xf32>,
        %swap3A_40 = vector.shape_cast %swap3A_39 : vector<1x16xf32> to vector<16xf32>
        %swap3A_41 = vector.shape_cast %broadcast_in_dim3A_35 : vector<16xf32> to vector<1x16xf32>
        tpu.vector_store %arg12[%swap3A, %swap3A_38], %swap3A_41 {strides = array<i32>} : memref<120x128xf32, #tpu.memory_space<vmem>>, vector<1x16xf32>,
      }
      %scan3A_33 = arith.constant 8 : i32
    }
    %scan3A_7 = arith.constant 80 : i32
    %scan3A_8 = arith.constant 0 : i32
    %scan3A_9 = arith.constant 0 : i32
    %scan3A_10 = arith.constant 8 : i32
    %scan3A_11 = arith.addi %scan3A_9, %scan3A_10 : i32
    %scan3A_12 = arith.constant 1 : i32
    scf.for %scan3A_27 = %scan3A_9 to %scan3A_11 step %scan3A_12  : i32 {
      %mul3A_28 = arith.constant 640 : i32
      %mul3A_29 = arith.muli %arg1, %mul3A_28 : i32
      %mul3A_30 = arith.constant 80 : i32
      %mul3A_31 = arith.muli %scan3A_27, %mul3A_30 : i32
      %add3A = arith.addi %mul3A_29, %mul3A_31 : i32
      "tpu.region"() ({
        %run_scoped3A = tpu.sem_alloc : memref<!tpu.dma_semaphore, #tpu.memory_space<semaphore_mem>>
        %dma_start3A = arith.constant 0 : i32
        %dma_start3A_32 = arith.constant 0 : i32
        %dma_start3A_33 = tpu.memref_slice %arg12[%dma_start3A, %dma_start3A_32] : memref<120x128xf32, #tpu.memory_space<vmem>> -> memref<80x128xf32, #tpu.memory_space<vmem>>
        %dma_start3A_34 = arith.constant 0 : i32
        %dma_start3A_35 = tpu.memref_slice %arg15[%add3A, %dma_start3A_34] : memref<10240x128xf32, #tpu.memory_space<vmem_shared>> -> memref<80x128xf32, #tpu.memory_space<vmem_shared>>
        %dma_start3A_36 = arith.constant 0 : i32
        %dma_start3A_37 = tpu.memref_slice %arg15[%add3A, %dma_start3A_36] : memref<10240x128xf32, #tpu.memory_space<vmem_shared>> -> memref<80x128xf32, #tpu.memory_space<vmem_shared>>
        %dma_start3A_38 = arith.constant 0 : i32
        %dma_start3A_39 = arith.constant 0 : i32
        %dma_start3A_40 = tpu.memref_slice %arg12[%dma_start3A_38, %dma_start3A_39] : memref<120x128xf32, #tpu.memory_space<vmem>> -> memref<80x128xf32, #tpu.memory_space<vmem>>
        tpu.enqueue_dma source(%dma_start3A_40 : memref<80x128xf32, #tpu.memory_space<vmem>>) target(%dma_start3A_37 : memref<80x128xf32, #tpu.memory_space<vmem_shared>>) target_semaphore(%run_scoped3A : memref<!tpu.dma_semaphore, #tpu.memory_space<semaphore_mem>>)
        %dma_wait3A = arith.constant 0 : i32
        %dma_wait3A_41 = arith.constant 0 : i32
        %dma_wait3A_42 = tpu.memref_slice %arg12[%dma_wait3A, %dma_wait3A_41] : memref<120x128xf32, #tpu.memory_space<vmem>> -> memref<80x128xf32, #tpu.memory_space<vmem>>
        %dma_wait3A_43 = arith.constant 0 : i32
        %dma_wait3A_44 = tpu.memref_slice %arg15[%add3A, %dma_wait3A_43] : memref<10240x128xf32, #tpu.memory_space<vmem_shared>> -> memref<80x128xf32, #tpu.memory_space<vmem_shared>>
        %dma_wait3A_45 = arith.constant 0 : i32
        %dma_wait3A_46 = tpu.memref_slice %arg15[%add3A, %dma_wait3A_45] : memref<10240x128xf32, #tpu.memory_space<vmem_shared>> -> memref<80x128xf32, #tpu.memory_space<vmem_shared>>
        %dma_wait3A_47 = arith.constant 0 : i32
        %dma_wait3A_48 = arith.constant 0 : i32
        %dma_wait3A_49 = tpu.memref_slice %arg12[%dma_wait3A_47, %dma_wait3A_48] : memref<120x128xf32, #tpu.memory_space<vmem>> -> memref<80x128xf32, #tpu.memory_space<vmem>>
        tpu.wait_dma2 semaphore(%run_scoped3A : memref<!tpu.dma_semaphore, #tpu.memory_space<semaphore_mem>>) src(%dma_wait3A_49 : memref<80x128xf32, #tpu.memory_space<vmem>>) dst(%dma_wait3A_46 : memref<80x128xf32, #tpu.memory_space<vmem_shared>>)
        tpu.yield
      }) : () -> ()
    }
    %scan3A_13 = arith.constant 8 : i32
    %barrier3A = arith.constant 0 : index
    tpu.barrier barrier_id(%barrier3A)
    %scan3A_14 = arith.constant 0 : i32
    %scan3A_15 = arith.constant 0 : i32
    %scan3A_16 = arith.constant 36 : i32
    %scan3A_17 = arith.addi %scan3A_15, %scan3A_16 : i32
    %scan3A_18 = arith.constant 1 : i32
    scf.for %scan3A_27 = %scan3A_15 to %scan3A_17 step %scan3A_18  : i32 {
      %mul3A_28 = arith.constant 3 : i32
      %mul3A_29 = arith.muli %mul3A_28, %scan3A_27 : i32
      %add3A = arith.constant 0 : i32
      %add3A_30 = arith.addi %mul3A_29, %add3A : i32
      %ge3A = arith.constant 3 : i32
      %ge3A_31 = arith.cmpi sge, %add3A_30, %ge3A : i32
      %add3A_32 = arith.constant 3 : i32
      %add3A_33 = arith.addi %select_n3A, %add3A_32 : i32
      %lt3A = arith.cmpi slt, %add3A_30, %add3A_33 : i32
      %and3A = arith.andi %ge3A_31, %lt3A : i1
      %convert_element_type3A = arith.extui %and3A : i1 to i32
      %cond3A = arith.constant 0 : i32
      %cond3A_34 = arith.cmpi ne, %convert_element_type3A, %cond3A : i32
      scf.if %cond3A_34 {
        %dma_wait3A = arith.constant 0 : i32
        %dma_wait3A_127 = arith.constant 0 : i32
        %dma_wait3A_128 = tpu.memref_slice %arg15[%dma_wait3A, %dma_wait3A_127] : memref<10240x128xf32, #tpu.memory_space<vmem_shared>> -> memref<10240x128xf32, #tpu.memory_space<vmem_shared>>
        tpu.wait_indirect_dma semaphore(%arg22 : memref<!tpu.dma_semaphore, #tpu.memory_space<semaphore_mem>>) src(%arg12 : memref<120x128xf32, #tpu.memory_space<vmem>>) dst(%dma_wait3A_128 : memref<10240x128xf32, #tpu.memory_space<vmem_shared>>)
      } else {
      }
      %lt3A_35 = arith.cmpi slt, %add3A_30, %select_n3A : i32
      %convert_element_type3A_36 = arith.extui %lt3A_35 : i1 to i32
      %cond3A_37 = arith.constant 0 : i32
      %cond3A_38 = arith.cmpi ne, %convert_element_type3A_36, %cond3A_37 : i32
      scf.if %cond3A_38 {
        %add3A_127 = arith.addi %mul3A_0, %add3A_30 : i32
        %add3A_128 = arith.addi %mul3A_0, %add3A_30 : i32
        %dma_start3A = arith.constant 0 : i32
        %dma_start3A_129 = tpu.memref_slice %arg2[%arg1, %add3A_127, %dma_start3A] : memref<16x167x120xi32, #tpu.memory_space<hbm>> -> memref<1x1x120xi32, #tpu.memory_space<hbm>>
        %dma_start3A_130 = tpu.memref_squeeze %dma_start3A_129 : memref<1x1x120xi32, #tpu.memory_space<hbm>> -> memref<120xi32, #tpu.memory_space<hbm>>
        %dma_start3A_131 = arith.constant 0 : i32
        %dma_start3A_132 = tpu.memref_slice %arg2[%arg1, %add3A_127, %dma_start3A_131] : memref<16x167x120xi32, #tpu.memory_space<hbm>> -> memref<1x1x120xi32, #tpu.memory_space<hbm>>
        %dma_start3A_133 = tpu.memref_squeeze %dma_start3A_132 : memref<1x1x120xi32, #tpu.memory_space<hbm>> -> memref<120xi32, #tpu.memory_space<hbm>>
        tpu.enqueue_dma source(%dma_start3A_133 : memref<120xi32, #tpu.memory_space<hbm>>) target(%arg6 : memref<120xi32, #tpu.memory_space<vmem>>) target_semaphore(%arg16 : memref<!tpu.dma_semaphore, #tpu.memory_space<semaphore_mem>>)
        %dma_start3A_134 = arith.constant 0 : i32
        %dma_start3A_135 = tpu.memref_slice %arg3[%arg1, %add3A_128, %dma_start3A_134] : memref<16x167x120xi32, #tpu.memory_space<hbm>> -> memref<1x1x120xi32, #tpu.memory_space<hbm>>
        %dma_start3A_136 = tpu.memref_squeeze %dma_start3A_135 : memref<1x1x120xi32, #tpu.memory_space<hbm>> -> memref<120xi32, #tpu.memory_space<hbm>>
        %dma_start3A_137 = arith.constant 0 : i32
        %dma_start3A_138 = tpu.memref_slice %arg3[%arg1, %add3A_128, %dma_start3A_137] : memref<16x167x120xi32, #tpu.memory_space<hbm>> -> memref<1x1x120xi32, #tpu.memory_space<hbm>>
        %dma_start3A_139 = tpu.memref_squeeze %dma_start3A_138 : memref<1x1x120xi32, #tpu.memory_space<hbm>> -> memref<120xi32, #tpu.memory_space<hbm>>
        tpu.enqueue_dma source(%dma_start3A_139 : memref<120xi32, #tpu.memory_space<hbm>>) target(%arg9 : memref<120xi32, #tpu.memory_space<vmem>>) target_semaphore(%arg16 : memref<!tpu.dma_semaphore, #tpu.memory_space<semaphore_mem>>)
      } else {
      }
      %ge3A_39 = arith.constant 1 : i32
      %ge3A_40 = arith.cmpi sge, %add3A_30, %ge3A_39 : i32
      %add3A_41 = arith.constant 1 : i32
      %add3A_42 = arith.addi %select_n3A, %add3A_41 : i32
      %lt3A_43 = arith.cmpi slt, %add3A_30, %add3A_42 : i32
      %and3A_44 = arith.andi %ge3A_40, %lt3A_43 : i1
      %convert_element_type3A_45 = arith.extui %and3A_44 : i1 to i32
      %cond3A_46 = arith.constant 0 : i32
      %cond3A_47 = arith.cmpi ne, %convert_element_type3A_45, %cond3A_46 : i32
      scf.if %cond3A_47 {
        %sub3A = arith.constant 1 : i32
        %sub3A_127 = arith.subi %add3A_30, %sub3A : i32
        %add3A_128 = arith.addi %mul3A_0, %sub3A_127 : i32
        %add3A_129 = arith.addi %mul3A_0, %sub3A_127 : i32
        %dma_wait3A = arith.constant 0 : i32
        %dma_wait3A_130 = tpu.memref_slice %arg2[%arg1, %add3A_128, %dma_wait3A] : memref<16x167x120xi32, #tpu.memory_space<hbm>> -> memref<1x1x120xi32, #tpu.memory_space<hbm>>
        %dma_wait3A_131 = tpu.memref_squeeze %dma_wait3A_130 : memref<1x1x120xi32, #tpu.memory_space<hbm>> -> memref<120xi32, #tpu.memory_space<hbm>>
        %dma_wait3A_132 = arith.constant 0 : i32
        %dma_wait3A_133 = tpu.memref_slice %arg2[%arg1, %add3A_128, %dma_wait3A_132] : memref<16x167x120xi32, #tpu.memory_space<hbm>> -> memref<1x1x120xi32, #tpu.memory_space<hbm>>
        %dma_wait3A_134 = tpu.memref_squeeze %dma_wait3A_133 : memref<1x1x120xi32, #tpu.memory_space<hbm>> -> memref<120xi32, #tpu.memory_space<hbm>>
        tpu.wait_dma2 semaphore(%arg18 : memref<!tpu.dma_semaphore, #tpu.memory_space<semaphore_mem>>) src(%dma_wait3A_134 : memref<120xi32, #tpu.memory_space<hbm>>) dst(%arg8 : memref<120xi32, #tpu.memory_space<vmem>>)
        %dma_wait3A_135 = arith.constant 0 : i32
        %dma_wait3A_136 = tpu.memref_slice %arg3[%arg1, %add3A_129, %dma_wait3A_135] : memref<16x167x120xi32, #tpu.memory_space<hbm>> -> memref<1x1x120xi32, #tpu.memory_space<hbm>>
        %dma_wait3A_137 = tpu.memref_squeeze %dma_wait3A_136 : memref<1x1x120xi32, #tpu.memory_space<hbm>> -> memref<120xi32, #tpu.memory_space<hbm>>
        %dma_wait3A_138 = arith.constant 0 : i32
        %dma_wait3A_139 = tpu.memref_slice %arg3[%arg1, %add3A_129, %dma_wait3A_138] : memref<16x167x120xi32, #tpu.memory_space<hbm>> -> memref<1x1x120xi32, #tpu.memory_space<hbm>>
        %dma_wait3A_140 = tpu.memref_squeeze %dma_wait3A_139 : memref<1x1x120xi32, #tpu.memory_space<hbm>> -> memref<120xi32, #tpu.memory_space<hbm>>
        tpu.wait_dma2 semaphore(%arg18 : memref<!tpu.dma_semaphore, #tpu.memory_space<semaphore_mem>>) src(%dma_wait3A_140 : memref<120xi32, #tpu.memory_space<hbm>>) dst(%arg11 : memref<120xi32, #tpu.memory_space<vmem>>)
        %dma_start3A = arith.constant 0 : i32
        %dma_start3A_141 = arith.constant 0 : i32
        %dma_start3A_142 = tpu.memref_slice %arg4[%dma_start3A, %dma_start3A_141] : memref<10240x128xf32, #tpu.memory_space<hbm>> -> memref<10240x128xf32, #tpu.memory_space<hbm>>
        tpu.enqueue_indirect_dma source(%dma_start3A_142 : memref<10240x128xf32, #tpu.memory_space<hbm>>) target(%arg14 : memref<120x128xf32, #tpu.memory_space<vmem>>) offsets(%arg8 : memref<120xi32, #tpu.memory_space<vmem>>) semaphore(%arg21 : memref<!tpu.dma_semaphore, #tpu.memory_space<semaphore_mem>>)
      } else {
      }
      %ge3A_48 = arith.constant 2 : i32
      %ge3A_49 = arith.cmpi sge, %add3A_30, %ge3A_48 : i32
      %add3A_50 = arith.constant 2 : i32
      %add3A_51 = arith.addi %select_n3A, %add3A_50 : i32
      %lt3A_52 = arith.cmpi slt, %add3A_30, %add3A_51 : i32
      %and3A_53 = arith.andi %ge3A_49, %lt3A_52 : i1
      %convert_element_type3A_54 = arith.extui %and3A_53 : i1 to i32
      %cond3A_55 = arith.constant 0 : i32
      %cond3A_56 = arith.cmpi ne, %convert_element_type3A_54, %cond3A_55 : i32
      scf.if %cond3A_56 {
        %dma_wait3A = arith.constant 0 : i32
        %dma_wait3A_127 = arith.constant 0 : i32
        %dma_wait3A_128 = tpu.memref_slice %arg4[%dma_wait3A, %dma_wait3A_127] : memref<10240x128xf32, #tpu.memory_space<hbm>> -> memref<10240x128xf32, #tpu.memory_space<hbm>>
        tpu.wait_indirect_dma semaphore(%arg20 : memref<!tpu.dma_semaphore, #tpu.memory_space<semaphore_mem>>) src(%dma_wait3A_128 : memref<10240x128xf32, #tpu.memory_space<hbm>>) dst(%arg13 : memref<120x128xf32, #tpu.memory_space<vmem>>)
        %dma_start3A = arith.constant 0 : i32
        %dma_start3A_129 = arith.constant 0 : i32
        %dma_start3A_130 = tpu.memref_slice %arg15[%dma_start3A, %dma_start3A_129] : memref<10240x128xf32, #tpu.memory_space<vmem_shared>> -> memref<10240x128xf32, #tpu.memory_space<vmem_shared>>
        tpu.enqueue_indirect_dma source(%arg13 : memref<120x128xf32, #tpu.memory_space<vmem>>) target(%dma_start3A_130 : memref<10240x128xf32, #tpu.memory_space<vmem_shared>>) offsets(%arg10 : memref<120xi32, #tpu.memory_space<vmem>>) semaphore(%arg23 : memref<!tpu.dma_semaphore, #tpu.memory_space<semaphore_mem>>) {add = true}
      } else {
      }
      %mul3A_57 = arith.constant 3 : i32
      %mul3A_58 = arith.muli %mul3A_57, %scan3A_27 : i32
      %add3A_59 = arith.constant 1 : i32
      %add3A_60 = arith.addi %mul3A_58, %add3A_59 : i32
      %ge3A_61 = arith.constant 3 : i32
      %ge3A_62 = arith.cmpi sge, %add3A_60, %ge3A_61 : i32
      %add3A_63 = arith.constant 3 : i32
      %add3A_64 = arith.addi %select_n3A, %add3A_63 : i32
      %lt3A_65 = arith.cmpi slt, %add3A_60, %add3A_64 : i32
      %and3A_66 = arith.andi %ge3A_62, %lt3A_65 : i1
      %convert_element_type3A_67 = arith.extui %and3A_66 : i1 to i32
      %cond3A_68 = arith.constant 0 : i32
      %cond3A_69 = arith.cmpi ne, %convert_element_type3A_67, %cond3A_68 : i32
      scf.if %cond3A_69 {
        %dma_wait3A = arith.constant 0 : i32
        %dma_wait3A_127 = arith.constant 0 : i32
        %dma_wait3A_128 = tpu.memref_slice %arg15[%dma_wait3A, %dma_wait3A_127] : memref<10240x128xf32, #tpu.memory_space<vmem_shared>> -> memref<10240x128xf32, #tpu.memory_space<vmem_shared>>
        tpu.wait_indirect_dma semaphore(%arg23 : memref<!tpu.dma_semaphore, #tpu.memory_space<semaphore_mem>>) src(%arg13 : memref<120x128xf32, #tpu.memory_space<vmem>>) dst(%dma_wait3A_128 : memref<10240x128xf32, #tpu.memory_space<vmem_shared>>)
      } else {
      }
      %lt3A_70 = arith.cmpi slt, %add3A_60, %select_n3A : i32
      %convert_element_type3A_71 = arith.extui %lt3A_70 : i1 to i32
      %cond3A_72 = arith.constant 0 : i32
      %cond3A_73 = arith.cmpi ne, %convert_element_type3A_71, %cond3A_72 : i32
      scf.if %cond3A_73 {
        %add3A_127 = arith.addi %mul3A_0, %add3A_60 : i32
        %add3A_128 = arith.addi %mul3A_0, %add3A_60 : i32
        %dma_start3A = arith.constant 0 : i32
        %dma_start3A_129 = tpu.memref_slice %arg2[%arg1, %add3A_127, %dma_start3A] : memref<16x167x120xi32, #tpu.memory_space<hbm>> -> memref<1x1x120xi32, #tpu.memory_space<hbm>>
        %dma_start3A_130 = tpu.memref_squeeze %dma_start3A_129 : memref<1x1x120xi32, #tpu.memory_space<hbm>> -> memref<120xi32, #tpu.memory_space<hbm>>
        %dma_start3A_131 = arith.constant 0 : i32
        %dma_start3A_132 = tpu.memref_slice %arg2[%arg1, %add3A_127, %dma_start3A_131] : memref<16x167x120xi32, #tpu.memory_space<hbm>> -> memref<1x1x120xi32, #tpu.memory_space<hbm>>
        %dma_start3A_133 = tpu.memref_squeeze %dma_start3A_132 : memref<1x1x120xi32, #tpu.memory_space<hbm>> -> memref<120xi32, #tpu.memory_space<hbm>>
        tpu.enqueue_dma source(%dma_start3A_133 : memref<120xi32, #tpu.memory_space<hbm>>) target(%arg7 : memref<120xi32, #tpu.memory_space<vmem>>) target_semaphore(%arg17 : memref<!tpu.dma_semaphore, #tpu.memory_space<semaphore_mem>>)
        %dma_start3A_134 = arith.constant 0 : i32
        %dma_start3A_135 = tpu.memref_slice %arg3[%arg1, %add3A_128, %dma_start3A_134] : memref<16x167x120xi32, #tpu.memory_space<hbm>> -> memref<1x1x120xi32, #tpu.memory_space<hbm>>
        %dma_start3A_136 = tpu.memref_squeeze %dma_start3A_135 : memref<1x1x120xi32, #tpu.memory_space<hbm>> -> memref<120xi32, #tpu.memory_space<hbm>>
        %dma_start3A_137 = arith.constant 0 : i32
        %dma_start3A_138 = tpu.memref_slice %arg3[%arg1, %add3A_128, %dma_start3A_137] : memref<16x167x120xi32, #tpu.memory_space<hbm>> -> memref<1x1x120xi32, #tpu.memory_space<hbm>>
        %dma_start3A_139 = tpu.memref_squeeze %dma_start3A_138 : memref<1x1x120xi32, #tpu.memory_space<hbm>> -> memref<120xi32, #tpu.memory_space<hbm>>
        tpu.enqueue_dma source(%dma_start3A_139 : memref<120xi32, #tpu.memory_space<hbm>>) target(%arg10 : memref<120xi32, #tpu.memory_space<vmem>>) target_semaphore(%arg17 : memref<!tpu.dma_semaphore, #tpu.memory_space<semaphore_mem>>)
      } else {
      }
      %ge3A_74 = arith.constant 1 : i32
      %ge3A_75 = arith.cmpi sge, %add3A_60, %ge3A_74 : i32
      %add3A_76 = arith.constant 1 : i32
      %add3A_77 = arith.addi %select_n3A, %add3A_76 : i32
      %lt3A_78 = arith.cmpi slt, %add3A_60, %add3A_77 : i32
      %and3A_79 = arith.andi %ge3A_75, %lt3A_78 : i1
      %convert_element_type3A_80 = arith.extui %and3A_79 : i1 to i32
      %cond3A_81 = arith.constant 0 : i32
      %cond3A_82 = arith.cmpi ne, %convert_element_type3A_80, %cond3A_81 : i32
      scf.if %cond3A_82 {
        %sub3A = arith.constant 1 : i32
        %sub3A_127 = arith.subi %add3A_60, %sub3A : i32
        %add3A_128 = arith.addi %mul3A_0, %sub3A_127 : i32
        %add3A_129 = arith.addi %mul3A_0, %sub3A_127 : i32
        %dma_wait3A = arith.constant 0 : i32
        %dma_wait3A_130 = tpu.memref_slice %arg2[%arg1, %add3A_128, %dma_wait3A] : memref<16x167x120xi32, #tpu.memory_space<hbm>> -> memref<1x1x120xi32, #tpu.memory_space<hbm>>
        %dma_wait3A_131 = tpu.memref_squeeze %dma_wait3A_130 : memref<1x1x120xi32, #tpu.memory_space<hbm>> -> memref<120xi32, #tpu.memory_space<hbm>>
        %dma_wait3A_132 = arith.constant 0 : i32
        %dma_wait3A_133 = tpu.memref_slice %arg2[%arg1, %add3A_128, %dma_wait3A_132] : memref<16x167x120xi32, #tpu.memory_space<hbm>> -> memref<1x1x120xi32, #tpu.memory_space<hbm>>
        %dma_wait3A_134 = tpu.memref_squeeze %dma_wait3A_133 : memref<1x1x120xi32, #tpu.memory_space<hbm>> -> memref<120xi32, #tpu.memory_space<hbm>>
        tpu.wait_dma2 semaphore(%arg16 : memref<!tpu.dma_semaphore, #tpu.memory_space<semaphore_mem>>) src(%dma_wait3A_134 : memref<120xi32, #tpu.memory_space<hbm>>) dst(%arg6 : memref<120xi32, #tpu.memory_space<vmem>>)
        %dma_wait3A_135 = arith.constant 0 : i32
        %dma_wait3A_136 = tpu.memref_slice %arg3[%arg1, %add3A_129, %dma_wait3A_135] : memref<16x167x120xi32, #tpu.memory_space<hbm>> -> memref<1x1x120xi32, #tpu.memory_space<hbm>>
        %dma_wait3A_137 = tpu.memref_squeeze %dma_wait3A_136 : memref<1x1x120xi32, #tpu.memory_space<hbm>> -> memref<120xi32, #tpu.memory_space<hbm>>
        %dma_wait3A_138 = arith.constant 0 : i32
        %dma_wait3A_139 = tpu.memref_slice %arg3[%arg1, %add3A_129, %dma_wait3A_138] : memref<16x167x120xi32, #tpu.memory_space<hbm>> -> memref<1x1x120xi32, #tpu.memory_space<hbm>>
        %dma_wait3A_140 = tpu.memref_squeeze %dma_wait3A_139 : memref<1x1x120xi32, #tpu.memory_space<hbm>> -> memref<120xi32, #tpu.memory_space<hbm>>
        tpu.wait_dma2 semaphore(%arg16 : memref<!tpu.dma_semaphore, #tpu.memory_space<semaphore_mem>>) src(%dma_wait3A_140 : memref<120xi32, #tpu.memory_space<hbm>>) dst(%arg9 : memref<120xi32, #tpu.memory_space<vmem>>)
        %dma_start3A = arith.constant 0 : i32
        %dma_start3A_141 = arith.constant 0 : i32
        %dma_start3A_142 = tpu.memref_slice %arg4[%dma_start3A, %dma_start3A_141] : memref<10240x128xf32, #tpu.memory_space<hbm>> -> memref<10240x128xf32, #tpu.memory_space<hbm>>
        tpu.enqueue_indirect_dma source(%dma_start3A_142 : memref<10240x128xf32, #tpu.memory_space<hbm>>) target(%arg12 : memref<120x128xf32, #tpu.memory_space<vmem>>) offsets(%arg6 : memref<120xi32, #tpu.memory_space<vmem>>) semaphore(%arg19 : memref<!tpu.dma_semaphore, #tpu.memory_space<semaphore_mem>>)
      } else {
      }
      %ge3A_83 = arith.constant 2 : i32
      %ge3A_84 = arith.cmpi sge, %add3A_60, %ge3A_83 : i32
      %add3A_85 = arith.constant 2 : i32
      %add3A_86 = arith.addi %select_n3A, %add3A_85 : i32
      %lt3A_87 = arith.cmpi slt, %add3A_60, %add3A_86 : i32
      %and3A_88 = arith.andi %ge3A_84, %lt3A_87 : i1
      %convert_element_type3A_89 = arith.extui %and3A_88 : i1 to i32
      %cond3A_90 = arith.constant 0 : i32
      %cond3A_91 = arith.cmpi ne, %convert_element_type3A_89, %cond3A_90 : i32
      scf.if %cond3A_91 {
        %dma_wait3A = arith.constant 0 : i32
        %dma_wait3A_127 = arith.constant 0 : i32
        %dma_wait3A_128 = tpu.memref_slice %arg4[%dma_wait3A, %dma_wait3A_127] : memref<10240x128xf32, #tpu.memory_space<hbm>> -> memref<10240x128xf32, #tpu.memory_space<hbm>>
        tpu.wait_indirect_dma semaphore(%arg21 : memref<!tpu.dma_semaphore, #tpu.memory_space<semaphore_mem>>) src(%dma_wait3A_128 : memref<10240x128xf32, #tpu.memory_space<hbm>>) dst(%arg14 : memref<120x128xf32, #tpu.memory_space<vmem>>)
        %dma_start3A = arith.constant 0 : i32
        %dma_start3A_129 = arith.constant 0 : i32
        %dma_start3A_130 = tpu.memref_slice %arg15[%dma_start3A, %dma_start3A_129] : memref<10240x128xf32, #tpu.memory_space<vmem_shared>> -> memref<10240x128xf32, #tpu.memory_space<vmem_shared>>
        tpu.enqueue_indirect_dma source(%arg14 : memref<120x128xf32, #tpu.memory_space<vmem>>) target(%dma_start3A_130 : memref<10240x128xf32, #tpu.memory_space<vmem_shared>>) offsets(%arg11 : memref<120xi32, #tpu.memory_space<vmem>>) semaphore(%arg24 : memref<!tpu.dma_semaphore, #tpu.memory_space<semaphore_mem>>) {add = true}
      } else {
      }
      %mul3A_92 = arith.constant 3 : i32
      %mul3A_93 = arith.muli %mul3A_92, %scan3A_27 : i32
      %add3A_94 = arith.constant 2 : i32
      %add3A_95 = arith.addi %mul3A_93, %add3A_94 : i32
      %ge3A_96 = arith.constant 3 : i32
      %ge3A_97 = arith.cmpi sge, %add3A_95, %ge3A_96 : i32
      %add3A_98 = arith.constant 3 : i32
      %add3A_99 = arith.addi %select_n3A, %add3A_98 : i32
      %lt3A_100 = arith.cmpi slt, %add3A_95, %add3A_99 : i32
      %and3A_101 = arith.andi %ge3A_97, %lt3A_100 : i1
      %convert_element_type3A_102 = arith.extui %and3A_101 : i1 to i32
      %cond3A_103 = arith.constant 0 : i32
      %cond3A_104 = arith.cmpi ne, %convert_element_type3A_102, %cond3A_103 : i32
      scf.if %cond3A_104 {
        %dma_wait3A = arith.constant 0 : i32
        %dma_wait3A_127 = arith.constant 0 : i32
        %dma_wait3A_128 = tpu.memref_slice %arg15[%dma_wait3A, %dma_wait3A_127] : memref<10240x128xf32, #tpu.memory_space<vmem_shared>> -> memref<10240x128xf32, #tpu.memory_space<vmem_shared>>
        tpu.wait_indirect_dma semaphore(%arg24 : memref<!tpu.dma_semaphore, #tpu.memory_space<semaphore_mem>>) src(%arg14 : memref<120x128xf32, #tpu.memory_space<vmem>>) dst(%dma_wait3A_128 : memref<10240x128xf32, #tpu.memory_space<vmem_shared>>)
      } else {
      }
      %lt3A_105 = arith.cmpi slt, %add3A_95, %select_n3A : i32
      %convert_element_type3A_106 = arith.extui %lt3A_105 : i1 to i32
      %cond3A_107 = arith.constant 0 : i32
      %cond3A_108 = arith.cmpi ne, %convert_element_type3A_106, %cond3A_107 : i32
      scf.if %cond3A_108 {
        %add3A_127 = arith.addi %mul3A_0, %add3A_95 : i32
        %add3A_128 = arith.addi %mul3A_0, %add3A_95 : i32
        %dma_start3A = arith.constant 0 : i32
        %dma_start3A_129 = tpu.memref_slice %arg2[%arg1, %add3A_127, %dma_start3A] : memref<16x167x120xi32, #tpu.memory_space<hbm>> -> memref<1x1x120xi32, #tpu.memory_space<hbm>>
        %dma_start3A_130 = tpu.memref_squeeze %dma_start3A_129 : memref<1x1x120xi32, #tpu.memory_space<hbm>> -> memref<120xi32, #tpu.memory_space<hbm>>
        %dma_start3A_131 = arith.constant 0 : i32
        %dma_start3A_132 = tpu.memref_slice %arg2[%arg1, %add3A_127, %dma_start3A_131] : memref<16x167x120xi32, #tpu.memory_space<hbm>> -> memref<1x1x120xi32, #tpu.memory_space<hbm>>
        %dma_start3A_133 = tpu.memref_squeeze %dma_start3A_132 : memref<1x1x120xi32, #tpu.memory_space<hbm>> -> memref<120xi32, #tpu.memory_space<hbm>>
        tpu.enqueue_dma source(%dma_start3A_133 : memref<120xi32, #tpu.memory_space<hbm>>) target(%arg8 : memref<120xi32, #tpu.memory_space<vmem>>) target_semaphore(%arg18 : memref<!tpu.dma_semaphore, #tpu.memory_space<semaphore_mem>>)
        %dma_start3A_134 = arith.constant 0 : i32
        %dma_start3A_135 = tpu.memref_slice %arg3[%arg1, %add3A_128, %dma_start3A_134] : memref<16x167x120xi32, #tpu.memory_space<hbm>> -> memref<1x1x120xi32, #tpu.memory_space<hbm>>
        %dma_start3A_136 = tpu.memref_squeeze %dma_start3A_135 : memref<1x1x120xi32, #tpu.memory_space<hbm>> -> memref<120xi32, #tpu.memory_space<hbm>>
        %dma_start3A_137 = arith.constant 0 : i32
        %dma_start3A_138 = tpu.memref_slice %arg3[%arg1, %add3A_128, %dma_start3A_137] : memref<16x167x120xi32, #tpu.memory_space<hbm>> -> memref<1x1x120xi32, #tpu.memory_space<hbm>>
        %dma_start3A_139 = tpu.memref_squeeze %dma_start3A_138 : memref<1x1x120xi32, #tpu.memory_space<hbm>> -> memref<120xi32, #tpu.memory_space<hbm>>
        tpu.enqueue_dma source(%dma_start3A_139 : memref<120xi32, #tpu.memory_space<hbm>>) target(%arg11 : memref<120xi32, #tpu.memory_space<vmem>>) target_semaphore(%arg18 : memref<!tpu.dma_semaphore, #tpu.memory_space<semaphore_mem>>)
      } else {
      }
      %ge3A_109 = arith.constant 1 : i32
      %ge3A_110 = arith.cmpi sge, %add3A_95, %ge3A_109 : i32
      %add3A_111 = arith.constant 1 : i32
      %add3A_112 = arith.addi %select_n3A, %add3A_111 : i32
      %lt3A_113 = arith.cmpi slt, %add3A_95, %add3A_112 : i32
      %and3A_114 = arith.andi %ge3A_110, %lt3A_113 : i1
      %convert_element_type3A_115 = arith.extui %and3A_114 : i1 to i32
      %cond3A_116 = arith.constant 0 : i32
      %cond3A_117 = arith.cmpi ne, %convert_element_type3A_115, %cond3A_116 : i32
      scf.if %cond3A_117 {
        %sub3A = arith.constant 1 : i32
        %sub3A_127 = arith.subi %add3A_95, %sub3A : i32
        %add3A_128 = arith.addi %mul3A_0, %sub3A_127 : i32
        %add3A_129 = arith.addi %mul3A_0, %sub3A_127 : i32
        %dma_wait3A = arith.constant 0 : i32
        %dma_wait3A_130 = tpu.memref_slice %arg2[%arg1, %add3A_128, %dma_wait3A] : memref<16x167x120xi32, #tpu.memory_space<hbm>> -> memref<1x1x120xi32, #tpu.memory_space<hbm>>
        %dma_wait3A_131 = tpu.memref_squeeze %dma_wait3A_130 : memref<1x1x120xi32, #tpu.memory_space<hbm>> -> memref<120xi32, #tpu.memory_space<hbm>>
        %dma_wait3A_132 = arith.constant 0 : i32
        %dma_wait3A_133 = tpu.memref_slice %arg2[%arg1, %add3A_128, %dma_wait3A_132] : memref<16x167x120xi32, #tpu.memory_space<hbm>> -> memref<1x1x120xi32, #tpu.memory_space<hbm>>
        %dma_wait3A_134 = tpu.memref_squeeze %dma_wait3A_133 : memref<1x1x120xi32, #tpu.memory_space<hbm>> -> memref<120xi32, #tpu.memory_space<hbm>>
        tpu.wait_dma2 semaphore(%arg17 : memref<!tpu.dma_semaphore, #tpu.memory_space<semaphore_mem>>) src(%dma_wait3A_134 : memref<120xi32, #tpu.memory_space<hbm>>) dst(%arg7 : memref<120xi32, #tpu.memory_space<vmem>>)
        %dma_wait3A_135 = arith.constant 0 : i32
        %dma_wait3A_136 = tpu.memref_slice %arg3[%arg1, %add3A_129, %dma_wait3A_135] : memref<16x167x120xi32, #tpu.memory_space<hbm>> -> memref<1x1x120xi32, #tpu.memory_space<hbm>>
        %dma_wait3A_137 = tpu.memref_squeeze %dma_wait3A_136 : memref<1x1x120xi32, #tpu.memory_space<hbm>> -> memref<120xi32, #tpu.memory_space<hbm>>
        %dma_wait3A_138 = arith.constant 0 : i32
        %dma_wait3A_139 = tpu.memref_slice %arg3[%arg1, %add3A_129, %dma_wait3A_138] : memref<16x167x120xi32, #tpu.memory_space<hbm>> -> memref<1x1x120xi32, #tpu.memory_space<hbm>>
        %dma_wait3A_140 = tpu.memref_squeeze %dma_wait3A_139 : memref<1x1x120xi32, #tpu.memory_space<hbm>> -> memref<120xi32, #tpu.memory_space<hbm>>
        tpu.wait_dma2 semaphore(%arg17 : memref<!tpu.dma_semaphore, #tpu.memory_space<semaphore_mem>>) src(%dma_wait3A_140 : memref<120xi32, #tpu.memory_space<hbm>>) dst(%arg10 : memref<120xi32, #tpu.memory_space<vmem>>)
        %dma_start3A = arith.constant 0 : i32
        %dma_start3A_141 = arith.constant 0 : i32
        %dma_start3A_142 = tpu.memref_slice %arg4[%dma_start3A, %dma_start3A_141] : memref<10240x128xf32, #tpu.memory_space<hbm>> -> memref<10240x128xf32, #tpu.memory_space<hbm>>
        tpu.enqueue_indirect_dma source(%dma_start3A_142 : memref<10240x128xf32, #tpu.memory_space<hbm>>) target(%arg13 : memref<120x128xf32, #tpu.memory_space<vmem>>) offsets(%arg7 : memref<120xi32, #tpu.memory_space<vmem>>) semaphore(%arg20 : memref<!tpu.dma_semaphore, #tpu.memory_space<semaphore_mem>>)
      } else {
      }
      %ge3A_118 = arith.constant 2 : i32
      %ge3A_119 = arith.cmpi sge, %add3A_95, %ge3A_118 : i32
      %add3A_120 = arith.constant 2 : i32
      %add3A_121 = arith.addi %select_n3A, %add3A_120 : i32
      %lt3A_122 = arith.cmpi slt, %add3A_95, %add3A_121 : i32
      %and3A_123 = arith.andi %ge3A_119, %lt3A_122 : i1
      %convert_element_type3A_124 = arith.extui %and3A_123 : i1 to i32
      %cond3A_125 = arith.constant 0 : i32
      %cond3A_126 = arith.cmpi ne, %convert_element_type3A_124, %cond3A_125 : i32
      scf.if %cond3A_126 {
        %dma_wait3A = arith.constant 0 : i32
        %dma_wait3A_127 = arith.constant 0 : i32
        %dma_wait3A_128 = tpu.memref_slice %arg4[%dma_wait3A, %dma_wait3A_127] : memref<10240x128xf32, #tpu.memory_space<hbm>> -> memref<10240x128xf32, #tpu.memory_space<hbm>>
        tpu.wait_indirect_dma semaphore(%arg19 : memref<!tpu.dma_semaphore, #tpu.memory_space<semaphore_mem>>) src(%dma_wait3A_128 : memref<10240x128xf32, #tpu.memory_space<hbm>>) dst(%arg12 : memref<120x128xf32, #tpu.memory_space<vmem>>)
        %dma_start3A = arith.constant 0 : i32
        %dma_start3A_129 = arith.constant 0 : i32
        %dma_start3A_130 = tpu.memref_slice %arg15[%dma_start3A, %dma_start3A_129] : memref<10240x128xf32, #tpu.memory_space<vmem_shared>> -> memref<10240x128xf32, #tpu.memory_space<vmem_shared>>
        tpu.enqueue_indirect_dma source(%arg12 : memref<120x128xf32, #tpu.memory_space<vmem>>) target(%dma_start3A_130 : memref<10240x128xf32, #tpu.memory_space<vmem_shared>>) offsets(%arg9 : memref<120xi32, #tpu.memory_space<vmem>>) semaphore(%arg22 : memref<!tpu.dma_semaphore, #tpu.memory_space<semaphore_mem>>) {add = true}
      } else {
      }
    }
    %scan3A_19 = arith.constant 36 : i32
    %barrier3A_20 = arith.constant 0 : index
    tpu.barrier barrier_id(%barrier3A_20)
    %scan3A_21 = arith.constant 0 : i32
    %scan3A_22 = arith.constant 0 : i32
    %scan3A_23 = arith.constant 8 : i32
    %scan3A_24 = arith.addi %scan3A_22, %scan3A_23 : i32
    %scan3A_25 = arith.constant 1 : i32
    scf.for %scan3A_27 = %scan3A_22 to %scan3A_24 step %scan3A_25  : i32 {
      %mul3A_28 = arith.constant 640 : i32
      %mul3A_29 = arith.muli %arg1, %mul3A_28 : i32
      %mul3A_30 = arith.constant 80 : i32
      %mul3A_31 = arith.muli %scan3A_27, %mul3A_30 : i32
      %add3A = arith.addi %mul3A_29, %mul3A_31 : i32
      %mul3A_32 = arith.constant 10240 : i32
      %mul3A_33 = arith.muli %arg0, %mul3A_32 : i32
      %add3A_34 = arith.addi %mul3A_33, %add3A : i32
      "tpu.region"() ({
        %run_scoped3A = tpu.sem_alloc : memref<!tpu.dma_semaphore, #tpu.memory_space<semaphore_mem>>
        %dma_start3A = arith.constant 0 : i32
        %dma_start3A_35 = tpu.memref_slice %arg5[%add3A_34, %dma_start3A] : memref<20480x128xf32, #tpu.memory_space<hbm>> -> memref<80x128xf32, #tpu.memory_space<hbm>>
        %dma_start3A_36 = arith.constant 0 : i32
        %dma_start3A_37 = tpu.memref_slice %arg15[%add3A, %dma_start3A_36] : memref<10240x128xf32, #tpu.memory_space<vmem_shared>> -> memref<80x128xf32, #tpu.memory_space<vmem_shared>>
        tpu.enqueue_dma source(%dma_start3A_37 : memref<80x128xf32, #tpu.memory_space<vmem_shared>>) target(%dma_start3A_35 : memref<80x128xf32, #tpu.memory_space<hbm>>) target_semaphore(%run_scoped3A : memref<!tpu.dma_semaphore, #tpu.memory_space<semaphore_mem>>)
        %dma_wait3A = arith.constant 0 : i32
        %dma_wait3A_38 = tpu.memref_slice %arg5[%add3A_34, %dma_wait3A] : memref<20480x128xf32, #tpu.memory_space<hbm>> -> memref<80x128xf32, #tpu.memory_space<hbm>>
        %dma_wait3A_39 = arith.constant 0 : i32
        %dma_wait3A_40 = tpu.memref_slice %arg15[%add3A, %dma_wait3A_39] : memref<10240x128xf32, #tpu.memory_space<vmem_shared>> -> memref<80x128xf32, #tpu.memory_space<vmem_shared>>
        tpu.wait_dma2 semaphore(%run_scoped3A : memref<!tpu.dma_semaphore, #tpu.memory_space<semaphore_mem>>) src(%dma_wait3A_40 : memref<80x128xf32, #tpu.memory_space<vmem_shared>>) dst(%dma_wait3A_38 : memref<80x128xf32, #tpu.memory_space<hbm>>)
        tpu.yield
      }) : () -> ()
    }
    %scan3A_26 = arith.constant 8 : i32
    return
  }
}

#map = affine_map<(d0, d1) -> (0, 0, 0)>
#map1 = affine_map<(d0, d1) -> (0)>
module attributes {stable_mosaic.version = 14 : i64} {
  func.func @_sc_deg(%arg0: i32, %arg1: i32, %arg2: memref<16x167x120xi32, #tpu.memory_space<hbm>>, %arg3: memref<20480xf32, #tpu.memory_space<hbm>>, %arg4: memref<120xi32, #tpu.memory_space<vmem>>, %arg5: memref<120xi32, #tpu.memory_space<vmem>>, %arg6: memref<120xi32, #tpu.memory_space<vmem>>, %arg7: memref<128xf32, #tpu.memory_space<vmem>>, %arg8: memref<640xf32, #tpu.memory_space<vmem>>, %arg9: memref<10240xf32, #tpu.memory_space<vmem_shared>>, %arg10: memref<!tpu.dma_semaphore, #tpu.memory_space<semaphore_mem>>, %arg11: memref<!tpu.dma_semaphore, #tpu.memory_space<semaphore_mem>>, %arg12: memref<!tpu.dma_semaphore, #tpu.memory_space<semaphore_mem>>, %arg13: memref<!tpu.dma_semaphore, #tpu.memory_space<semaphore_mem>>, %arg14: memref<!tpu.dma_semaphore, #tpu.memory_space<semaphore_mem>>, %arg15: memref<!tpu.dma_semaphore, #tpu.memory_space<semaphore_mem>>) attributes {dimension_semantics = [#tpu.dimension_semantics<core_parallel>, #tpu.dimension_semantics<subcore_parallel>], iteration_bounds = array<i64: 2, 16>, scalar_prefetch = 0 : i64, scratch_operands = 12 : i64, tpu.core_type = #tpu.core_type<sc_vector_subcore>, window_params = [{transform_indices = #map}, {transform_indices = #map1}]} {
    %mul3A = arith.constant 92 : i32
    %mul3A_0 = arith.muli %arg0, %mul3A : i32
    %eq3A = arith.constant 0 : i32
    %eq3A_1 = arith.cmpi eq, %arg0, %eq3A : i32
    %jit3A = arith.constant 92 : i32
    %jit3A_2 = arith.constant 75 : i32
    %select_n3A = arith.select %eq3A_1, %jit3A, %jit3A_2 : i32
    %scan3A = arith.constant 0 : i32
    %scan3A_3 = arith.constant 0 : i32
    %scan3A_4 = arith.constant 8 : i32
    %scan3A_5 = arith.addi %scan3A_3, %scan3A_4 : i32
    %scan3A_6 = arith.constant 1 : i32
    scf.for %scan3A_29 = %scan3A_3 to %scan3A_5 step %scan3A_6  : i32 {
      %broadcast_in_dim3A = arith.constant 1.000000e+00 : f32
      %broadcast_in_dim3A_30 = vector.broadcast %broadcast_in_dim3A : f32 to vector<16xf32>
      %mul3A_31 = arith.constant 16 : i32
      %mul3A_32 = arith.muli %scan3A_29, %mul3A_31 : i32
      %swap3A = arith.index_cast %mul3A_32 : i32 to index
      %swap3A_33 = tpu.vector_load %arg7[%swap3A] {strides = array<i32>} : memref<128xf32, #tpu.memory_space<vmem>>, vector<16xf32>,
      %swap3A_34 = vector.shape_cast %swap3A_33 : vector<16xf32> to vector<16xf32>
      %swap3A_35 = vector.shape_cast %broadcast_in_dim3A_30 : vector<16xf32> to vector<16xf32>
      tpu.vector_store %arg7[%swap3A], %swap3A_35 {strides = array<i32>} : memref<128xf32, #tpu.memory_space<vmem>>, vector<16xf32>,
    }
    %scan3A_7 = arith.constant 8 : i32
    %scan3A_8 = arith.constant 0 : i32
    %scan3A_9 = arith.constant 0 : i32
    %scan3A_10 = arith.constant 40 : i32
    %scan3A_11 = arith.addi %scan3A_9, %scan3A_10 : i32
    %scan3A_12 = arith.constant 1 : i32
    scf.for %scan3A_29 = %scan3A_9 to %scan3A_11 step %scan3A_12  : i32 {
      %broadcast_in_dim3A = arith.constant 0.000000e+00 : f32
      %broadcast_in_dim3A_30 = vector.broadcast %broadcast_in_dim3A : f32 to vector<16xf32>
      %mul3A_31 = arith.constant 16 : i32
      %mul3A_32 = arith.muli %scan3A_29, %mul3A_31 : i32
      %swap3A = arith.index_cast %mul3A_32 : i32 to index
      %swap3A_33 = tpu.vector_load %arg8[%swap3A] {strides = array<i32>} : memref<640xf32, #tpu.memory_space<vmem>>, vector<16xf32>,
      %swap3A_34 = vector.shape_cast %swap3A_33 : vector<16xf32> to vector<16xf32>
      %swap3A_35 = vector.shape_cast %broadcast_in_dim3A_30 : vector<16xf32> to vector<16xf32>
      tpu.vector_store %arg8[%swap3A], %swap3A_35 {strides = array<i32>} : memref<640xf32, #tpu.memory_space<vmem>>, vector<16xf32>,
    }
    %scan3A_13 = arith.constant 40 : i32
    %mul3A_14 = arith.constant 640 : i32
    %mul3A_15 = arith.muli %arg1, %mul3A_14 : i32
    "tpu.region"() ({
      %run_scoped3A = tpu.sem_alloc : memref<!tpu.dma_semaphore, #tpu.memory_space<semaphore_mem>>
      %dma_start3A = arith.constant 0 : i32
      %dma_start3A_29 = tpu.memref_slice %arg8[%dma_start3A] : memref<640xf32, #tpu.memory_space<vmem>> -> memref<640xf32, #tpu.memory_space<vmem>>
      %dma_start3A_30 = tpu.memref_slice %arg9[%mul3A_15] : memref<10240xf32, #tpu.memory_space<vmem_shared>> -> memref<640xf32, #tpu.memory_space<vmem_shared>>
      %dma_start3A_31 = tpu.memref_slice %arg9[%mul3A_15] : memref<10240xf32, #tpu.memory_space<vmem_shared>> -> memref<640xf32, #tpu.memory_space<vmem_shared>>
      %dma_start3A_32 = arith.constant 0 : i32
      %dma_start3A_33 = tpu.memref_slice %arg8[%dma_start3A_32] : memref<640xf32, #tpu.memory_space<vmem>> -> memref<640xf32, #tpu.memory_space<vmem>>
      tpu.enqueue_dma source(%dma_start3A_33 : memref<640xf32, #tpu.memory_space<vmem>>) target(%dma_start3A_31 : memref<640xf32, #tpu.memory_space<vmem_shared>>) target_semaphore(%run_scoped3A : memref<!tpu.dma_semaphore, #tpu.memory_space<semaphore_mem>>)
      %dma_wait3A = arith.constant 0 : i32
      %dma_wait3A_34 = tpu.memref_slice %arg8[%dma_wait3A] : memref<640xf32, #tpu.memory_space<vmem>> -> memref<640xf32, #tpu.memory_space<vmem>>
      %dma_wait3A_35 = tpu.memref_slice %arg9[%mul3A_15] : memref<10240xf32, #tpu.memory_space<vmem_shared>> -> memref<640xf32, #tpu.memory_space<vmem_shared>>
      %dma_wait3A_36 = tpu.memref_slice %arg9[%mul3A_15] : memref<10240xf32, #tpu.memory_space<vmem_shared>> -> memref<640xf32, #tpu.memory_space<vmem_shared>>
      %dma_wait3A_37 = arith.constant 0 : i32
      %dma_wait3A_38 = tpu.memref_slice %arg8[%dma_wait3A_37] : memref<640xf32, #tpu.memory_space<vmem>> -> memref<640xf32, #tpu.memory_space<vmem>>
      tpu.wait_dma2 semaphore(%run_scoped3A : memref<!tpu.dma_semaphore, #tpu.memory_space<semaphore_mem>>) src(%dma_wait3A_38 : memref<640xf32, #tpu.memory_space<vmem>>) dst(%dma_wait3A_36 : memref<640xf32, #tpu.memory_space<vmem_shared>>)
      tpu.yield
    }) : () -> ()
    %barrier3A = arith.constant 0 : index
    tpu.barrier barrier_id(%barrier3A)
    %scan3A_16 = arith.constant 0 : i32
    %scan3A_17 = arith.constant 0 : i32
    %scan3A_18 = arith.constant 32 : i32
    %scan3A_19 = arith.addi %scan3A_17, %scan3A_18 : i32
    %scan3A_20 = arith.constant 1 : i32
    scf.for %scan3A_29 = %scan3A_17 to %scan3A_19 step %scan3A_20  : i32 {
      %mul3A_30 = arith.constant 3 : i32
      %mul3A_31 = arith.muli %mul3A_30, %scan3A_29 : i32
      %add3A_32 = arith.constant 0 : i32
      %add3A_33 = arith.addi %mul3A_31, %add3A_32 : i32
      %ge3A = arith.constant 2 : i32
      %ge3A_34 = arith.cmpi sge, %add3A_33, %ge3A : i32
      %add3A_35 = arith.constant 2 : i32
      %add3A_36 = arith.addi %select_n3A, %add3A_35 : i32
      %lt3A = arith.cmpi slt, %add3A_33, %add3A_36 : i32
      %and3A = arith.andi %ge3A_34, %lt3A : i1
      %convert_element_type3A = arith.extui %and3A : i1 to i32
      %cond3A = arith.constant 0 : i32
      %cond3A_37 = arith.cmpi ne, %convert_element_type3A, %cond3A : i32
      scf.if %cond3A_37 {
        %dma_wait3A = arith.constant 0 : i32
        %dma_wait3A_103 = tpu.memref_slice %arg7[%dma_wait3A] : memref<128xf32, #tpu.memory_space<vmem>> -> memref<120xf32, #tpu.memory_space<vmem>>
        %dma_wait3A_104 = arith.constant 0 : i32
        %dma_wait3A_105 = tpu.memref_slice %arg9[%dma_wait3A_104] : memref<10240xf32, #tpu.memory_space<vmem_shared>> -> memref<10240xf32, #tpu.memory_space<vmem_shared>>
        tpu.wait_indirect_dma semaphore(%arg14 : memref<!tpu.dma_semaphore, #tpu.memory_space<semaphore_mem>>) src(%dma_wait3A_103 : memref<120xf32, #tpu.memory_space<vmem>>) dst(%dma_wait3A_105 : memref<10240xf32, #tpu.memory_space<vmem_shared>>)
      } else {
      }
      %lt3A_38 = arith.cmpi slt, %add3A_33, %select_n3A : i32
      %convert_element_type3A_39 = arith.extui %lt3A_38 : i1 to i32
      %cond3A_40 = arith.constant 0 : i32
      %cond3A_41 = arith.cmpi ne, %convert_element_type3A_39, %cond3A_40 : i32
      scf.if %cond3A_41 {
        %add3A_103 = arith.addi %mul3A_0, %add3A_33 : i32
        %dma_start3A = arith.constant 0 : i32
        %dma_start3A_104 = tpu.memref_slice %arg2[%arg1, %add3A_103, %dma_start3A] : memref<16x167x120xi32, #tpu.memory_space<hbm>> -> memref<1x1x120xi32, #tpu.memory_space<hbm>>
        %dma_start3A_105 = tpu.memref_squeeze %dma_start3A_104 : memref<1x1x120xi32, #tpu.memory_space<hbm>> -> memref<120xi32, #tpu.memory_space<hbm>>
        %dma_start3A_106 = arith.constant 0 : i32
        %dma_start3A_107 = tpu.memref_slice %arg2[%arg1, %add3A_103, %dma_start3A_106] : memref<16x167x120xi32, #tpu.memory_space<hbm>> -> memref<1x1x120xi32, #tpu.memory_space<hbm>>
        %dma_start3A_108 = tpu.memref_squeeze %dma_start3A_107 : memref<1x1x120xi32, #tpu.memory_space<hbm>> -> memref<120xi32, #tpu.memory_space<hbm>>
        tpu.enqueue_dma source(%dma_start3A_108 : memref<120xi32, #tpu.memory_space<hbm>>) target(%arg4 : memref<120xi32, #tpu.memory_space<vmem>>) target_semaphore(%arg10 : memref<!tpu.dma_semaphore, #tpu.memory_space<semaphore_mem>>)
      } else {
      }
      %ge3A_42 = arith.constant 1 : i32
      %ge3A_43 = arith.cmpi sge, %add3A_33, %ge3A_42 : i32
      %add3A_44 = arith.constant 1 : i32
      %add3A_45 = arith.addi %select_n3A, %add3A_44 : i32
      %lt3A_46 = arith.cmpi slt, %add3A_33, %add3A_45 : i32
      %and3A_47 = arith.andi %ge3A_43, %lt3A_46 : i1
      %convert_element_type3A_48 = arith.extui %and3A_47 : i1 to i32
      %cond3A_49 = arith.constant 0 : i32
      %cond3A_50 = arith.cmpi ne, %convert_element_type3A_48, %cond3A_49 : i32
      scf.if %cond3A_50 {
        %sub3A = arith.constant 1 : i32
        %sub3A_103 = arith.subi %add3A_33, %sub3A : i32
        %add3A_104 = arith.addi %mul3A_0, %sub3A_103 : i32
        %dma_wait3A = arith.constant 0 : i32
        %dma_wait3A_105 = tpu.memref_slice %arg2[%arg1, %add3A_104, %dma_wait3A] : memref<16x167x120xi32, #tpu.memory_space<hbm>> -> memref<1x1x120xi32, #tpu.memory_space<hbm>>
        %dma_wait3A_106 = tpu.memref_squeeze %dma_wait3A_105 : memref<1x1x120xi32, #tpu.memory_space<hbm>> -> memref<120xi32, #tpu.memory_space<hbm>>
        %dma_wait3A_107 = arith.constant 0 : i32
        %dma_wait3A_108 = tpu.memref_slice %arg2[%arg1, %add3A_104, %dma_wait3A_107] : memref<16x167x120xi32, #tpu.memory_space<hbm>> -> memref<1x1x120xi32, #tpu.memory_space<hbm>>
        %dma_wait3A_109 = tpu.memref_squeeze %dma_wait3A_108 : memref<1x1x120xi32, #tpu.memory_space<hbm>> -> memref<120xi32, #tpu.memory_space<hbm>>
        tpu.wait_dma2 semaphore(%arg12 : memref<!tpu.dma_semaphore, #tpu.memory_space<semaphore_mem>>) src(%dma_wait3A_109 : memref<120xi32, #tpu.memory_space<hbm>>) dst(%arg6 : memref<120xi32, #tpu.memory_space<vmem>>)
        %dma_start3A = arith.constant 0 : i32
        %dma_start3A_110 = tpu.memref_slice %arg7[%dma_start3A] : memref<128xf32, #tpu.memory_space<vmem>> -> memref<120xf32, #tpu.memory_space<vmem>>
        %dma_start3A_111 = arith.constant 0 : i32
        %dma_start3A_112 = tpu.memref_slice %arg9[%dma_start3A_111] : memref<10240xf32, #tpu.memory_space<vmem_shared>> -> memref<10240xf32, #tpu.memory_space<vmem_shared>>
        tpu.enqueue_indirect_dma source(%dma_start3A_110 : memref<120xf32, #tpu.memory_space<vmem>>) target(%dma_start3A_112 : memref<10240xf32, #tpu.memory_space<vmem_shared>>) offsets(%arg6 : memref<120xi32, #tpu.memory_space<vmem>>) semaphore(%arg15 : memref<!tpu.dma_semaphore, #tpu.memory_space<semaphore_mem>>) {add = true}
      } else {
      }
      %mul3A_51 = arith.constant 3 : i32
      %mul3A_52 = arith.muli %mul3A_51, %scan3A_29 : i32
      %add3A_53 = arith.constant 1 : i32
      %add3A_54 = arith.addi %mul3A_52, %add3A_53 : i32
      %ge3A_55 = arith.constant 2 : i32
      %ge3A_56 = arith.cmpi sge, %add3A_54, %ge3A_55 : i32
      %add3A_57 = arith.constant 2 : i32
      %add3A_58 = arith.addi %select_n3A, %add3A_57 : i32
      %lt3A_59 = arith.cmpi slt, %add3A_54, %add3A_58 : i32
      %and3A_60 = arith.andi %ge3A_56, %lt3A_59 : i1
      %convert_element_type3A_61 = arith.extui %and3A_60 : i1 to i32
      %cond3A_62 = arith.constant 0 : i32
      %cond3A_63 = arith.cmpi ne, %convert_element_type3A_61, %cond3A_62 : i32
      scf.if %cond3A_63 {
        %dma_wait3A = arith.constant 0 : i32
        %dma_wait3A_103 = tpu.memref_slice %arg7[%dma_wait3A] : memref<128xf32, #tpu.memory_space<vmem>> -> memref<120xf32, #tpu.memory_space<vmem>>
        %dma_wait3A_104 = arith.constant 0 : i32
        %dma_wait3A_105 = tpu.memref_slice %arg9[%dma_wait3A_104] : memref<10240xf32, #tpu.memory_space<vmem_shared>> -> memref<10240xf32, #tpu.memory_space<vmem_shared>>
        tpu.wait_indirect_dma semaphore(%arg15 : memref<!tpu.dma_semaphore, #tpu.memory_space<semaphore_mem>>) src(%dma_wait3A_103 : memref<120xf32, #tpu.memory_space<vmem>>) dst(%dma_wait3A_105 : memref<10240xf32, #tpu.memory_space<vmem_shared>>)
      } else {
      }
      %lt3A_64 = arith.cmpi slt, %add3A_54, %select_n3A : i32
      %convert_element_type3A_65 = arith.extui %lt3A_64 : i1 to i32
      %cond3A_66 = arith.constant 0 : i32
      %cond3A_67 = arith.cmpi ne, %convert_element_type3A_65, %cond3A_66 : i32
      scf.if %cond3A_67 {
        %add3A_103 = arith.addi %mul3A_0, %add3A_54 : i32
        %dma_start3A = arith.constant 0 : i32
        %dma_start3A_104 = tpu.memref_slice %arg2[%arg1, %add3A_103, %dma_start3A] : memref<16x167x120xi32, #tpu.memory_space<hbm>> -> memref<1x1x120xi32, #tpu.memory_space<hbm>>
        %dma_start3A_105 = tpu.memref_squeeze %dma_start3A_104 : memref<1x1x120xi32, #tpu.memory_space<hbm>> -> memref<120xi32, #tpu.memory_space<hbm>>
        %dma_start3A_106 = arith.constant 0 : i32
        %dma_start3A_107 = tpu.memref_slice %arg2[%arg1, %add3A_103, %dma_start3A_106] : memref<16x167x120xi32, #tpu.memory_space<hbm>> -> memref<1x1x120xi32, #tpu.memory_space<hbm>>
        %dma_start3A_108 = tpu.memref_squeeze %dma_start3A_107 : memref<1x1x120xi32, #tpu.memory_space<hbm>> -> memref<120xi32, #tpu.memory_space<hbm>>
        tpu.enqueue_dma source(%dma_start3A_108 : memref<120xi32, #tpu.memory_space<hbm>>) target(%arg5 : memref<120xi32, #tpu.memory_space<vmem>>) target_semaphore(%arg11 : memref<!tpu.dma_semaphore, #tpu.memory_space<semaphore_mem>>)
      } else {
      }
      %ge3A_68 = arith.constant 1 : i32
      %ge3A_69 = arith.cmpi sge, %add3A_54, %ge3A_68 : i32
      %add3A_70 = arith.constant 1 : i32
      %add3A_71 = arith.addi %select_n3A, %add3A_70 : i32
      %lt3A_72 = arith.cmpi slt, %add3A_54, %add3A_71 : i32
      %and3A_73 = arith.andi %ge3A_69, %lt3A_72 : i1
      %convert_element_type3A_74 = arith.extui %and3A_73 : i1 to i32
      %cond3A_75 = arith.constant 0 : i32
      %cond3A_76 = arith.cmpi ne, %convert_element_type3A_74, %cond3A_75 : i32
      scf.if %cond3A_76 {
        %sub3A = arith.constant 1 : i32
        %sub3A_103 = arith.subi %add3A_54, %sub3A : i32
        %add3A_104 = arith.addi %mul3A_0, %sub3A_103 : i32
        %dma_wait3A = arith.constant 0 : i32
        %dma_wait3A_105 = tpu.memref_slice %arg2[%arg1, %add3A_104, %dma_wait3A] : memref<16x167x120xi32, #tpu.memory_space<hbm>> -> memref<1x1x120xi32, #tpu.memory_space<hbm>>
        %dma_wait3A_106 = tpu.memref_squeeze %dma_wait3A_105 : memref<1x1x120xi32, #tpu.memory_space<hbm>> -> memref<120xi32, #tpu.memory_space<hbm>>
        %dma_wait3A_107 = arith.constant 0 : i32
        %dma_wait3A_108 = tpu.memref_slice %arg2[%arg1, %add3A_104, %dma_wait3A_107] : memref<16x167x120xi32, #tpu.memory_space<hbm>> -> memref<1x1x120xi32, #tpu.memory_space<hbm>>
        %dma_wait3A_109 = tpu.memref_squeeze %dma_wait3A_108 : memref<1x1x120xi32, #tpu.memory_space<hbm>> -> memref<120xi32, #tpu.memory_space<hbm>>
        tpu.wait_dma2 semaphore(%arg10 : memref<!tpu.dma_semaphore, #tpu.memory_space<semaphore_mem>>) src(%dma_wait3A_109 : memref<120xi32, #tpu.memory_space<hbm>>) dst(%arg4 : memref<120xi32, #tpu.memory_space<vmem>>)
        %dma_start3A = arith.constant 0 : i32
        %dma_start3A_110 = tpu.memref_slice %arg7[%dma_start3A] : memref<128xf32, #tpu.memory_space<vmem>> -> memref<120xf32, #tpu.memory_space<vmem>>
        %dma_start3A_111 = arith.constant 0 : i32
        %dma_start3A_112 = tpu.memref_slice %arg9[%dma_start3A_111] : memref<10240xf32, #tpu.memory_space<vmem_shared>> -> memref<10240xf32, #tpu.memory_space<vmem_shared>>
        tpu.enqueue_indirect_dma source(%dma_start3A_110 : memref<120xf32, #tpu.memory_space<vmem>>) target(%dma_start3A_112 : memref<10240xf32, #tpu.memory_space<vmem_shared>>) offsets(%arg4 : memref<120xi32, #tpu.memory_space<vmem>>) semaphore(%arg13 : memref<!tpu.dma_semaphore, #tpu.memory_space<semaphore_mem>>) {add = true}
      } else {
      }
      %mul3A_77 = arith.constant 3 : i32
      %mul3A_78 = arith.muli %mul3A_77, %scan3A_29 : i32
      %add3A_79 = arith.constant 2 : i32
      %add3A_80 = arith.addi %mul3A_78, %add3A_79 : i32
      %ge3A_81 = arith.constant 2 : i32
      %ge3A_82 = arith.cmpi sge, %add3A_80, %ge3A_81 : i32
      %add3A_83 = arith.constant 2 : i32
      %add3A_84 = arith.addi %select_n3A, %add3A_83 : i32
      %lt3A_85 = arith.cmpi slt, %add3A_80, %add3A_84 : i32
      %and3A_86 = arith.andi %ge3A_82, %lt3A_85 : i1
      %convert_element_type3A_87 = arith.extui %and3A_86 : i1 to i32
      %cond3A_88 = arith.constant 0 : i32
      %cond3A_89 = arith.cmpi ne, %convert_element_type3A_87, %cond3A_88 : i32
      scf.if %cond3A_89 {
        %dma_wait3A = arith.constant 0 : i32
        %dma_wait3A_103 = tpu.memref_slice %arg7[%dma_wait3A] : memref<128xf32, #tpu.memory_space<vmem>> -> memref<120xf32, #tpu.memory_space<vmem>>
        %dma_wait3A_104 = arith.constant 0 : i32
        %dma_wait3A_105 = tpu.memref_slice %arg9[%dma_wait3A_104] : memref<10240xf32, #tpu.memory_space<vmem_shared>> -> memref<10240xf32, #tpu.memory_space<vmem_shared>>
        tpu.wait_indirect_dma semaphore(%arg13 : memref<!tpu.dma_semaphore, #tpu.memory_space<semaphore_mem>>) src(%dma_wait3A_103 : memref<120xf32, #tpu.memory_space<vmem>>) dst(%dma_wait3A_105 : memref<10240xf32, #tpu.memory_space<vmem_shared>>)
      } else {
      }
      %lt3A_90 = arith.cmpi slt, %add3A_80, %select_n3A : i32
      %convert_element_type3A_91 = arith.extui %lt3A_90 : i1 to i32
      %cond3A_92 = arith.constant 0 : i32
      %cond3A_93 = arith.cmpi ne, %convert_element_type3A_91, %cond3A_92 : i32
      scf.if %cond3A_93 {
        %add3A_103 = arith.addi %mul3A_0, %add3A_80 : i32
        %dma_start3A = arith.constant 0 : i32
        %dma_start3A_104 = tpu.memref_slice %arg2[%arg1, %add3A_103, %dma_start3A] : memref<16x167x120xi32, #tpu.memory_space<hbm>> -> memref<1x1x120xi32, #tpu.memory_space<hbm>>
        %dma_start3A_105 = tpu.memref_squeeze %dma_start3A_104 : memref<1x1x120xi32, #tpu.memory_space<hbm>> -> memref<120xi32, #tpu.memory_space<hbm>>
        %dma_start3A_106 = arith.constant 0 : i32
        %dma_start3A_107 = tpu.memref_slice %arg2[%arg1, %add3A_103, %dma_start3A_106] : memref<16x167x120xi32, #tpu.memory_space<hbm>> -> memref<1x1x120xi32, #tpu.memory_space<hbm>>
        %dma_start3A_108 = tpu.memref_squeeze %dma_start3A_107 : memref<1x1x120xi32, #tpu.memory_space<hbm>> -> memref<120xi32, #tpu.memory_space<hbm>>
        tpu.enqueue_dma source(%dma_start3A_108 : memref<120xi32, #tpu.memory_space<hbm>>) target(%arg6 : memref<120xi32, #tpu.memory_space<vmem>>) target_semaphore(%arg12 : memref<!tpu.dma_semaphore, #tpu.memory_space<semaphore_mem>>)
      } else {
      }
      %ge3A_94 = arith.constant 1 : i32
      %ge3A_95 = arith.cmpi sge, %add3A_80, %ge3A_94 : i32
      %add3A_96 = arith.constant 1 : i32
      %add3A_97 = arith.addi %select_n3A, %add3A_96 : i32
      %lt3A_98 = arith.cmpi slt, %add3A_80, %add3A_97 : i32
      %and3A_99 = arith.andi %ge3A_95, %lt3A_98 : i1
      %convert_element_type3A_100 = arith.extui %and3A_99 : i1 to i32
      %cond3A_101 = arith.constant 0 : i32
      %cond3A_102 = arith.cmpi ne, %convert_element_type3A_100, %cond3A_101 : i32
      scf.if %cond3A_102 {
        %sub3A = arith.constant 1 : i32
        %sub3A_103 = arith.subi %add3A_80, %sub3A : i32
        %add3A_104 = arith.addi %mul3A_0, %sub3A_103 : i32
        %dma_wait3A = arith.constant 0 : i32
        %dma_wait3A_105 = tpu.memref_slice %arg2[%arg1, %add3A_104, %dma_wait3A] : memref<16x167x120xi32, #tpu.memory_space<hbm>> -> memref<1x1x120xi32, #tpu.memory_space<hbm>>
        %dma_wait3A_106 = tpu.memref_squeeze %dma_wait3A_105 : memref<1x1x120xi32, #tpu.memory_space<hbm>> -> memref<120xi32, #tpu.memory_space<hbm>>
        %dma_wait3A_107 = arith.constant 0 : i32
        %dma_wait3A_108 = tpu.memref_slice %arg2[%arg1, %add3A_104, %dma_wait3A_107] : memref<16x167x120xi32, #tpu.memory_space<hbm>> -> memref<1x1x120xi32, #tpu.memory_space<hbm>>
        %dma_wait3A_109 = tpu.memref_squeeze %dma_wait3A_108 : memref<1x1x120xi32, #tpu.memory_space<hbm>> -> memref<120xi32, #tpu.memory_space<hbm>>
        tpu.wait_dma2 semaphore(%arg11 : memref<!tpu.dma_semaphore, #tpu.memory_space<semaphore_mem>>) src(%dma_wait3A_109 : memref<120xi32, #tpu.memory_space<hbm>>) dst(%arg5 : memref<120xi32, #tpu.memory_space<vmem>>)
        %dma_start3A = arith.constant 0 : i32
        %dma_start3A_110 = tpu.memref_slice %arg7[%dma_start3A] : memref<128xf32, #tpu.memory_space<vmem>> -> memref<120xf32, #tpu.memory_space<vmem>>
        %dma_start3A_111 = arith.constant 0 : i32
        %dma_start3A_112 = tpu.memref_slice %arg9[%dma_start3A_111] : memref<10240xf32, #tpu.memory_space<vmem_shared>> -> memref<10240xf32, #tpu.memory_space<vmem_shared>>
        tpu.enqueue_indirect_dma source(%dma_start3A_110 : memref<120xf32, #tpu.memory_space<vmem>>) target(%dma_start3A_112 : memref<10240xf32, #tpu.memory_space<vmem_shared>>) offsets(%arg5 : memref<120xi32, #tpu.memory_space<vmem>>) semaphore(%arg14 : memref<!tpu.dma_semaphore, #tpu.memory_space<semaphore_mem>>) {add = true}
      } else {
      }
    }
    %scan3A_21 = arith.constant 32 : i32
    %barrier3A_22 = arith.constant 0 : index
    tpu.barrier barrier_id(%barrier3A_22)
    %mul3A_23 = arith.constant 640 : i32
    %mul3A_24 = arith.muli %arg1, %mul3A_23 : i32
    %mul3A_25 = arith.constant 10240 : i32
    %mul3A_26 = arith.muli %arg0, %mul3A_25 : i32
    %mul3A_27 = arith.constant 640 : i32
    %mul3A_28 = arith.muli %arg1, %mul3A_27 : i32
    %add3A = arith.addi %mul3A_26, %mul3A_28 : i32
    "tpu.region"() ({
      %run_scoped3A = tpu.sem_alloc : memref<!tpu.dma_semaphore, #tpu.memory_space<semaphore_mem>>
      %dma_start3A = tpu.memref_slice %arg3[%add3A] : memref<20480xf32, #tpu.memory_space<hbm>> -> memref<640xf32, #tpu.memory_space<hbm>>
      %dma_start3A_29 = tpu.memref_slice %arg9[%mul3A_24] : memref<10240xf32, #tpu.memory_space<vmem_shared>> -> memref<640xf32, #tpu.memory_space<vmem_shared>>
      tpu.enqueue_dma source(%dma_start3A_29 : memref<640xf32, #tpu.memory_space<vmem_shared>>) target(%dma_start3A : memref<640xf32, #tpu.memory_space<hbm>>) target_semaphore(%run_scoped3A : memref<!tpu.dma_semaphore, #tpu.memory_space<semaphore_mem>>)
      %dma_wait3A = tpu.memref_slice %arg3[%add3A] : memref<20480xf32, #tpu.memory_space<hbm>> -> memref<640xf32, #tpu.memory_space<hbm>>
      %dma_wait3A_30 = tpu.memref_slice %arg9[%mul3A_24] : memref<10240xf32, #tpu.memory_space<vmem_shared>> -> memref<640xf32, #tpu.memory_space<vmem_shared>>
      tpu.wait_dma2 semaphore(%run_scoped3A : memref<!tpu.dma_semaphore, #tpu.memory_space<semaphore_mem>>) src(%dma_wait3A_30 : memref<640xf32, #tpu.memory_space<vmem_shared>>) dst(%dma_wait3A : memref<640xf32, #tpu.memory_space<hbm>>)
      tpu.yield
    }) : () -> ()
    return
  }
}

#map = affine_map<(d0, d1) -> (0, 0, 0)>
#map1 = affine_map<(d0, d1) -> (0, 0)>
module attributes {stable_mosaic.version = 14 : i64} {
  func.func @_sc_agg(%arg0: i32, %arg1: i32, %arg2: memref<16x167x120xi32, #tpu.memory_space<hbm>>, %arg3: memref<16x167x120xi32, #tpu.memory_space<hbm>>, %arg4: memref<10240x128xf32, #tpu.memory_space<hbm>>, %arg5: memref<20480x128xf32, #tpu.memory_space<hbm>>, %arg6: memref<120xi32, #tpu.memory_space<vmem>>, %arg7: memref<120xi32, #tpu.memory_space<vmem>>, %arg8: memref<120xi32, #tpu.memory_space<vmem>>, %arg9: memref<120xi32, #tpu.memory_space<vmem>>, %arg10: memref<120xi32, #tpu.memory_space<vmem>>, %arg11: memref<120xi32, #tpu.memory_space<vmem>>, %arg12: memref<120x128xf32, #tpu.memory_space<vmem>>, %arg13: memref<120x128xf32, #tpu.memory_space<vmem>>, %arg14: memref<120x128xf32, #tpu.memory_space<vmem>>, %arg15: memref<10240x128xf32, #tpu.memory_space<vmem_shared>>, %arg16: memref<!tpu.dma_semaphore, #tpu.memory_space<semaphore_mem>>, %arg17: memref<!tpu.dma_semaphore, #tpu.memory_space<semaphore_mem>>, %arg18: memref<!tpu.dma_semaphore, #tpu.memory_space<semaphore_mem>>, %arg19: memref<!tpu.dma_semaphore, #tpu.memory_space<semaphore_mem>>, %arg20: memref<!tpu.dma_semaphore, #tpu.memory_space<semaphore_mem>>, %arg21: memref<!tpu.dma_semaphore, #tpu.memory_space<semaphore_mem>>, %arg22: memref<!tpu.dma_semaphore, #tpu.memory_space<semaphore_mem>>, %arg23: memref<!tpu.dma_semaphore, #tpu.memory_space<semaphore_mem>>, %arg24: memref<!tpu.dma_semaphore, #tpu.memory_space<semaphore_mem>>) attributes {dimension_semantics = [#tpu.dimension_semantics<core_parallel>, #tpu.dimension_semantics<subcore_parallel>], iteration_bounds = array<i64: 2, 16>, scalar_prefetch = 0 : i64, scratch_operands = 19 : i64, tpu.core_type = #tpu.core_type<sc_vector_subcore>, window_params = [{transform_indices = #map}, {transform_indices = #map}, {transform_indices = #map1}, {transform_indices = #map1}]} {
    %mul3A = arith.constant 103 : i32
    %mul3A_0 = arith.muli %arg0, %mul3A : i32
    %eq3A = arith.constant 0 : i32
    %eq3A_1 = arith.cmpi eq, %arg0, %eq3A : i32
    %jit3A = arith.constant 103 : i32
    %jit3A_2 = arith.constant 64 : i32
    %select_n3A = arith.select %eq3A_1, %jit3A, %jit3A_2 : i32
    %scan3A = arith.constant 0 : i32
    %scan3A_3 = arith.constant 0 : i32
    %scan3A_4 = arith.constant 80 : i32
    %scan3A_5 = arith.addi %scan3A_3, %scan3A_4 : i32
    %scan3A_6 = arith.constant 1 : i32
    scf.for %scan3A_27 = %scan3A_3 to %scan3A_5 step %scan3A_6  : i32 {
      %scan3A_28 = arith.constant 0 : i32
      %scan3A_29 = arith.constant 0 : i32
      %scan3A_30 = arith.constant 8 : i32
      %scan3A_31 = arith.addi %scan3A_29, %scan3A_30 : i32
      %scan3A_32 = arith.constant 1 : i32
      scf.for %scan3A_34 = %scan3A_29 to %scan3A_31 step %scan3A_32  : i32 {
        %broadcast_in_dim3A = arith.constant 0.000000e+00 : f32
        %broadcast_in_dim3A_35 = vector.broadcast %broadcast_in_dim3A : f32 to vector<16xf32>
        %mul3A_36 = arith.constant 16 : i32
        %mul3A_37 = arith.muli %scan3A_34, %mul3A_36 : i32
        %swap3A = arith.index_cast %scan3A_27 : i32 to index
        %swap3A_38 = arith.index_cast %mul3A_37 : i32 to index
        %swap3A_39 = tpu.vector_load %arg12[%swap3A, %swap3A_38] {strides = array<i32>} : memref<120x128xf32, #tpu.memory_space<vmem>>, vector<1x16xf32>,
        %swap3A_40 = vector.shape_cast %swap3A_39 : vector<1x16xf32> to vector<16xf32>
        %swap3A_41 = vector.shape_cast %broadcast_in_dim3A_35 : vector<16xf32> to vector<1x16xf32>
        tpu.vector_store %arg12[%swap3A, %swap3A_38], %swap3A_41 {strides = array<i32>} : memref<120x128xf32, #tpu.memory_space<vmem>>, vector<1x16xf32>,
      }
      %scan3A_33 = arith.constant 8 : i32
    }
    %scan3A_7 = arith.constant 80 : i32
    %scan3A_8 = arith.constant 0 : i32
    %scan3A_9 = arith.constant 0 : i32
    %scan3A_10 = arith.constant 8 : i32
    %scan3A_11 = arith.addi %scan3A_9, %scan3A_10 : i32
    %scan3A_12 = arith.constant 1 : i32
    scf.for %scan3A_27 = %scan3A_9 to %scan3A_11 step %scan3A_12  : i32 {
      %mul3A_28 = arith.constant 640 : i32
      %mul3A_29 = arith.muli %arg1, %mul3A_28 : i32
      %mul3A_30 = arith.constant 80 : i32
      %mul3A_31 = arith.muli %scan3A_27, %mul3A_30 : i32
      %add3A = arith.addi %mul3A_29, %mul3A_31 : i32
      "tpu.region"() ({
        %run_scoped3A = tpu.sem_alloc : memref<!tpu.dma_semaphore, #tpu.memory_space<semaphore_mem>>
        %dma_start3A = arith.constant 0 : i32
        %dma_start3A_32 = arith.constant 0 : i32
        %dma_start3A_33 = tpu.memref_slice %arg12[%dma_start3A, %dma_start3A_32] : memref<120x128xf32, #tpu.memory_space<vmem>> -> memref<80x128xf32, #tpu.memory_space<vmem>>
        %dma_start3A_34 = arith.constant 0 : i32
        %dma_start3A_35 = tpu.memref_slice %arg15[%add3A, %dma_start3A_34] : memref<10240x128xf32, #tpu.memory_space<vmem_shared>> -> memref<80x128xf32, #tpu.memory_space<vmem_shared>>
        %dma_start3A_36 = arith.constant 0 : i32
        %dma_start3A_37 = tpu.memref_slice %arg15[%add3A, %dma_start3A_36] : memref<10240x128xf32, #tpu.memory_space<vmem_shared>> -> memref<80x128xf32, #tpu.memory_space<vmem_shared>>
        %dma_start3A_38 = arith.constant 0 : i32
        %dma_start3A_39 = arith.constant 0 : i32
        %dma_start3A_40 = tpu.memref_slice %arg12[%dma_start3A_38, %dma_start3A_39] : memref<120x128xf32, #tpu.memory_space<vmem>> -> memref<80x128xf32, #tpu.memory_space<vmem>>
        tpu.enqueue_dma source(%dma_start3A_40 : memref<80x128xf32, #tpu.memory_space<vmem>>) target(%dma_start3A_37 : memref<80x128xf32, #tpu.memory_space<vmem_shared>>) target_semaphore(%run_scoped3A : memref<!tpu.dma_semaphore, #tpu.memory_space<semaphore_mem>>)
        %dma_wait3A = arith.constant 0 : i32
        %dma_wait3A_41 = arith.constant 0 : i32
        %dma_wait3A_42 = tpu.memref_slice %arg12[%dma_wait3A, %dma_wait3A_41] : memref<120x128xf32, #tpu.memory_space<vmem>> -> memref<80x128xf32, #tpu.memory_space<vmem>>
        %dma_wait3A_43 = arith.constant 0 : i32
        %dma_wait3A_44 = tpu.memref_slice %arg15[%add3A, %dma_wait3A_43] : memref<10240x128xf32, #tpu.memory_space<vmem_shared>> -> memref<80x128xf32, #tpu.memory_space<vmem_shared>>
        %dma_wait3A_45 = arith.constant 0 : i32
        %dma_wait3A_46 = tpu.memref_slice %arg15[%add3A, %dma_wait3A_45] : memref<10240x128xf32, #tpu.memory_space<vmem_shared>> -> memref<80x128xf32, #tpu.memory_space<vmem_shared>>
        %dma_wait3A_47 = arith.constant 0 : i32
        %dma_wait3A_48 = arith.constant 0 : i32
        %dma_wait3A_49 = tpu.memref_slice %arg12[%dma_wait3A_47, %dma_wait3A_48] : memref<120x128xf32, #tpu.memory_space<vmem>> -> memref<80x128xf32, #tpu.memory_space<vmem>>
        tpu.wait_dma2 semaphore(%run_scoped3A : memref<!tpu.dma_semaphore, #tpu.memory_space<semaphore_mem>>) src(%dma_wait3A_49 : memref<80x128xf32, #tpu.memory_space<vmem>>) dst(%dma_wait3A_46 : memref<80x128xf32, #tpu.memory_space<vmem_shared>>)
        tpu.yield
      }) : () -> ()
    }
    %scan3A_13 = arith.constant 8 : i32
    %barrier3A = arith.constant 0 : index
    tpu.barrier barrier_id(%barrier3A)
    %scan3A_14 = arith.constant 0 : i32
    %scan3A_15 = arith.constant 0 : i32
    %scan3A_16 = arith.constant 36 : i32
    %scan3A_17 = arith.addi %scan3A_15, %scan3A_16 : i32
    %scan3A_18 = arith.constant 1 : i32
    scf.for %scan3A_27 = %scan3A_15 to %scan3A_17 step %scan3A_18  : i32 {
      %mul3A_28 = arith.constant 3 : i32
      %mul3A_29 = arith.muli %mul3A_28, %scan3A_27 : i32
      %add3A = arith.constant 0 : i32
      %add3A_30 = arith.addi %mul3A_29, %add3A : i32
      %ge3A = arith.constant 3 : i32
      %ge3A_31 = arith.cmpi sge, %add3A_30, %ge3A : i32
      %add3A_32 = arith.constant 3 : i32
      %add3A_33 = arith.addi %select_n3A, %add3A_32 : i32
      %lt3A = arith.cmpi slt, %add3A_30, %add3A_33 : i32
      %and3A = arith.andi %ge3A_31, %lt3A : i1
      %convert_element_type3A = arith.extui %and3A : i1 to i32
      %cond3A = arith.constant 0 : i32
      %cond3A_34 = arith.cmpi ne, %convert_element_type3A, %cond3A : i32
      scf.if %cond3A_34 {
        %dma_wait3A = arith.constant 0 : i32
        %dma_wait3A_127 = arith.constant 0 : i32
        %dma_wait3A_128 = tpu.memref_slice %arg15[%dma_wait3A, %dma_wait3A_127] : memref<10240x128xf32, #tpu.memory_space<vmem_shared>> -> memref<10240x128xf32, #tpu.memory_space<vmem_shared>>
        tpu.wait_indirect_dma semaphore(%arg22 : memref<!tpu.dma_semaphore, #tpu.memory_space<semaphore_mem>>) src(%arg12 : memref<120x128xf32, #tpu.memory_space<vmem>>) dst(%dma_wait3A_128 : memref<10240x128xf32, #tpu.memory_space<vmem_shared>>)
      } else {
      }
      %lt3A_35 = arith.cmpi slt, %add3A_30, %select_n3A : i32
      %convert_element_type3A_36 = arith.extui %lt3A_35 : i1 to i32
      %cond3A_37 = arith.constant 0 : i32
      %cond3A_38 = arith.cmpi ne, %convert_element_type3A_36, %cond3A_37 : i32
      scf.if %cond3A_38 {
        %add3A_127 = arith.addi %mul3A_0, %add3A_30 : i32
        %add3A_128 = arith.addi %mul3A_0, %add3A_30 : i32
        %dma_start3A = arith.constant 0 : i32
        %dma_start3A_129 = tpu.memref_slice %arg2[%arg1, %add3A_127, %dma_start3A] : memref<16x167x120xi32, #tpu.memory_space<hbm>> -> memref<1x1x120xi32, #tpu.memory_space<hbm>>
        %dma_start3A_130 = tpu.memref_squeeze %dma_start3A_129 : memref<1x1x120xi32, #tpu.memory_space<hbm>> -> memref<120xi32, #tpu.memory_space<hbm>>
        %dma_start3A_131 = arith.constant 0 : i32
        %dma_start3A_132 = tpu.memref_slice %arg2[%arg1, %add3A_127, %dma_start3A_131] : memref<16x167x120xi32, #tpu.memory_space<hbm>> -> memref<1x1x120xi32, #tpu.memory_space<hbm>>
        %dma_start3A_133 = tpu.memref_squeeze %dma_start3A_132 : memref<1x1x120xi32, #tpu.memory_space<hbm>> -> memref<120xi32, #tpu.memory_space<hbm>>
        tpu.enqueue_dma source(%dma_start3A_133 : memref<120xi32, #tpu.memory_space<hbm>>) target(%arg6 : memref<120xi32, #tpu.memory_space<vmem>>) target_semaphore(%arg16 : memref<!tpu.dma_semaphore, #tpu.memory_space<semaphore_mem>>)
        %dma_start3A_134 = arith.constant 0 : i32
        %dma_start3A_135 = tpu.memref_slice %arg3[%arg1, %add3A_128, %dma_start3A_134] : memref<16x167x120xi32, #tpu.memory_space<hbm>> -> memref<1x1x120xi32, #tpu.memory_space<hbm>>
        %dma_start3A_136 = tpu.memref_squeeze %dma_start3A_135 : memref<1x1x120xi32, #tpu.memory_space<hbm>> -> memref<120xi32, #tpu.memory_space<hbm>>
        %dma_start3A_137 = arith.constant 0 : i32
        %dma_start3A_138 = tpu.memref_slice %arg3[%arg1, %add3A_128, %dma_start3A_137] : memref<16x167x120xi32, #tpu.memory_space<hbm>> -> memref<1x1x120xi32, #tpu.memory_space<hbm>>
        %dma_start3A_139 = tpu.memref_squeeze %dma_start3A_138 : memref<1x1x120xi32, #tpu.memory_space<hbm>> -> memref<120xi32, #tpu.memory_space<hbm>>
        tpu.enqueue_dma source(%dma_start3A_139 : memref<120xi32, #tpu.memory_space<hbm>>) target(%arg9 : memref<120xi32, #tpu.memory_space<vmem>>) target_semaphore(%arg16 : memref<!tpu.dma_semaphore, #tpu.memory_space<semaphore_mem>>)
      } else {
      }
      %ge3A_39 = arith.constant 1 : i32
      %ge3A_40 = arith.cmpi sge, %add3A_30, %ge3A_39 : i32
      %add3A_41 = arith.constant 1 : i32
      %add3A_42 = arith.addi %select_n3A, %add3A_41 : i32
      %lt3A_43 = arith.cmpi slt, %add3A_30, %add3A_42 : i32
      %and3A_44 = arith.andi %ge3A_40, %lt3A_43 : i1
      %convert_element_type3A_45 = arith.extui %and3A_44 : i1 to i32
      %cond3A_46 = arith.constant 0 : i32
      %cond3A_47 = arith.cmpi ne, %convert_element_type3A_45, %cond3A_46 : i32
      scf.if %cond3A_47 {
        %sub3A = arith.constant 1 : i32
        %sub3A_127 = arith.subi %add3A_30, %sub3A : i32
        %add3A_128 = arith.addi %mul3A_0, %sub3A_127 : i32
        %add3A_129 = arith.addi %mul3A_0, %sub3A_127 : i32
        %dma_wait3A = arith.constant 0 : i32
        %dma_wait3A_130 = tpu.memref_slice %arg2[%arg1, %add3A_128, %dma_wait3A] : memref<16x167x120xi32, #tpu.memory_space<hbm>> -> memref<1x1x120xi32, #tpu.memory_space<hbm>>
        %dma_wait3A_131 = tpu.memref_squeeze %dma_wait3A_130 : memref<1x1x120xi32, #tpu.memory_space<hbm>> -> memref<120xi32, #tpu.memory_space<hbm>>
        %dma_wait3A_132 = arith.constant 0 : i32
        %dma_wait3A_133 = tpu.memref_slice %arg2[%arg1, %add3A_128, %dma_wait3A_132] : memref<16x167x120xi32, #tpu.memory_space<hbm>> -> memref<1x1x120xi32, #tpu.memory_space<hbm>>
        %dma_wait3A_134 = tpu.memref_squeeze %dma_wait3A_133 : memref<1x1x120xi32, #tpu.memory_space<hbm>> -> memref<120xi32, #tpu.memory_space<hbm>>
        tpu.wait_dma2 semaphore(%arg18 : memref<!tpu.dma_semaphore, #tpu.memory_space<semaphore_mem>>) src(%dma_wait3A_134 : memref<120xi32, #tpu.memory_space<hbm>>) dst(%arg8 : memref<120xi32, #tpu.memory_space<vmem>>)
        %dma_wait3A_135 = arith.constant 0 : i32
        %dma_wait3A_136 = tpu.memref_slice %arg3[%arg1, %add3A_129, %dma_wait3A_135] : memref<16x167x120xi32, #tpu.memory_space<hbm>> -> memref<1x1x120xi32, #tpu.memory_space<hbm>>
        %dma_wait3A_137 = tpu.memref_squeeze %dma_wait3A_136 : memref<1x1x120xi32, #tpu.memory_space<hbm>> -> memref<120xi32, #tpu.memory_space<hbm>>
        %dma_wait3A_138 = arith.constant 0 : i32
        %dma_wait3A_139 = tpu.memref_slice %arg3[%arg1, %add3A_129, %dma_wait3A_138] : memref<16x167x120xi32, #tpu.memory_space<hbm>> -> memref<1x1x120xi32, #tpu.memory_space<hbm>>
        %dma_wait3A_140 = tpu.memref_squeeze %dma_wait3A_139 : memref<1x1x120xi32, #tpu.memory_space<hbm>> -> memref<120xi32, #tpu.memory_space<hbm>>
        tpu.wait_dma2 semaphore(%arg18 : memref<!tpu.dma_semaphore, #tpu.memory_space<semaphore_mem>>) src(%dma_wait3A_140 : memref<120xi32, #tpu.memory_space<hbm>>) dst(%arg11 : memref<120xi32, #tpu.memory_space<vmem>>)
        %dma_start3A = arith.constant 0 : i32
        %dma_start3A_141 = arith.constant 0 : i32
        %dma_start3A_142 = tpu.memref_slice %arg4[%dma_start3A, %dma_start3A_141] : memref<10240x128xf32, #tpu.memory_space<hbm>> -> memref<10240x128xf32, #tpu.memory_space<hbm>>
        tpu.enqueue_indirect_dma source(%dma_start3A_142 : memref<10240x128xf32, #tpu.memory_space<hbm>>) target(%arg14 : memref<120x128xf32, #tpu.memory_space<vmem>>) offsets(%arg8 : memref<120xi32, #tpu.memory_space<vmem>>) semaphore(%arg21 : memref<!tpu.dma_semaphore, #tpu.memory_space<semaphore_mem>>)
      } else {
      }
      %ge3A_48 = arith.constant 2 : i32
      %ge3A_49 = arith.cmpi sge, %add3A_30, %ge3A_48 : i32
      %add3A_50 = arith.constant 2 : i32
      %add3A_51 = arith.addi %select_n3A, %add3A_50 : i32
      %lt3A_52 = arith.cmpi slt, %add3A_30, %add3A_51 : i32
      %and3A_53 = arith.andi %ge3A_49, %lt3A_52 : i1
      %convert_element_type3A_54 = arith.extui %and3A_53 : i1 to i32
      %cond3A_55 = arith.constant 0 : i32
      %cond3A_56 = arith.cmpi ne, %convert_element_type3A_54, %cond3A_55 : i32
      scf.if %cond3A_56 {
        %dma_wait3A = arith.constant 0 : i32
        %dma_wait3A_127 = arith.constant 0 : i32
        %dma_wait3A_128 = tpu.memref_slice %arg4[%dma_wait3A, %dma_wait3A_127] : memref<10240x128xf32, #tpu.memory_space<hbm>> -> memref<10240x128xf32, #tpu.memory_space<hbm>>
        tpu.wait_indirect_dma semaphore(%arg20 : memref<!tpu.dma_semaphore, #tpu.memory_space<semaphore_mem>>) src(%dma_wait3A_128 : memref<10240x128xf32, #tpu.memory_space<hbm>>) dst(%arg13 : memref<120x128xf32, #tpu.memory_space<vmem>>)
        %dma_start3A = arith.constant 0 : i32
        %dma_start3A_129 = arith.constant 0 : i32
        %dma_start3A_130 = tpu.memref_slice %arg15[%dma_start3A, %dma_start3A_129] : memref<10240x128xf32, #tpu.memory_space<vmem_shared>> -> memref<10240x128xf32, #tpu.memory_space<vmem_shared>>
        tpu.enqueue_indirect_dma source(%arg13 : memref<120x128xf32, #tpu.memory_space<vmem>>) target(%dma_start3A_130 : memref<10240x128xf32, #tpu.memory_space<vmem_shared>>) offsets(%arg10 : memref<120xi32, #tpu.memory_space<vmem>>) semaphore(%arg23 : memref<!tpu.dma_semaphore, #tpu.memory_space<semaphore_mem>>) {add = true}
      } else {
      }
      %mul3A_57 = arith.constant 3 : i32
      %mul3A_58 = arith.muli %mul3A_57, %scan3A_27 : i32
      %add3A_59 = arith.constant 1 : i32
      %add3A_60 = arith.addi %mul3A_58, %add3A_59 : i32
      %ge3A_61 = arith.constant 3 : i32
      %ge3A_62 = arith.cmpi sge, %add3A_60, %ge3A_61 : i32
      %add3A_63 = arith.constant 3 : i32
      %add3A_64 = arith.addi %select_n3A, %add3A_63 : i32
      %lt3A_65 = arith.cmpi slt, %add3A_60, %add3A_64 : i32
      %and3A_66 = arith.andi %ge3A_62, %lt3A_65 : i1
      %convert_element_type3A_67 = arith.extui %and3A_66 : i1 to i32
      %cond3A_68 = arith.constant 0 : i32
      %cond3A_69 = arith.cmpi ne, %convert_element_type3A_67, %cond3A_68 : i32
      scf.if %cond3A_69 {
        %dma_wait3A = arith.constant 0 : i32
        %dma_wait3A_127 = arith.constant 0 : i32
        %dma_wait3A_128 = tpu.memref_slice %arg15[%dma_wait3A, %dma_wait3A_127] : memref<10240x128xf32, #tpu.memory_space<vmem_shared>> -> memref<10240x128xf32, #tpu.memory_space<vmem_shared>>
        tpu.wait_indirect_dma semaphore(%arg23 : memref<!tpu.dma_semaphore, #tpu.memory_space<semaphore_mem>>) src(%arg13 : memref<120x128xf32, #tpu.memory_space<vmem>>) dst(%dma_wait3A_128 : memref<10240x128xf32, #tpu.memory_space<vmem_shared>>)
      } else {
      }
      %lt3A_70 = arith.cmpi slt, %add3A_60, %select_n3A : i32
      %convert_element_type3A_71 = arith.extui %lt3A_70 : i1 to i32
      %cond3A_72 = arith.constant 0 : i32
      %cond3A_73 = arith.cmpi ne, %convert_element_type3A_71, %cond3A_72 : i32
      scf.if %cond3A_73 {
        %add3A_127 = arith.addi %mul3A_0, %add3A_60 : i32
        %add3A_128 = arith.addi %mul3A_0, %add3A_60 : i32
        %dma_start3A = arith.constant 0 : i32
        %dma_start3A_129 = tpu.memref_slice %arg2[%arg1, %add3A_127, %dma_start3A] : memref<16x167x120xi32, #tpu.memory_space<hbm>> -> memref<1x1x120xi32, #tpu.memory_space<hbm>>
        %dma_start3A_130 = tpu.memref_squeeze %dma_start3A_129 : memref<1x1x120xi32, #tpu.memory_space<hbm>> -> memref<120xi32, #tpu.memory_space<hbm>>
        %dma_start3A_131 = arith.constant 0 : i32
        %dma_start3A_132 = tpu.memref_slice %arg2[%arg1, %add3A_127, %dma_start3A_131] : memref<16x167x120xi32, #tpu.memory_space<hbm>> -> memref<1x1x120xi32, #tpu.memory_space<hbm>>
        %dma_start3A_133 = tpu.memref_squeeze %dma_start3A_132 : memref<1x1x120xi32, #tpu.memory_space<hbm>> -> memref<120xi32, #tpu.memory_space<hbm>>
        tpu.enqueue_dma source(%dma_start3A_133 : memref<120xi32, #tpu.memory_space<hbm>>) target(%arg7 : memref<120xi32, #tpu.memory_space<vmem>>) target_semaphore(%arg17 : memref<!tpu.dma_semaphore, #tpu.memory_space<semaphore_mem>>)
        %dma_start3A_134 = arith.constant 0 : i32
        %dma_start3A_135 = tpu.memref_slice %arg3[%arg1, %add3A_128, %dma_start3A_134] : memref<16x167x120xi32, #tpu.memory_space<hbm>> -> memref<1x1x120xi32, #tpu.memory_space<hbm>>
        %dma_start3A_136 = tpu.memref_squeeze %dma_start3A_135 : memref<1x1x120xi32, #tpu.memory_space<hbm>> -> memref<120xi32, #tpu.memory_space<hbm>>
        %dma_start3A_137 = arith.constant 0 : i32
        %dma_start3A_138 = tpu.memref_slice %arg3[%arg1, %add3A_128, %dma_start3A_137] : memref<16x167x120xi32, #tpu.memory_space<hbm>> -> memref<1x1x120xi32, #tpu.memory_space<hbm>>
        %dma_start3A_139 = tpu.memref_squeeze %dma_start3A_138 : memref<1x1x120xi32, #tpu.memory_space<hbm>> -> memref<120xi32, #tpu.memory_space<hbm>>
        tpu.enqueue_dma source(%dma_start3A_139 : memref<120xi32, #tpu.memory_space<hbm>>) target(%arg10 : memref<120xi32, #tpu.memory_space<vmem>>) target_semaphore(%arg17 : memref<!tpu.dma_semaphore, #tpu.memory_space<semaphore_mem>>)
      } else {
      }
      %ge3A_74 = arith.constant 1 : i32
      %ge3A_75 = arith.cmpi sge, %add3A_60, %ge3A_74 : i32
      %add3A_76 = arith.constant 1 : i32
      %add3A_77 = arith.addi %select_n3A, %add3A_76 : i32
      %lt3A_78 = arith.cmpi slt, %add3A_60, %add3A_77 : i32
      %and3A_79 = arith.andi %ge3A_75, %lt3A_78 : i1
      %convert_element_type3A_80 = arith.extui %and3A_79 : i1 to i32
      %cond3A_81 = arith.constant 0 : i32
      %cond3A_82 = arith.cmpi ne, %convert_element_type3A_80, %cond3A_81 : i32
      scf.if %cond3A_82 {
        %sub3A = arith.constant 1 : i32
        %sub3A_127 = arith.subi %add3A_60, %sub3A : i32
        %add3A_128 = arith.addi %mul3A_0, %sub3A_127 : i32
        %add3A_129 = arith.addi %mul3A_0, %sub3A_127 : i32
        %dma_wait3A = arith.constant 0 : i32
        %dma_wait3A_130 = tpu.memref_slice %arg2[%arg1, %add3A_128, %dma_wait3A] : memref<16x167x120xi32, #tpu.memory_space<hbm>> -> memref<1x1x120xi32, #tpu.memory_space<hbm>>
        %dma_wait3A_131 = tpu.memref_squeeze %dma_wait3A_130 : memref<1x1x120xi32, #tpu.memory_space<hbm>> -> memref<120xi32, #tpu.memory_space<hbm>>
        %dma_wait3A_132 = arith.constant 0 : i32
        %dma_wait3A_133 = tpu.memref_slice %arg2[%arg1, %add3A_128, %dma_wait3A_132] : memref<16x167x120xi32, #tpu.memory_space<hbm>> -> memref<1x1x120xi32, #tpu.memory_space<hbm>>
        %dma_wait3A_134 = tpu.memref_squeeze %dma_wait3A_133 : memref<1x1x120xi32, #tpu.memory_space<hbm>> -> memref<120xi32, #tpu.memory_space<hbm>>
        tpu.wait_dma2 semaphore(%arg16 : memref<!tpu.dma_semaphore, #tpu.memory_space<semaphore_mem>>) src(%dma_wait3A_134 : memref<120xi32, #tpu.memory_space<hbm>>) dst(%arg6 : memref<120xi32, #tpu.memory_space<vmem>>)
        %dma_wait3A_135 = arith.constant 0 : i32
        %dma_wait3A_136 = tpu.memref_slice %arg3[%arg1, %add3A_129, %dma_wait3A_135] : memref<16x167x120xi32, #tpu.memory_space<hbm>> -> memref<1x1x120xi32, #tpu.memory_space<hbm>>
        %dma_wait3A_137 = tpu.memref_squeeze %dma_wait3A_136 : memref<1x1x120xi32, #tpu.memory_space<hbm>> -> memref<120xi32, #tpu.memory_space<hbm>>
        %dma_wait3A_138 = arith.constant 0 : i32
        %dma_wait3A_139 = tpu.memref_slice %arg3[%arg1, %add3A_129, %dma_wait3A_138] : memref<16x167x120xi32, #tpu.memory_space<hbm>> -> memref<1x1x120xi32, #tpu.memory_space<hbm>>
        %dma_wait3A_140 = tpu.memref_squeeze %dma_wait3A_139 : memref<1x1x120xi32, #tpu.memory_space<hbm>> -> memref<120xi32, #tpu.memory_space<hbm>>
        tpu.wait_dma2 semaphore(%arg16 : memref<!tpu.dma_semaphore, #tpu.memory_space<semaphore_mem>>) src(%dma_wait3A_140 : memref<120xi32, #tpu.memory_space<hbm>>) dst(%arg9 : memref<120xi32, #tpu.memory_space<vmem>>)
        %dma_start3A = arith.constant 0 : i32
        %dma_start3A_141 = arith.constant 0 : i32
        %dma_start3A_142 = tpu.memref_slice %arg4[%dma_start3A, %dma_start3A_141] : memref<10240x128xf32, #tpu.memory_space<hbm>> -> memref<10240x128xf32, #tpu.memory_space<hbm>>
        tpu.enqueue_indirect_dma source(%dma_start3A_142 : memref<10240x128xf32, #tpu.memory_space<hbm>>) target(%arg12 : memref<120x128xf32, #tpu.memory_space<vmem>>) offsets(%arg6 : memref<120xi32, #tpu.memory_space<vmem>>) semaphore(%arg19 : memref<!tpu.dma_semaphore, #tpu.memory_space<semaphore_mem>>)
      } else {
      }
      %ge3A_83 = arith.constant 2 : i32
      %ge3A_84 = arith.cmpi sge, %add3A_60, %ge3A_83 : i32
      %add3A_85 = arith.constant 2 : i32
      %add3A_86 = arith.addi %select_n3A, %add3A_85 : i32
      %lt3A_87 = arith.cmpi slt, %add3A_60, %add3A_86 : i32
      %and3A_88 = arith.andi %ge3A_84, %lt3A_87 : i1
      %convert_element_type3A_89 = arith.extui %and3A_88 : i1 to i32
      %cond3A_90 = arith.constant 0 : i32
      %cond3A_91 = arith.cmpi ne, %convert_element_type3A_89, %cond3A_90 : i32
      scf.if %cond3A_91 {
        %dma_wait3A = arith.constant 0 : i32
        %dma_wait3A_127 = arith.constant 0 : i32
        %dma_wait3A_128 = tpu.memref_slice %arg4[%dma_wait3A, %dma_wait3A_127] : memref<10240x128xf32, #tpu.memory_space<hbm>> -> memref<10240x128xf32, #tpu.memory_space<hbm>>
        tpu.wait_indirect_dma semaphore(%arg21 : memref<!tpu.dma_semaphore, #tpu.memory_space<semaphore_mem>>) src(%dma_wait3A_128 : memref<10240x128xf32, #tpu.memory_space<hbm>>) dst(%arg14 : memref<120x128xf32, #tpu.memory_space<vmem>>)
        %dma_start3A = arith.constant 0 : i32
        %dma_start3A_129 = arith.constant 0 : i32
        %dma_start3A_130 = tpu.memref_slice %arg15[%dma_start3A, %dma_start3A_129] : memref<10240x128xf32, #tpu.memory_space<vmem_shared>> -> memref<10240x128xf32, #tpu.memory_space<vmem_shared>>
        tpu.enqueue_indirect_dma source(%arg14 : memref<120x128xf32, #tpu.memory_space<vmem>>) target(%dma_start3A_130 : memref<10240x128xf32, #tpu.memory_space<vmem_shared>>) offsets(%arg11 : memref<120xi32, #tpu.memory_space<vmem>>) semaphore(%arg24 : memref<!tpu.dma_semaphore, #tpu.memory_space<semaphore_mem>>) {add = true}
      } else {
      }
      %mul3A_92 = arith.constant 3 : i32
      %mul3A_93 = arith.muli %mul3A_92, %scan3A_27 : i32
      %add3A_94 = arith.constant 2 : i32
      %add3A_95 = arith.addi %mul3A_93, %add3A_94 : i32
      %ge3A_96 = arith.constant 3 : i32
      %ge3A_97 = arith.cmpi sge, %add3A_95, %ge3A_96 : i32
      %add3A_98 = arith.constant 3 : i32
      %add3A_99 = arith.addi %select_n3A, %add3A_98 : i32
      %lt3A_100 = arith.cmpi slt, %add3A_95, %add3A_99 : i32
      %and3A_101 = arith.andi %ge3A_97, %lt3A_100 : i1
      %convert_element_type3A_102 = arith.extui %and3A_101 : i1 to i32
      %cond3A_103 = arith.constant 0 : i32
      %cond3A_104 = arith.cmpi ne, %convert_element_type3A_102, %cond3A_103 : i32
      scf.if %cond3A_104 {
        %dma_wait3A = arith.constant 0 : i32
        %dma_wait3A_127 = arith.constant 0 : i32
        %dma_wait3A_128 = tpu.memref_slice %arg15[%dma_wait3A, %dma_wait3A_127] : memref<10240x128xf32, #tpu.memory_space<vmem_shared>> -> memref<10240x128xf32, #tpu.memory_space<vmem_shared>>
        tpu.wait_indirect_dma semaphore(%arg24 : memref<!tpu.dma_semaphore, #tpu.memory_space<semaphore_mem>>) src(%arg14 : memref<120x128xf32, #tpu.memory_space<vmem>>) dst(%dma_wait3A_128 : memref<10240x128xf32, #tpu.memory_space<vmem_shared>>)
      } else {
      }
      %lt3A_105 = arith.cmpi slt, %add3A_95, %select_n3A : i32
      %convert_element_type3A_106 = arith.extui %lt3A_105 : i1 to i32
      %cond3A_107 = arith.constant 0 : i32
      %cond3A_108 = arith.cmpi ne, %convert_element_type3A_106, %cond3A_107 : i32
      scf.if %cond3A_108 {
        %add3A_127 = arith.addi %mul3A_0, %add3A_95 : i32
        %add3A_128 = arith.addi %mul3A_0, %add3A_95 : i32
        %dma_start3A = arith.constant 0 : i32
        %dma_start3A_129 = tpu.memref_slice %arg2[%arg1, %add3A_127, %dma_start3A] : memref<16x167x120xi32, #tpu.memory_space<hbm>> -> memref<1x1x120xi32, #tpu.memory_space<hbm>>
        %dma_start3A_130 = tpu.memref_squeeze %dma_start3A_129 : memref<1x1x120xi32, #tpu.memory_space<hbm>> -> memref<120xi32, #tpu.memory_space<hbm>>
        %dma_start3A_131 = arith.constant 0 : i32
        %dma_start3A_132 = tpu.memref_slice %arg2[%arg1, %add3A_127, %dma_start3A_131] : memref<16x167x120xi32, #tpu.memory_space<hbm>> -> memref<1x1x120xi32, #tpu.memory_space<hbm>>
        %dma_start3A_133 = tpu.memref_squeeze %dma_start3A_132 : memref<1x1x120xi32, #tpu.memory_space<hbm>> -> memref<120xi32, #tpu.memory_space<hbm>>
        tpu.enqueue_dma source(%dma_start3A_133 : memref<120xi32, #tpu.memory_space<hbm>>) target(%arg8 : memref<120xi32, #tpu.memory_space<vmem>>) target_semaphore(%arg18 : memref<!tpu.dma_semaphore, #tpu.memory_space<semaphore_mem>>)
        %dma_start3A_134 = arith.constant 0 : i32
        %dma_start3A_135 = tpu.memref_slice %arg3[%arg1, %add3A_128, %dma_start3A_134] : memref<16x167x120xi32, #tpu.memory_space<hbm>> -> memref<1x1x120xi32, #tpu.memory_space<hbm>>
        %dma_start3A_136 = tpu.memref_squeeze %dma_start3A_135 : memref<1x1x120xi32, #tpu.memory_space<hbm>> -> memref<120xi32, #tpu.memory_space<hbm>>
        %dma_start3A_137 = arith.constant 0 : i32
        %dma_start3A_138 = tpu.memref_slice %arg3[%arg1, %add3A_128, %dma_start3A_137] : memref<16x167x120xi32, #tpu.memory_space<hbm>> -> memref<1x1x120xi32, #tpu.memory_space<hbm>>
        %dma_start3A_139 = tpu.memref_squeeze %dma_start3A_138 : memref<1x1x120xi32, #tpu.memory_space<hbm>> -> memref<120xi32, #tpu.memory_space<hbm>>
        tpu.enqueue_dma source(%dma_start3A_139 : memref<120xi32, #tpu.memory_space<hbm>>) target(%arg11 : memref<120xi32, #tpu.memory_space<vmem>>) target_semaphore(%arg18 : memref<!tpu.dma_semaphore, #tpu.memory_space<semaphore_mem>>)
      } else {
      }
      %ge3A_109 = arith.constant 1 : i32
      %ge3A_110 = arith.cmpi sge, %add3A_95, %ge3A_109 : i32
      %add3A_111 = arith.constant 1 : i32
      %add3A_112 = arith.addi %select_n3A, %add3A_111 : i32
      %lt3A_113 = arith.cmpi slt, %add3A_95, %add3A_112 : i32
      %and3A_114 = arith.andi %ge3A_110, %lt3A_113 : i1
      %convert_element_type3A_115 = arith.extui %and3A_114 : i1 to i32
      %cond3A_116 = arith.constant 0 : i32
      %cond3A_117 = arith.cmpi ne, %convert_element_type3A_115, %cond3A_116 : i32
      scf.if %cond3A_117 {
        %sub3A = arith.constant 1 : i32
        %sub3A_127 = arith.subi %add3A_95, %sub3A : i32
        %add3A_128 = arith.addi %mul3A_0, %sub3A_127 : i32
        %add3A_129 = arith.addi %mul3A_0, %sub3A_127 : i32
        %dma_wait3A = arith.constant 0 : i32
        %dma_wait3A_130 = tpu.memref_slice %arg2[%arg1, %add3A_128, %dma_wait3A] : memref<16x167x120xi32, #tpu.memory_space<hbm>> -> memref<1x1x120xi32, #tpu.memory_space<hbm>>
        %dma_wait3A_131 = tpu.memref_squeeze %dma_wait3A_130 : memref<1x1x120xi32, #tpu.memory_space<hbm>> -> memref<120xi32, #tpu.memory_space<hbm>>
        %dma_wait3A_132 = arith.constant 0 : i32
        %dma_wait3A_133 = tpu.memref_slice %arg2[%arg1, %add3A_128, %dma_wait3A_132] : memref<16x167x120xi32, #tpu.memory_space<hbm>> -> memref<1x1x120xi32, #tpu.memory_space<hbm>>
        %dma_wait3A_134 = tpu.memref_squeeze %dma_wait3A_133 : memref<1x1x120xi32, #tpu.memory_space<hbm>> -> memref<120xi32, #tpu.memory_space<hbm>>
        tpu.wait_dma2 semaphore(%arg17 : memref<!tpu.dma_semaphore, #tpu.memory_space<semaphore_mem>>) src(%dma_wait3A_134 : memref<120xi32, #tpu.memory_space<hbm>>) dst(%arg7 : memref<120xi32, #tpu.memory_space<vmem>>)
        %dma_wait3A_135 = arith.constant 0 : i32
        %dma_wait3A_136 = tpu.memref_slice %arg3[%arg1, %add3A_129, %dma_wait3A_135] : memref<16x167x120xi32, #tpu.memory_space<hbm>> -> memref<1x1x120xi32, #tpu.memory_space<hbm>>
        %dma_wait3A_137 = tpu.memref_squeeze %dma_wait3A_136 : memref<1x1x120xi32, #tpu.memory_space<hbm>> -> memref<120xi32, #tpu.memory_space<hbm>>
        %dma_wait3A_138 = arith.constant 0 : i32
        %dma_wait3A_139 = tpu.memref_slice %arg3[%arg1, %add3A_129, %dma_wait3A_138] : memref<16x167x120xi32, #tpu.memory_space<hbm>> -> memref<1x1x120xi32, #tpu.memory_space<hbm>>
        %dma_wait3A_140 = tpu.memref_squeeze %dma_wait3A_139 : memref<1x1x120xi32, #tpu.memory_space<hbm>> -> memref<120xi32, #tpu.memory_space<hbm>>
        tpu.wait_dma2 semaphore(%arg17 : memref<!tpu.dma_semaphore, #tpu.memory_space<semaphore_mem>>) src(%dma_wait3A_140 : memref<120xi32, #tpu.memory_space<hbm>>) dst(%arg10 : memref<120xi32, #tpu.memory_space<vmem>>)
        %dma_start3A = arith.constant 0 : i32
        %dma_start3A_141 = arith.constant 0 : i32
        %dma_start3A_142 = tpu.memref_slice %arg4[%dma_start3A, %dma_start3A_141] : memref<10240x128xf32, #tpu.memory_space<hbm>> -> memref<10240x128xf32, #tpu.memory_space<hbm>>
        tpu.enqueue_indirect_dma source(%dma_start3A_142 : memref<10240x128xf32, #tpu.memory_space<hbm>>) target(%arg13 : memref<120x128xf32, #tpu.memory_space<vmem>>) offsets(%arg7 : memref<120xi32, #tpu.memory_space<vmem>>) semaphore(%arg20 : memref<!tpu.dma_semaphore, #tpu.memory_space<semaphore_mem>>)
      } else {
      }
      %ge3A_118 = arith.constant 2 : i32
      %ge3A_119 = arith.cmpi sge, %add3A_95, %ge3A_118 : i32
      %add3A_120 = arith.constant 2 : i32
      %add3A_121 = arith.addi %select_n3A, %add3A_120 : i32
      %lt3A_122 = arith.cmpi slt, %add3A_95, %add3A_121 : i32
      %and3A_123 = arith.andi %ge3A_119, %lt3A_122 : i1
      %convert_element_type3A_124 = arith.extui %and3A_123 : i1 to i32
      %cond3A_125 = arith.constant 0 : i32
      %cond3A_126 = arith.cmpi ne, %convert_element_type3A_124, %cond3A_125 : i32
      scf.if %cond3A_126 {
        %dma_wait3A = arith.constant 0 : i32
        %dma_wait3A_127 = arith.constant 0 : i32
        %dma_wait3A_128 = tpu.memref_slice %arg4[%dma_wait3A, %dma_wait3A_127] : memref<10240x128xf32, #tpu.memory_space<hbm>> -> memref<10240x128xf32, #tpu.memory_space<hbm>>
        tpu.wait_indirect_dma semaphore(%arg19 : memref<!tpu.dma_semaphore, #tpu.memory_space<semaphore_mem>>) src(%dma_wait3A_128 : memref<10240x128xf32, #tpu.memory_space<hbm>>) dst(%arg12 : memref<120x128xf32, #tpu.memory_space<vmem>>)
        %dma_start3A = arith.constant 0 : i32
        %dma_start3A_129 = arith.constant 0 : i32
        %dma_start3A_130 = tpu.memref_slice %arg15[%dma_start3A, %dma_start3A_129] : memref<10240x128xf32, #tpu.memory_space<vmem_shared>> -> memref<10240x128xf32, #tpu.memory_space<vmem_shared>>
        tpu.enqueue_indirect_dma source(%arg12 : memref<120x128xf32, #tpu.memory_space<vmem>>) target(%dma_start3A_130 : memref<10240x128xf32, #tpu.memory_space<vmem_shared>>) offsets(%arg9 : memref<120xi32, #tpu.memory_space<vmem>>) semaphore(%arg22 : memref<!tpu.dma_semaphore, #tpu.memory_space<semaphore_mem>>) {add = true}
      } else {
      }
    }
    %scan3A_19 = arith.constant 36 : i32
    %barrier3A_20 = arith.constant 0 : index
    tpu.barrier barrier_id(%barrier3A_20)
    %scan3A_21 = arith.constant 0 : i32
    %scan3A_22 = arith.constant 0 : i32
    %scan3A_23 = arith.constant 8 : i32
    %scan3A_24 = arith.addi %scan3A_22, %scan3A_23 : i32
    %scan3A_25 = arith.constant 1 : i32
    scf.for %scan3A_27 = %scan3A_22 to %scan3A_24 step %scan3A_25  : i32 {
      %mul3A_28 = arith.constant 640 : i32
      %mul3A_29 = arith.muli %arg1, %mul3A_28 : i32
      %mul3A_30 = arith.constant 80 : i32
      %mul3A_31 = arith.muli %scan3A_27, %mul3A_30 : i32
      %add3A = arith.addi %mul3A_29, %mul3A_31 : i32
      %mul3A_32 = arith.constant 10240 : i32
      %mul3A_33 = arith.muli %arg0, %mul3A_32 : i32
      %add3A_34 = arith.addi %mul3A_33, %add3A : i32
      "tpu.region"() ({
        %run_scoped3A = tpu.sem_alloc : memref<!tpu.dma_semaphore, #tpu.memory_space<semaphore_mem>>
        %dma_start3A = arith.constant 0 : i32
        %dma_start3A_35 = tpu.memref_slice %arg5[%add3A_34, %dma_start3A] : memref<20480x128xf32, #tpu.memory_space<hbm>> -> memref<80x128xf32, #tpu.memory_space<hbm>>
        %dma_start3A_36 = arith.constant 0 : i32
        %dma_start3A_37 = tpu.memref_slice %arg15[%add3A, %dma_start3A_36] : memref<10240x128xf32, #tpu.memory_space<vmem_shared>> -> memref<80x128xf32, #tpu.memory_space<vmem_shared>>
        tpu.enqueue_dma source(%dma_start3A_37 : memref<80x128xf32, #tpu.memory_space<vmem_shared>>) target(%dma_start3A_35 : memref<80x128xf32, #tpu.memory_space<hbm>>) target_semaphore(%run_scoped3A : memref<!tpu.dma_semaphore, #tpu.memory_space<semaphore_mem>>)
        %dma_wait3A = arith.constant 0 : i32
        %dma_wait3A_38 = tpu.memref_slice %arg5[%add3A_34, %dma_wait3A] : memref<20480x128xf32, #tpu.memory_space<hbm>> -> memref<80x128xf32, #tpu.memory_space<hbm>>
        %dma_wait3A_39 = arith.constant 0 : i32
        %dma_wait3A_40 = tpu.memref_slice %arg15[%add3A, %dma_wait3A_39] : memref<10240x128xf32, #tpu.memory_space<vmem_shared>> -> memref<80x128xf32, #tpu.memory_space<vmem_shared>>
        tpu.wait_dma2 semaphore(%run_scoped3A : memref<!tpu.dma_semaphore, #tpu.memory_space<semaphore_mem>>) src(%dma_wait3A_40 : memref<80x128xf32, #tpu.memory_space<vmem_shared>>) dst(%dma_wait3A_38 : memref<80x128xf32, #tpu.memory_space<hbm>>)
        tpu.yield
      }) : () -> ()
    }
    %scan3A_26 = arith.constant 8 : i32
    return
  }
}

module attributes {stable_mosaic.version = 14 : i64} {
  func.func @_tc_mm_body(%arg0: memref<10240x128xf32, #tpu.memory_space<vmem>>, %arg1: memref<128x128xf32, #tpu.memory_space<vmem>>, %arg2: memref<10240x128xf32, #tpu.memory_space<vmem>>) attributes {dimension_semantics = [], scalar_prefetch = 0 : i64, scratch_operands = 0 : i64, tpu.core_type = #tpu.core_type<tc>} {
    %get3A = arith.constant 0 : index
    %get3A_0 = arith.constant 0 : index
    %get3A_1 = vector.load %arg0[%get3A, %get3A_0] : memref<10240x128xf32, #tpu.memory_space<vmem>>, vector<10240x128xf32>
    %get3A_2 = arith.constant 0 : index
    %get3A_3 = arith.constant 0 : index
    %get3A_4 = vector.load %arg1[%get3A_2, %get3A_3] : memref<128x128xf32, #tpu.memory_space<vmem>>, vector<128x128xf32>
    %dot_general3A = arith.constant dense<0.000000e+00> : vector<10240x128xf32>
    %dot_general3A_5 = tpu.matmul %get3A_1, %get3A_4, %dot_general3A {dimension_numbers = #tpu.dot_dimension_numbers<[1], [0], [0], [1], [0, 0, 1, 1], [], []>, transpose_lhs_hint = false} : vector<10240x128xf32>, vector<128x128xf32>, vector<10240x128xf32> -> vector<10240x128xf32>
    %swap3A = arith.constant 0 : index
    %swap3A_6 = arith.constant 0 : index
    %swap3A_7 = vector.load %arg2[%swap3A, %swap3A_6] : memref<10240x128xf32, #tpu.memory_space<vmem>>, vector<10240x128xf32>
    tpu.vector_store %arg2[%swap3A, %swap3A_6], %dot_general3A_5 {strides = array<i32>} : memref<10240x128xf32, #tpu.memory_space<vmem>>, vector<10240x128xf32>,
    return
  }
}

module attributes {stable_mosaic.version = 14 : i64} {
  func.func @_tc_dinv_g_body(%arg0: memref<2x10240x1xf32, #tpu.memory_space<vmem>>, %arg1: memref<10240x128xf32, #tpu.memory_space<vmem>>, %arg2: memref<10240x1xf32, #tpu.memory_space<vmem>>, %arg3: memref<10240x128xf32, #tpu.memory_space<vmem>>) attributes {dimension_semantics = [], scalar_prefetch = 0 : i64, scratch_operands = 0 : i64, tpu.core_type = #tpu.core_type<tc>} {
    %get3A = arith.constant 0 : index
    %get3A_0 = arith.constant 0 : index
    %get3A_1 = arith.constant 0 : index
    %get3A_2 = vector.load %arg0[%get3A, %get3A_0, %get3A_1] : memref<2x10240x1xf32, #tpu.memory_space<vmem>>, vector<1x10240x1xf32>
    %get3A_3 = vector.shape_cast %get3A_2 : vector<1x10240x1xf32> to vector<10240x1xf32>
    %get3A_4 = arith.constant 1 : index
    %get3A_5 = arith.constant 0 : index
    %get3A_6 = arith.constant 0 : index
    %get3A_7 = vector.load %arg0[%get3A_4, %get3A_5, %get3A_6] : memref<2x10240x1xf32, #tpu.memory_space<vmem>>, vector<1x10240x1xf32>
    %get3A_8 = vector.shape_cast %get3A_7 : vector<1x10240x1xf32> to vector<10240x1xf32>
    %add3A = arith.addf %get3A_3, %get3A_8 : vector<10240x1xf32>
    %add3A_9 = arith.constant 1.000000e+00 : f32
    %add3A_10 = vector.broadcast %add3A_9 : f32 to vector<10240x1xf32>
    %add3A_11 = arith.addf %add3A, %add3A_10 : vector<10240x1xf32>
    %rsqrt3A = math.rsqrt %add3A_11 : vector<10240x1xf32>
    %swap3A = arith.constant 0 : index
    %swap3A_12 = arith.constant 0 : index
    %swap3A_13 = vector.load %arg2[%swap3A, %swap3A_12] : memref<10240x1xf32, #tpu.memory_space<vmem>>, vector<10240x1xf32>
    tpu.vector_store %arg2[%swap3A, %swap3A_12], %rsqrt3A {strides = array<i32>} : memref<10240x1xf32, #tpu.memory_space<vmem>>, vector<10240x1xf32>,
    %get3A_14 = arith.constant 0 : index
    %get3A_15 = arith.constant 0 : index
    %get3A_16 = vector.load %arg1[%get3A_14, %get3A_15] : memref<10240x128xf32, #tpu.memory_space<vmem>>, vector<10240x128xf32>
    %mul3A = vector.broadcast %rsqrt3A : vector<10240x1xf32> to vector<10240x128xf32>
    %mul3A_17 = arith.mulf %mul3A, %get3A_16 : vector<10240x128xf32>
    %swap3A_18 = arith.constant 0 : index
    %swap3A_19 = arith.constant 0 : index
    %swap3A_20 = vector.load %arg3[%swap3A_18, %swap3A_19] : memref<10240x128xf32, #tpu.memory_space<vmem>>, vector<10240x128xf32>
    tpu.vector_store %arg3[%swap3A_18, %swap3A_19], %mul3A_17 {strides = array<i32>} : memref<10240x128xf32, #tpu.memory_space<vmem>>, vector<10240x128xf32>,
    return
  }
}

module attributes {stable_mosaic.version = 14 : i64} {
  func.func @_tc_mid_body(%arg0: memref<2x10240x128xf32, #tpu.memory_space<vmem>>, %arg1: memref<10240x128xf32, #tpu.memory_space<vmem>>, %arg2: memref<10240x1xf32, #tpu.memory_space<vmem>>, %arg3: memref<1x128xf32, #tpu.memory_space<vmem>>, %arg4: memref<128x128xf32, #tpu.memory_space<vmem>>, %arg5: memref<10240x128xf32, #tpu.memory_space<vmem>>) attributes {dimension_semantics = [], scalar_prefetch = 0 : i64, scratch_operands = 0 : i64, tpu.core_type = #tpu.core_type<tc>} {
    %get3A = arith.constant 0 : index
    %get3A_0 = arith.constant 0 : index
    %get3A_1 = vector.load %arg2[%get3A, %get3A_0] : memref<10240x1xf32, #tpu.memory_space<vmem>>, vector<10240x1xf32>
    %get3A_2 = arith.constant 0 : index
    %get3A_3 = arith.constant 0 : index
    %get3A_4 = arith.constant 0 : index
    %get3A_5 = vector.load %arg0[%get3A_2, %get3A_3, %get3A_4] : memref<2x10240x128xf32, #tpu.memory_space<vmem>>, vector<1x10240x128xf32>
    %get3A_6 = vector.shape_cast %get3A_5 : vector<1x10240x128xf32> to vector<10240x128xf32>
    %get3A_7 = arith.constant 1 : index
    %get3A_8 = arith.constant 0 : index
    %get3A_9 = arith.constant 0 : index
    %get3A_10 = vector.load %arg0[%get3A_7, %get3A_8, %get3A_9] : memref<2x10240x128xf32, #tpu.memory_space<vmem>>, vector<1x10240x128xf32>
    %get3A_11 = vector.shape_cast %get3A_10 : vector<1x10240x128xf32> to vector<10240x128xf32>
    %add3A = arith.addf %get3A_6, %get3A_11 : vector<10240x128xf32>
    %get3A_12 = arith.constant 0 : index
    %get3A_13 = arith.constant 0 : index
    %get3A_14 = vector.load %arg1[%get3A_12, %get3A_13] : memref<10240x128xf32, #tpu.memory_space<vmem>>, vector<10240x128xf32>
    %add3A_15 = arith.addf %add3A, %get3A_14 : vector<10240x128xf32>
    %mul3A = vector.broadcast %get3A_1 : vector<10240x1xf32> to vector<10240x128xf32>
    %mul3A_16 = arith.mulf %mul3A, %add3A_15 : vector<10240x128xf32>
    %get3A_17 = arith.constant 0 : index
    %get3A_18 = arith.constant 0 : index
    %get3A_19 = vector.load %arg3[%get3A_17, %get3A_18] : memref<1x128xf32, #tpu.memory_space<vmem>>, vector<1x128xf32>
    %add3A_20 = vector.broadcast %get3A_19 : vector<1x128xf32> to vector<10240x128xf32>
    %add3A_21 = arith.addf %mul3A_16, %add3A_20 : vector<10240x128xf32>
    %max3A = arith.constant 0.000000e+00 : f32
    %max3A_22 = vector.broadcast %max3A : f32 to vector<10240x128xf32>
    %max3A_23 = arith.maximumf %add3A_21, %max3A_22 : vector<10240x128xf32>
    %get3A_24 = arith.constant 0 : index
    %get3A_25 = arith.constant 0 : index
    %get3A_26 = vector.load %arg2[%get3A_24, %get3A_25] : memref<10240x1xf32, #tpu.memory_space<vmem>>, vector<10240x1xf32>
    %get3A_27 = arith.constant 0 : index
    %get3A_28 = arith.constant 0 : index
    %get3A_29 = vector.load %arg4[%get3A_27, %get3A_28] : memref<128x128xf32, #tpu.memory_space<vmem>>, vector<128x128xf32>
    %dot_general3A = arith.constant dense<0.000000e+00> : vector<10240x128xf32>
    %dot_general3A_30 = tpu.matmul %max3A_23, %get3A_29, %dot_general3A {dimension_numbers = #tpu.dot_dimension_numbers<[1], [0], [0], [1], [0, 0, 1, 1], [], []>, transpose_lhs_hint = false} : vector<10240x128xf32>, vector<128x128xf32>, vector<10240x128xf32> -> vector<10240x128xf32>
    %mul3A_31 = vector.broadcast %get3A_26 : vector<10240x1xf32> to vector<10240x128xf32>
    %mul3A_32 = arith.mulf %mul3A_31, %dot_general3A_30 : vector<10240x128xf32>
    %swap3A = arith.constant 0 : index
    %swap3A_33 = arith.constant 0 : index
    %swap3A_34 = vector.load %arg5[%swap3A, %swap3A_33] : memref<10240x128xf32, #tpu.memory_space<vmem>>, vector<10240x128xf32>
    tpu.vector_store %arg5[%swap3A, %swap3A_33], %mul3A_32 {strides = array<i32>} : memref<10240x128xf32, #tpu.memory_space<vmem>>, vector<10240x128xf32>,
    return
  }
}

module attributes {stable_mosaic.version = 14 : i64} {
  func.func @_tc_fin_body(%arg0: memref<2x10240x128xf32, #tpu.memory_space<vmem>>, %arg1: memref<10240x128xf32, #tpu.memory_space<vmem>>, %arg2: memref<10240x1xf32, #tpu.memory_space<vmem>>, %arg3: memref<1x128xf32, #tpu.memory_space<vmem>>, %arg4: memref<10240x128xf32, #tpu.memory_space<vmem>>) attributes {dimension_semantics = [], scalar_prefetch = 0 : i64, scratch_operands = 0 : i64, tpu.core_type = #tpu.core_type<tc>} {
    %get3A = arith.constant 0 : index
    %get3A_0 = arith.constant 0 : index
    %get3A_1 = vector.load %arg2[%get3A, %get3A_0] : memref<10240x1xf32, #tpu.memory_space<vmem>>, vector<10240x1xf32>
    %get3A_2 = arith.constant 0 : index
    %get3A_3 = arith.constant 0 : index
    %get3A_4 = arith.constant 0 : index
    %get3A_5 = vector.load %arg0[%get3A_2, %get3A_3, %get3A_4] : memref<2x10240x128xf32, #tpu.memory_space<vmem>>, vector<1x10240x128xf32>
    %get3A_6 = vector.shape_cast %get3A_5 : vector<1x10240x128xf32> to vector<10240x128xf32>
    %get3A_7 = arith.constant 1 : index
    %get3A_8 = arith.constant 0 : index
    %get3A_9 = arith.constant 0 : index
    %get3A_10 = vector.load %arg0[%get3A_7, %get3A_8, %get3A_9] : memref<2x10240x128xf32, #tpu.memory_space<vmem>>, vector<1x10240x128xf32>
    %get3A_11 = vector.shape_cast %get3A_10 : vector<1x10240x128xf32> to vector<10240x128xf32>
    %add3A = arith.addf %get3A_6, %get3A_11 : vector<10240x128xf32>
    %get3A_12 = arith.constant 0 : index
    %get3A_13 = arith.constant 0 : index
    %get3A_14 = vector.load %arg1[%get3A_12, %get3A_13] : memref<10240x128xf32, #tpu.memory_space<vmem>>, vector<10240x128xf32>
    %add3A_15 = arith.addf %add3A, %get3A_14 : vector<10240x128xf32>
    %mul3A = vector.broadcast %get3A_1 : vector<10240x1xf32> to vector<10240x128xf32>
    %mul3A_16 = arith.mulf %mul3A, %add3A_15 : vector<10240x128xf32>
    %get3A_17 = arith.constant 0 : index
    %get3A_18 = arith.constant 0 : index
    %get3A_19 = vector.load %arg3[%get3A_17, %get3A_18] : memref<1x128xf32, #tpu.memory_space<vmem>>, vector<1x128xf32>
    %add3A_20 = vector.broadcast %get3A_19 : vector<1x128xf32> to vector<10240x128xf32>
    %add3A_21 = arith.addf %mul3A_16, %add3A_20 : vector<10240x128xf32>
    %swap3A = arith.constant 0 : index
    %swap3A_22 = arith.constant 0 : index
    %swap3A_23 = vector.load %arg4[%swap3A, %swap3A_22] : memref<10240x128xf32, #tpu.memory_space<vmem>>, vector<10240x128xf32>
    tpu.vector_store %arg4[%swap3A, %swap3A_22], %add3A_21 {strides = array<i32>} : memref<10240x128xf32, #tpu.memory_space<vmem>>, vector<10240x128xf32>,
    return
  }
}

</mosaic_0001>

<sc_bundles>
// kernel: kernel.12.cloned.1.call-start
scs
__scs_entry_jumppad:
0x0: {  	(pc) =	sbr.rel $0x88, $3  }
0x1: {  	(tag) =	ssettag $0x0;
	lr =	simm.s32 $0x1  }
0x2: {  	[smem:$0x3F9B] =	sst lr;
	_ =	strace $0xD0000000  }
0x3: {  	_ = 	snop  }
0x4: {  	_ = 	snop  }
0x5: {  	_ = 	snop  }
0x6: {  	_ = 	snop  }
0x7: {  	_ = 	snop  }
__scs_overlays_trampoline_lowered:
0x8: {  	[smem:$0x3FAA] =	sst s0  }
0x9: {  	[smem:$0x3FAB] =	sst s1  }
0xa: {  	[smem:$0x3FAC] =	sst s2  }
0xb: {  	[smem:$0x3FAD] =	sst s3  }
0xc: {  	[smem:$0x3FAE] =	sst s4  }
0xd: {  	[smem:$0x3FAF] =	sst s5  }
0xe: {  	[smem:$0x3FB0] =	sst s6  }
0xf: {  	[smem:$0x3FB1] =	sst s7  }
0x10: {  	[smem:$0x3FB2] =	sst s8  }
0x11: {  	[smem:$0x3FB3] =	sst s9;
	s0 =	simm.s32 @!p0 $0x0  }
0x12: {  	s1 =	sld [smem:$0x3F99];
	s0 =	simm.s32 @p0 $0x1  }
0x13: {  	[smem:$0x3FB4] =	sst s0;
	s0 =	simm.s32 @!p1 $0x0  }
0x14: {  	s2 =	sld [smem:$0x3F98];
	s0 =	simm.s32 @p1 $0x1  }
0x15: {  	[smem:$0x3FB5] =	sst s0;
	s0 =	simm.s32 @!p2 $0x0  }
0x16: {  	s3 =	sld [smem:$0x3FDB];
	s0 =	simm.s32 @p2 $0x1  }
0x17: {  	s4 =	simm.s32 $0x1BF5;
	[smem:$0x3FB7] =	sst s0  }
0x18: {  	s0 =	sld [smem:$0x3F9A];
	_ =	swait.ge [sflag:s4], $0x0  }
0x19: {  	s7 =	sld [smem:$0x3F9B]  }
0x1a: {  	s8 =	sadd.s32 $0xFFFFE003, lr  }
0x1b: {  	s9 =	sadd.s32 $0xFFFFFEF7, lr;
	s5 =	simm.s32 $0xFFFFFFFF;
	p2 =	slt.u32 s8, $0xFFFFF086  }
0x1c: {  	p1 =	slt.u32 s9, $0xF7A;
	s5 =	simm.s32 @!p2 $0x0  }
0x1d: {  	s5 =	simm.s32 @p1 $0x1;
	p0 =	seq.s32 s7, s2  }
0x1e: {  	s7 =	smul.u32 @!p0 $0xF7A, s2;
	p2 =	seq.s32 @!p0 s5, $0x0  }
0x1f: {  	s9 =	smul.u32 $0xF7A, s1;
	s8 =	simm.s32 @!p0 $0x1BF5;
	p2 =	por !p2, p0  }
0x20: {  	[sflag:s8] =	ssyncset.s32 @!p0 $0xFFFFF086;
	s6 =	sadd.s32 @!p0 s3, s7;
	s7 =	simm.s32 @!p0 $0x108  }
0x21: {  	s3 =	sadd.s32 s3, s9;
	s6 =	sadd.s32 @!p0 $0x88, s6;
	s7 =	simm.s32 @p2 $0x1082  }
0x22: {  	[simem:s7], [sflag:s8] =	dma.local @!p0 [hbm:s6], $0xF7A  }
0x23: {  	s9 =	sor.u32 $0xD0000000, s2;
	s6 =	simm.s32 $0x108;
	_ =	swait.ge @!p0 [sflag:s8], $0x0  }
0x24: {  	s3 =	sadd.s32 $0x88, s3;
	s6 =	simm.s32 @!p1 $0x1082;
	[sflag:s4] =	ssyncset.s32 $0xFFFFF086  }
0x25: {  	[simem:s6], [sflag:s4] =	dma.local [hbm:s3], $0xF7A  }
0x26: {  	[smem:$0x3F9B] =	sst s1;
	(tag) =	ssettag s2;
	_ =	strace s9  }
0x27: {  	s1 =	sld [smem:$0x3FAB]  }
0x28: {  	s2 =	sld [smem:$0x3FAC]  }
0x29: {  	s4 =	sld [smem:$0x3FAE]  }
0x2a: {  	p0 =	seq.s32 s5, $0x0;
	s5 =	sld [smem:$0x3FAF]  }
0x2b: {  	s6 =	sld [smem:$0x3FB0]  }
0x2c: {  	s7 =	sld [smem:$0x3FB1]  }
0x2d: {  	s3 =	simm.s32 $0x108;
	s8 =	sld [smem:$0x3FB2]  }
0x2e: {  	s3 =	simm.s32 @!p0 $0x1082;
	s9 =	sld [smem:$0x3FB3]  }
0x2f: {  	lr =	sadd.s32 s0, s3;
	s0 =	sld [smem:$0x3FAA]  }
0x30: {  	s3 =	sld [smem:$0x3FAD]  }
0x31: {  	[smem:$0x3FB6] =	sst s10  }
0x32: {  	s10 =	sld [smem:$0x3FB4];
	_ =	sdelay $0x3  }
0x33: {  	p0 =	seq.s32 s10, $0x1;
	s10 =	sld [smem:$0x3FB6];
	_ =	sdelay $0x3  }
0x34: {  	[smem:$0x3FB6] =	sst s10  }
0x35: {  	s10 =	sld [smem:$0x3FB5];
	_ =	sdelay $0x3  }
0x36: {  	p1 =	seq.s32 s10, $0x1;
	s10 =	sld [smem:$0x3FB6];
	_ =	sdelay $0x3  }
0x37: {  	[smem:$0x3FB6] =	sst s10  }
0x38: {  	s10 =	sld [smem:$0x3FB7]  }
0x39: {  	_ = 	snop;
	(pc) =	sbr.ind lr, $3  }
0x3a: {  	_ = 	snop  }
0x3b: {  	_ = 	snop  }
0x3c: {  	p2 =	seq.s32 s10, $0x1;
	s10 =	sld [smem:$0x3FB6]  }
0x3d: {  	_ =	shalt  }
0x3e: {  	_ =	shalt  }
0x3f: {  	_ =	shalt  }
0x40: {  	_ =	shalt  }
0x41: {  	_ =	shalt  }
0x42: {  	_ =	shalt  }
0x43: {  	_ =	shalt  }
0x44: {  	_ =	shalt  }
0x45: {  	_ =	shalt  }
0x46: {  	_ =	shalt  }
0x47: {  	_ =	shalt  }
0x48: {  	_ =	shalt  }
0x49: {  	_ =	shalt  }
0x4a: {  	_ =	shalt  }
0x4b: {  	_ =	shalt  }
0x4c: {  	_ =	shalt  }
0x4d: {  	_ =	shalt  }
0x4e: {  	_ =	shalt  }
0x4f: {  	_ =	shalt  }
0x50: {  	_ =	shalt  }
0x51: {  	_ =	shalt  }
0x52: {  	_ =	shalt  }
0x53: {  	_ =	shalt  }
0x54: {  	_ =	shalt  }
0x55: {  	_ =	shalt  }
0x56: {  	_ =	shalt  }
0x57: {  	_ =	shalt  }
0x58: {  	_ =	shalt  }
0x59: {  	_ =	shalt  }
0x5a: {  	_ =	shalt  }
0x5b: {  	_ =	shalt  }
0x5c: {  	_ =	shalt  }
0x5d: {  	_ =	shalt  }
0x5e: {  	_ =	shalt  }
0x5f: {  	_ =	shalt  }
0x60: {  	_ =	shalt  }
0x61: {  	_ =	shalt  }
0x62: {  	_ =	shalt  }
0x63: {  	_ =	shalt  }
0x64: {  	_ =	shalt  }
0x65: {  	_ =	shalt  }
0x66: {  	_ =	shalt  }
0x67: {  	_ =	shalt  }
0x68: {  	_ =	shalt  }
0x69: {  	_ =	shalt  }
0x6a: {  	_ =	shalt  }
0x6b: {  	_ =	shalt  }
0x6c: {  	_ =	shalt  }
0x6d: {  	_ =	shalt  }
0x6e: {  	_ =	shalt  }
0x6f: {  	_ =	shalt  }
0x70: {  	_ =	shalt  }
0x71: {  	_ =	shalt  }
0x72: {  	_ =	shalt  }
0x73: {  	_ =	shalt  }
0x74: {  	_ =	shalt  }
0x75: {  	_ =	shalt  }
0x76: {  	_ =	shalt  }
0x77: {  	_ =	shalt  }
0x78: {  	_ =	shalt  }
0x79: {  	_ =	shalt  }
0x7a: {  	_ =	shalt  }
0x7b: {  	_ =	shalt  }
0x7c: {  	_ =	shalt  }
0x7d: {  	_ =	shalt  }
0x7e: {  	_ =	shalt  }
0x7f: {  	_ =	shalt  }
0x80: {  	_ =	shalt  }
0x81: {  	_ =	shalt  }
0x82: {  	_ =	shalt  }
0x83: {  	_ =	shalt  }
0x84: {  	_ =	shalt  }
0x85: {  	_ =	shalt  }
0x86: {  	_ =	shalt  }
0x87: {  	_ =	shalt  }
.Lfunc_end0:
.L_simem_size_0:
called_computation.1_lowered:
.L_overlay_start_0:
0x88: {  	s2 =	sld [smem:$0x3FD9]  }
0x89: {  	s3 =	sld [smem:$0x3FFE];
	_ =	sdelay $0x1  }
0x8a: {  	s1 =	srdreg.scid  }
0x8b: {  	s0 =	sand.u32 $0x1, s1  }
0x8c: {  	s17 =	sshll.u32 s0, $0xA;
	s2 =	sadd.s32 s3, s2  }
0x8d: {  	s2 =	sadd.s32 s2, s17  }
0x8e: {  	[smem:$0x3FC2] =	sst s2  }
0x8f: {  	_ = 	snop  }
0x90: {  	s2 =	sld [smem:$0x3FD0];
	(tm) =	ssettm $0x1  }
0x91: {  	s18 =	sld [smem:$0x3FFB];
	_ =	sdelay $0x3  }
0x92: {  	_ =	strace s18  }
0x93: {  	s3 =	sld [smem:$0x3FFC];
	_ =	sdelay $0x3  }
0x94: {  	_ =	strace s3  }
0x95: {  	s3 =	sld [smem:$0x3FFD];
	_ =	sdelay $0x3  }
0x96: {  	_ =	strace s3  }
0x97: {  	_ =	strace $0x8FFFFFFF  }
0x98: {  	s19 =	sld [smem:$0x3FDB];
	_ =	sdelay $0x1  }
0x99: {  	s4 =	simm.s32 $_scs_section_size  }
0x9a: {  	s5 =	simm.s32 $_size__tile_overlayer_lowered;
	s6 =	simm.s32 $_tile_overlayer_lowered  }
0x9b: {  	s22 =	simm.s32 $0x1BFF;
	s21 =	sshll.u32 s6, $0x1;
	s3 =	sadd.s32 s4, s19  }
0x9c: {  	s7 =	simm.s32 $0x0;
	s20 =	sshll.u32 s5, $0x1;
	s5 =	sadd.s32 s21, s3  }
0x9d: {  	[timem:s7], [sflag:s22] =	dma.local [hbm:s5], s20  }
0x9e: {  	_ =	swait.ge [sflag:s22], s20  }
0x9f: {  	s4 =	ssub.s32 $0x0, s20;
	[sflag:s22] =	ssyncset.done $0x0  }
0xa0: {  	[sflag:s22] =	ssyncadd.s32 s4;
	_ =	sdelay $0x1  }
0xa1: {  	s23 =	simm.s32 $0x1B8B  }
0xa2: {  	_ =	swait.ge [sflag:s23], $0x1  }
0xa3: {  	[sflag:s23] =	ssyncset.done $0x0  }
0xa4: {  	s25 =	simm.s32 $0x1B8E;
	s24 =	sld [smem:$0x3FFE];
	[sflag:s23] =	ssyncadd.s32 $0xFFFFFFFF  }
0xa5: {  	s26 =	simm.s32 $execute0_lowered;
	[smem:$0x3FD2] =	sst s25  }
0xa6: {  	s5 =	sshll.u32 s26, $0x1;
	_ =	strace $0x80000049;
	[dreg:$0x1] =	wrdreg $0xFFFFFFFF  }
0xa7: {  	s28 =	simm.s32 $_size_execute0_lowered;
	s3 =	sadd.s32 s3, s5;
	[dreg:$0x0] =	wrdreg $0x0  }
0xa8: {  	s5 =	sshll.u32 s28, $0x1;
	[dreg:$0x2] =	wrdreg s3  }
0xa9: {  	[dreg:$0x3] =	wrdreg s5  }
0xaa: {  	[dreg:$0x4] =	wrdreg $0xC0  }
0xab: {  	_ =	task [dreg:s7], $0x5FFFF  }
0xac: {  	[dreg:$0x1] =	wrdreg $0xFFFFFFFF  }
0xad: {  	[dreg:$0x0] =	wrdreg $0x60  }
0xae: {  	[dreg:$0x2] =	wrdreg s2  }
0xaf: {  	[dreg:$0x3] =	wrdreg s24  }
0xb0: {  	[dreg:$0x4] =	wrdreg $0xB7000  }
0xb1: {  	[dreg:$0x5] =	wrdreg $0x9  }
0xb2: {  	_ =	task.clear_ibuf [dreg:s7], $0x6FFFF;
	_ =	strace $0x90000049  }
0xb3: {  	s29 =	simm.s32 $0x9;
	_ =	strace $0x8000004B  }
0xb4: {  	_ =	swait.ge [sflag:s29], $0x1  }
0xb5: {  	[sflag:s29] =	ssyncadd.s32 $0xFFFFFFFF  }
0xb6: {  	_ =	strace $0x9000004B  }
0xb7: {  	_ =	sfence  }
0xb8: {  	s30 =	sld [smem:$0x0];
	_ =	sdelay $0x2  }
0xb9: {  	s31 =	sshll.u32 s1, $0xD;
	s1 =	sshrl.u32 s1, $0x2  }
0xba: {  	s3 =	sand.u32 $0x4000, s31;
	s1 =	sadd.s32 s1, s30  }
0xbb: {  	s0 =	sor.u32 s3, s0;
	s1 =	sshll.u32 s1, $0x11  }
0xbc: {  	s0 =	sor.u32 s1, s0  }
0xbd: {  	s0 =	sadd.s32 $0x8F2B, s0  }
0xbe: {  	[sflag:s0] =	ssyncadd.remote.s32 $0x1  }
0xbf: {  	_ =	sfence.sel $0xFFFF  }
0xc0: {  	[dreg:$0x0] =	wrdreg $0xFFFFFFFF;
	(pc) =	sbr.abs _section_cstart, $3  }
0xc1: {  	[dreg:$0x1] =	wrdreg $0xFFFFFFFF  }
0xc2: {  	_ =	task.clear_ibuf [dreg:s7], $0x2FFFF;
	_ =	strace $0x9FFFFFFF  }
0xc3: {  	(tm) =	ssettm $0x7FFFFFFF  }
tec
execute0_lowered:
.L_overlay_start_1:
0x0: {  	(tag) =	ssettag $0x1  }
0x1: {  	s1 =	rddreg [dreg:$0x0]  }
0x2: {  	s0 =	rddreg [dreg:$0x1]  }
0x3: {  	s3 =	rddreg [dreg:$0x2]  }
0x4: {  	s2 =	srdreg.scid;
	s4 =	stileid.u32  }
0x5: {  	s20 =	simm.s32 $0x0;
	s31 =	simm.s32 $0xA;
	s6 =	smul.u32 $0x280, s4  }
0x6: {  	s2 =	sand.u32 $0x1, s2;
	[smem:$0x7FF] =	sst s20;
	s28 =	smul.u32 $0x5400, s4  }
0x7: {  	s5 =	sadd.s32 $0x2400, s0;
	s11 =	sadd.s32 $0x34C00, s0;
	s7 =	smul.u32 $0x2800, s2  }
0x8: {  	_ =	strace $0x8000004A;
	s8 =	ssub.s32 $0x2, s2;
	p0 =	seq.s32 s2, $0x0  }
0x9: {  	s2 =	smul.u32 $0x3380, s2;
	s9 =	sshrl.u32 s8, $0x1;
	s21 =	sor.u32 $0x50, s6  }
0xa: {  	s12 =	sadd.s32 $0xA0, s6;
	s13 =	sadd.s32 $0xF0, s6;
	s16 =	sadd.s32 $0x140, s6  }
0xb: {  	s17 =	sadd.s32 $0x190, s6;
	s18 =	sadd.s32 $0x1E0, s6;
	s10 =	sadd.s32 s7, s6  }
0xc: {  	s8 =	ssub.s32 s8, s9;
	s14 =	sadd.s32 s7, s21;
	s6 =	sadd.s32 $0x230, s6  }
0xd: {  	s22 =	sadd.s32 s7, s12;
	s15 =	sadd.s32 s7, s13;
	s25 =	sadd.s32 s7, s17  }
0xe: {  	s26 =	sadd.s32 s7, s18;
	s21 =	sshll.u32 s21, $0x7;
	[dreg:$0x15] =	wrdreg s2  }
0xf: {  	s19 =	sshll.u32 s10, $0x4;
	s10 =	smul.u32 $0x50000, s4;
	s14 =	sshll.u32 s14, $0x4  }
0x10: {  	s15 =	sshll.u32 s15, $0x4;
	s9 =	sadd.s32 s11, s19;
	s14 =	sadd.s32 s11, s14  }
0x11: {  	s19 =	sadd.s32 s7, s16;
	s23 =	sadd.s32 s11, s15;
	[dreg:$0x5] =	wrdreg s9  }
0x12: {  	s15 =	sshll.u32 s26, $0x4;
	s7 =	sadd.s32 s7, s6;
	[dreg:$0x6] =	wrdreg s14  }
0x13: {  	s26 =	sshll.u32 s18, $0x7;
	[dreg:$0x8] =	wrdreg s23;
	s30 =	sadd.s32 s11, s15  }
0x14: {  	s24 =	sshll.u32 s19, $0x4;
	s19 =	smax.u32 s8, $0x1;
	[dreg:$0xb] =	wrdreg s30  }
0x15: {  	s14 =	sshll.u32 s22, $0x4;
	s8 =	sadd.s32 s21, s3;
	[dreg:$0xe] =	wrdreg s19  }
0x16: {  	s23 =	sshll.u32 s13, $0x7;
	s13 =	sadd.s32 s26, s3;
	[dreg:$0xf] =	wrdreg s8  }
0x17: {  	s7 =	sshll.u32 s7, $0x4;
	s14 =	sadd.s32 s11, s14;
	[dreg:$0x14] =	wrdreg s13  }
0x18: {  	s22 =	sshll.u32 s12, $0x7;
	s7 =	sadd.s32 s11, s7;
	[dreg:$0x7] =	wrdreg s14  }
0x19: {  	s15 =	sadd.s32 $0xCC00, s0;
	s9 =	sadd.s32 s22, s3;
	[dreg:$0xc] =	wrdreg s7  }
0x1a: {  	s30 =	sshll.u32 s6, $0x7;
	s14 =	sadd.s32 s11, s24;
	[dreg:$0x10] =	wrdreg s9  }
0x1b: {  	s24 =	sshll.u32 s16, $0x7;
	s6 =	sadd.s32 s30, s3;
	[dreg:$0x9] =	wrdreg s14  }
0x1c: {  	s14 =	sshll.u32 s25, $0x4;
	s12 =	sadd.s32 s24, s3;
	[dreg:$0x16] =	wrdreg s6  }
0x1d: {  	s25 =	sshll.u32 s17, $0x7;
	s14 =	sadd.s32 s11, s14;
	[dreg:$0x12] =	wrdreg s12  }
0x1e: {  	s11 =	sshrl.u32 s10, $0x2;
	s7 =	sadd.s32 s25, s3;
	[dreg:$0xa] =	wrdreg s14  }
0x1f: {  	s14 =	simm.s32 $0x67;
	s10 =	sadd.s32 s11, s3;
	[dreg:$0x13] =	wrdreg s7  }
0x20: {  	s11 =	sadd.s32 s23, s3;
	s14 =	simm.s32 @!p0 $0x40;
	[dreg:$0xd] =	wrdreg s10  }
0x21: {  	v0 =	vimm.f32 $0.0e+00;
	[dreg:$0x11] =	wrdreg s11;
	s26 =	sadd.s32 $0x3, s14;
	s29 =	sadd.s32 $0x2, s14  }
.LBB2_1:
0x22: {  	[dreg:$0x4] =	wrdreg s20;
	s0 =	simm.s32 $0x70;
	s2 =	simm.s32 $0x3C0  }
.LBB2_2:
0x23: {  	p0 =	sne.s32 s2, $0x9FC0;
	[tilespmem:s0+$0x300] =	vst v0  }
0x24: {  	[tilespmem:s0+$0x290] =	vst v0  }
0x25: {  	[tilespmem:s0+$0x2A0] =	vst v0  }
.Ltmp0:
0x26: {  	[tilespmem:s0+$0x2B0] =	vst v0;
	(pc) =	sbr.rel @p0 .LBB2_2-.Ltmp0, $4  }
0x27: {  	[tilespmem:s0+$0x2C0] =	vst v0  }
0x28: {  	[tilespmem:s0+$0x2D0] =	vst v0  }
0x29: {  	[tilespmem:s0+$0x2E0] =	vst v0  }
0x2a: {  	[tilespmem:s0+$0x2F0] =	vst v0;
	s0 =	sshra.s32 s2, $0x2;
	s2 =	sadd.s32 $0x200, s2  }
0x2b: {  	[tilespmem:s0+$0x300] =	vst v0  }
0x2c: {  	[tilespmem:s0+$0x290] =	vst v0  }
0x2d: {  	[tilespmem:s0+$0x2A0] =	vst v0  }
0x2e: {  	[tilespmem:s0+$0x2B0] =	vst v0  }
0x2f: {  	[tilespmem:s0+$0x2C0] =	vst v0  }
0x30: {  	[tilespmem:s0+$0x2D0] =	vst v0  }
0x31: {  	[tilespmem:s0+$0x2E0] =	vst v0  }
0x32: {  	[tilespmem:s0+$0x2F0] =	vst v0;
	s25 =	simm.s32 $0x300  }
0x33: {  	[spmem:s10] =	stream.linear.scatter [tilespmem:s25], [sflag:$0xA], $0x2800, $0x38;
	[tilespmem:$0x1F700] =	vst v63  }
0x34: {  	_ =	swait.ge [sflag:s31], $0x2800  }
0x35: {  	[sflag:s31] =	ssyncset.done $0x0  }
0x36: {  	[sflag:s31] =	ssyncadd.s32 $0xFFFFD800  }
0x37: {  	[spmem:s8] =	stream.linear.scatter [tilespmem:s25], [sflag:$0xA], $0x2800, $0x38;
	[tilespmem:$0x1F700] =	vst v63  }
0x38: {  	_ =	swait.ge [sflag:s31], $0x2800  }
0x39: {  	[sflag:s31] =	ssyncset.done $0x0  }
0x3a: {  	[sflag:s31] =	ssyncadd.s32 $0xFFFFD800  }
0x3b: {  	[spmem:s9] =	stream.linear.scatter [tilespmem:s25], [sflag:$0xA], $0x2800, $0x38;
	[tilespmem:$0x1F700] =	vst v63  }
0x3c: {  	_ =	swait.ge [sflag:s31], $0x2800  }
0x3d: {  	[sflag:s31] =	ssyncset.done $0x0  }
0x3e: {  	[sflag:s31] =	ssyncadd.s32 $0xFFFFD800  }
0x3f: {  	[spmem:s11] =	stream.linear.scatter [tilespmem:s25], [sflag:$0xA], $0x2800, $0x38;
	[tilespmem:$0x1F700] =	vst v63  }
0x40: {  	_ =	swait.ge [sflag:s31], $0x2800  }
0x41: {  	[sflag:s31] =	ssyncset.done $0x0  }
0x42: {  	[sflag:s31] =	ssyncadd.s32 $0xFFFFD800  }
0x43: {  	[spmem:s12] =	stream.linear.scatter [tilespmem:s25], [sflag:$0xA], $0x2800, $0x38;
	[tilespmem:$0x1F700] =	vst v63  }
0x44: {  	_ =	swait.ge [sflag:s31], $0x2800  }
0x45: {  	[sflag:s31] =	ssyncset.done $0x0  }
0x46: {  	[sflag:s31] =	ssyncadd.s32 $0xFFFFD800  }
0x47: {  	[spmem:s7] =	stream.linear.scatter [tilespmem:s25], [sflag:$0xA], $0x2800, $0x38;
	[tilespmem:$0x1F700] =	vst v63  }
0x48: {  	_ =	swait.ge [sflag:s31], $0x2800  }
0x49: {  	[sflag:s31] =	ssyncset.done $0x0  }
0x4a: {  	[sflag:s31] =	ssyncadd.s32 $0xFFFFD800  }
0x4b: {  	[spmem:s13] =	stream.linear.scatter [tilespmem:s25], [sflag:$0xA], $0x2800, $0x38;
	[tilespmem:$0x1F700] =	vst v63  }
0x4c: {  	_ =	swait.ge [sflag:s31], $0x2800  }
0x4d: {  	[sflag:s31] =	ssyncset.done $0x0  }
0x4e: {  	[sflag:s31] =	ssyncadd.s32 $0xFFFFD800  }
0x4f: {  	[spmem:s6] =	stream.linear.scatter [tilespmem:s25], [sflag:$0xA], $0x2800, $0x38;
	[tilespmem:$0x1F700] =	vst v63  }
0x50: {  	p0 =	sle.u32 s14, $0x0;
	p1 =	por $0x1, $0x1;
	_ =	swait.ge [sflag:s31], $0x2800  }
0x51: {  	p2 =	sle.u32 @!p1 s26, $0x0;
	p3 =	slt.u32 @!p1 s14, $0x0;
	s4 =	rddreg [dreg:$0x15]  }
0x52: {  	p2 =	por p2, p1;
	[sflag:s31] =	ssyncset.done $0x0;
	s0 =	sand.u32 @!p0 $0xFC00, s4  }
0x53: {  	[sflag:s31] =	ssyncadd.s32 $0xFFFFD800;
	s2 =	sand.u32 @!p0 $0x380, s4;
	s0 =	sadd.s32 @!p0 s28, s0  }
0x54: {  	s7 =	simm.s32 @!p2 $0x7;
	[bflag:$0x0] =	sbarrier.arrive $0xFFFF;
	s0 =	sor.u32 @!p0 s2, s0  }
0x55: {  	p6 =	sle.u32 @!p1 s29, $0x0;
	_ =	swait.ge @!p2 [sflag:s7], $0x3C00;
	s0 =	sshrl.u32 @!p0 s0, $0x3  }
0x56: {  	s2 =	sadd.s32 @!p0 s1, s0;
	s8 =	sadd.s32 @!p0 s5, s0;
	p0 =	por p0, p0  }
0x57: {  	p4 =	sle.u32 @!p1 s26, $0x1;
	[sflag:s7] =	ssyncset.done @!p2 $0x0;
	p0 =	por p0, p0  }
0x58: {  	p5 =	por p3, p1;
	[sflag:s7] =	ssyncadd.s32 @!p2 $0xFFFFC400;
	s18 =	simm.s32 @!p0 $0x0  }
0x59: {  	[tilespmem:s18], [sflag:$0x1] =	stream.linear.gather @!p0 [hbm4b:s2+s18], $0x80, $0x38;
	[tilespmem:$0x1F700] =	vst v63  }
0x5a: {  	p3 =	sle.u32 @!p1 s29, $0x1;
	s7 =	simm.s32 @!p0 $0x180;
	s2 =	simm.s32 @!p5 $0x3  }
0x5b: {  	[tilespmem:s7], [sflag:$0x1] =	stream.linear.gather @!p0 [hbm4b:s8+s18], $0x80, $0x38;
	[tilespmem:$0x1F700] =	vst v63  }
0x5c: {  	p6 =	por p6, p1;
	p3 =	por p3, p1;
	_ =	swait.ge @!p5 [sflag:s2], $0x80  }
0x5d: {  	p4 =	por p4, p1;
	s24 =	simm.s32 @!p3 $0x6;
	[sflag:s2] =	ssyncset.done @!p5 $0x0  }
0x5e: {  	s12 =	simm.s32 @!p5 $0x100;
	s13 =	simm.s32 @!p5 $0x7B00;
	[sflag:s2] =	ssyncadd.s32 @!p5 $0xFFFFFF80  }
0x5f: {  	s0 =	sadd.s32 $0x180, s4;
	p2 =	sle.u32 s14, $0x3;
	_ =	swait.ge @!p5 [sflag:s2], $0x80  }
0x60: {  	s9 =	sand.u32 @!p2 $0x380, s0;
	s8 =	sand.u32 @!p2 $0xFC00, s0;
	[sflag:s2] =	ssyncset.done @!p5 $0x0  }
0x61: {  	s10 =	sadd.s32 @!p2 s28, s8;
	[sflag:s2] =	ssyncadd.s32 @!p5 $0xFFFFFF80;
	s2 =	simm.s32 @!p5 $0x78  }
0x62: {  	[tilespmem:s13], [sflag:$0x6] =	stream.indirect.gather @!p5 [hbm4b:s15+s2], $0x80, s12, s2, $0xb8;
	[tilespmem:$0x1F700] =	vst v63  }
0x63: {  	s11 =	simm.s32 @!p6 $0x5;
	s6 =	simm.s32 $0x3;
	s2 =	sor.u32 @!p2 s9, s10  }
0x64: {  	p5 =	sle.u32 s14, $0x1;
	s10 =	simm.s32 @!p6 $0x78;
	_ =	swait.ge @!p6 [sflag:s11], $0x3C00  }
0x65: {  	s12 =	simm.s32 @!p6 $0x3F00;
	s9 =	sadd.s32 @!p5 $0x80, s4;
	[sflag:s11] =	ssyncset.done @!p6 $0x0  }
0x66: {  	s2 =	sshrl.u32 @!p2 s2, $0x3;
	[sflag:s11] =	ssyncadd.s32 @!p6 $0xFFFFC400;
	s11 =	simm.s32 @!p6 $0x200  }
0x67: {  	[spmem:s3] =	stream.indirect.scatter.add.f32 @!p6 [tilespmem:s12], [sflag:$0x8], $0x80, s11, s10, $0xb8;
	[tilespmem:$0x1F700] =	vst v63  }
0x68: {  	s11 =	sand.u32 @!p5 $0x1FC00, s9;
	s10 =	sadd.s32 @!p2 s1, s2;
	s9 =	sand.u32 @!p5 $0x380, s9  }
0x69: {  	s12 =	sadd.s32 @!p5 s28, s11;
	s11 =	sadd.s32 @!p2 s5, s2;
	p2 =	por p2, p2  }
0x6a: {  	s25 =	simm.s32 @!p3 $0x280;
	s2 =	sor.u32 @!p5 s9, s12;
	s9 =	simm.s32 @!p2 $0x0  }
0x6b: {  	s17 =	simm.s32 @!p0 $0x78;
	s16 =	simm.s32 @!p0 $0x300;
	s9 =	simm.s32 @p2 $0x1  }
0x6c: {  	s21 =	simm.s32 @!p0 $0x1;
	s12 =	simm.s32 @!p4 $0x8;
	[smem:$0x7FD] =	sst s9  }
0x6d: {  	s8 =	simm.s32 $0x6;
	s13 =	simm.s32 @!p0 $0x4;
	_ =	swait.ge @!p4 [sflag:s12], $0x3C00  }
0x6e: {  	s19 =	simm.s32 @!p5 $0x0;
	s2 =	sshrl.u32 @!p5 s2, $0x3;
	[sflag:s12] =	ssyncset.done @!p4 $0x0  }
0x6f: {  	s20 =	simm.s32 @!p5 $0x80;
	[sflag:s12] =	ssyncadd.s32 @!p4 $0xFFFFC400;
	s12 =	sadd.s32 @!p5 s1, s2  }
0x70: {  	[tilespmem:s20], [sflag:$0x2] =	stream.linear.gather @!p5 [hbm4b:s12+s19], $0x80, $0x38;
	[tilespmem:$0x1F700] =	vst v63  }
0x71: {  	s22 =	simm.s32 @!p5 $0x200;
	p6 =	sle.u32 @!p1 s26, $0x2;
	s2 =	sadd.s32 @!p5 s5, s2  }
0x72: {  	[tilespmem:s22], [sflag:$0x2] =	stream.linear.gather @!p5 [hbm4b:s2+s19], $0x80, $0x38;
	[tilespmem:$0x1F700] =	vst v63  }
0x73: {  	p2 =	por p6, p1;
	p1 =	por $0x0, $0x0;
	_ =	swait.ge @!p0 [sflag:s21], $0x80  }
0x74: {  	s9 =	simm.s32 $0x4;
	p5 =	sle.u32 s14, $0x2;
	[sflag:s21] =	ssyncset.done @!p0 $0x0  }
0x75: {  	p4 =	slt.u32 s14, $0x2;
	s12 =	sadd.s32 @!p5 $0x100, s4;
	[sflag:s21] =	ssyncadd.s32 @!p0 $0xFFFFFF80  }
0x76: {  	s2 =	simm.s32 $0x5;
	s20 =	sand.u32 @!p5 $0x1FC00, s12;
	_ =	swait.ge @!p0 [sflag:s21], $0x80  }
0x77: {  	s22 =	sand.u32 @!p5 $0x380, s12;
	s20 =	sadd.s32 @!p5 s28, s20;
	[sflag:s21] =	ssyncset.done @!p0 $0x0  }
0x78: {  	s19 =	simm.s32 @!p2 $0x9;
	s20 =	sor.u32 @!p5 s22, s20;
	[sflag:s21] =	ssyncadd.s32 @!p0 $0xFFFFFF80  }
0x79: {  	[tilespmem:s16], [sflag:$0x4] =	stream.indirect.gather @!p0 [hbm4b:s15+s17], $0x80, s18, s17, $0xb8;
	[tilespmem:$0x1F700] =	vst v63  }
0x7a: {  	s30 =	simm.s32 @!p5 $0x280;
	s18 =	sshrl.u32 @!p5 s20, $0x3;
	_ =	swait.ge @!p3 [sflag:s24], $0x3C00  }
0x7b: {  	s20 =	simm.s32 @!p3 $0x7B00;
	s22 =	sadd.s32 @!p5 s1, s18;
	[sflag:s24] =	ssyncset.done @!p3 $0x0  }
0x7c: {  	s23 =	sadd.s32 @!p5 s5, s18;
	s18 =	simm.s32 @!p3 $0x78;
	[sflag:s24] =	ssyncadd.s32 @!p3 $0xFFFFC400  }
0x7d: {  	[spmem:s3] =	stream.indirect.scatter.add.f32 @!p3 [tilespmem:s20], [sflag:$0x9], $0x80, s25, s18, $0xb8;
	[tilespmem:$0x1F700] =	vst v63  }
0x7e: {  	s12 =	sadd.s32 $0x180, s0;
	s24 =	simm.s32 @!p5 $0x100;
	s18 =	simm.s32 @!p4 $0x2  }
0x7f: {  	s25 =	simm.s32 @!p5 $0x0;
	p3 =	sle.u32 @!p1 s29, $0x3;
	_ =	swait.ge @!p2 [sflag:s19], $0x3C00  }
.LBB2_4:
0x80: {  	s4 =	simm.s32 @!p3 $0x0;
	p6 =	sge.u32 s8, s14;
	[sflag:s19] =	ssyncset.done @!p2 $0x0  }
0x81: {  	s21 =	smov.u32 s10;
	s20 =	smov.u32 s11;
	s4 =	simm.s32 @p3 $0x1  }
0x82: {  	p3 =	sge.u32 @!p1 s9, s26;
	s10 =	sand.u32 @!p6 $0xFC00, s12;
	[sflag:s19] =	ssyncadd.s32 @!p2 $0xFFFFC400  }
0x83: {  	[tilespmem:s24], [sflag:$0x3] =	stream.linear.gather @!p5 [hbm4b:s22+s25], $0x80, $0x38;
	[tilespmem:$0x1F700] =	vst v63  }
0x84: {  	s11 =	sand.u32 @!p6 $0x380, s12;
	[smem:$0x7F8] =	sst s4;
	s4 =	simm.s32 @!p3 $0x0  }
0x85: {  	[tilespmem:s30], [sflag:$0x3] =	stream.linear.gather @!p5 [hbm4b:s23+s25], $0x80, $0x38;
	[tilespmem:$0x1F700] =	vst v63  }
0x86: {  	s10 =	sadd.s32 @!p6 s28, s10;
	s4 =	simm.s32 @p3 $0x1;
	p5 =	sge.u32 @!p1 s9, s29  }
0x87: {  	s10 =	sor.u32 @!p6 s11, s10;
	[smem:$0x7F9] =	sst s4;
	s19 =	simm.s32 @!p5 $0x0  }
0x88: {  	s4 =	smov.u32 s8;
	s19 =	simm.s32 @p5 $0x1;
	p5 =	sge.u32 @!p1 s2, s26  }
0x89: {  	s8 =	sadd.s32 $0x3, s8;
	[smem:$0x7FB] =	sst s19;
	s11 =	simm.s32 @!p5 $0x0  }
0x8a: {  	_ =	swait.ge @!p4 [sflag:s18], $0x80;
	s11 =	simm.s32 @p5 $0x1;
	p5 =	sne.s32 s8, $0x6C  }
0x8b: {  	[smem:$0x7FA] =	sst s11;
	s11 =	sshrl.u32 @!p6 s10, $0x3;
	s10 =	simm.s32 @!p5 $0x0  }
0x8c: {  	[sflag:s18] =	ssyncset.done @!p4 $0x0;
	s10 =	simm.s32 @p5 $0x1  }
0x8d: {  	[sflag:s18] =	ssyncadd.s32 @!p4 $0xFFFFFF80;
	[smem:$0x7FC] =	sst s10  }
0x8e: {  	p2 =	sgt.u32 @!p1 s6, s14;
	_ =	swait.ge @!p4 [sflag:s18], $0x80  }
0x8f: {  	s19 =	simm.s32 @!p4 $0x3F00;
	p5 =	sge.u32 @!p1 s6, s26;
	[sflag:s18] =	ssyncset.done @!p4 $0x0  }
0x90: {  	s6 =	simm.s32 @!p4 $0x78;
	[sflag:s18] =	ssyncadd.s32 @!p4 $0xFFFFFF80;
	s18 =	simm.s32 @!p4 $0x80  }
0x91: {  	[tilespmem:s19], [sflag:$0x5] =	stream.indirect.gather @!p4 [hbm4b:s15+s6], $0x80, s18, s6, $0xb8;
	[tilespmem:$0x1F700] =	vst v63  }
0x92: {  	_ =	swait.ge @!p0 [sflag:s13], $0x3C00  }
0x93: {  	p5 =	por p5, p1;
	[sflag:s13] =	ssyncset.done @!p0 $0x0  }
0x94: {  	s6 =	smov.u32 s4;
	s4 =	simm.s32 @!p5 $0x7;
	[sflag:s13] =	ssyncadd.s32 @!p0 $0xFFFFC400  }
0x95: {  	[spmem:s3] =	stream.indirect.scatter.add.f32 @!p0 [tilespmem:s16], [sflag:$0x7], $0x80, s7, s17, $0xb8;
	[tilespmem:$0x1F700] =	vst v63  }
0x96: {  	_ =	swait.ge @!p5 [sflag:s4], $0x3C00  }
0x97: {  	p4 =	por p6, p6;
	s22 =	sld [smem:$0x7FD]  }
0x98: {  	s10 =	sadd.s32 @!p6 s1, s11;
	s7 =	simm.s32 @!p4 $0x0  }
0x99: {  	s19 =	smov.u32 s0;
	s7 =	simm.s32 @p4 $0x1;
	s23 =	sld [smem:$0x7F8]  }
0x9a: {  	p4 =	por p2, p1;
	[sflag:s4] =	ssyncset.done @!p5 $0x0;
	p3 =	seq.s32 s22, $0x1  }
0x9b: {  	[smem:$0x7FD] =	sst s7;
	[sflag:s4] =	ssyncadd.s32 @!p5 $0xFFFFC400;
	p0 =	por p3, p3  }
0x9c: {  	s4 =	simm.s32 @!p4 $0x3;
	p5 =	seq.s32 s23, $0x1;
	s18 =	simm.s32 @!p0 $0x0  }
0x9d: {  	[tilespmem:s18], [sflag:$0x1] =	stream.linear.gather @!p0 [hbm4b:s21+s18], $0x80, $0x38;
	[tilespmem:$0x1F700] =	vst v63  }
0x9e: {  	p2 =	por p5, p1;
	p5 =	sge.u32 s9, s14;
	s7 =	simm.s32 @!p0 $0x180  }
0x9f: {  	[tilespmem:s7], [sflag:$0x1] =	stream.linear.gather @!p0 [hbm4b:s20+s18], $0x80, $0x38;
	[tilespmem:$0x1F700] =	vst v63  }
0xa0: {  	s11 =	sadd.s32 @!p6 s5, s11;
	s13 =	sadd.s32 @!p5 $0x80, s19;
	_ =	swait.ge @!p4 [sflag:s4], $0x80  }
0xa1: {  	s17 =	simm.s32 @!p4 $0x100;
	s16 =	sand.u32 @!p5 $0x1FC00, s13;
	[sflag:s4] =	ssyncset.done @!p4 $0x0  }
0xa2: {  	s13 =	sand.u32 @!p5 $0x380, s13;
	s16 =	sadd.s32 @!p5 s28, s16;
	[sflag:s4] =	ssyncadd.s32 @!p4 $0xFFFFFF80  }
0xa3: {  	s9 =	simm.s32 @!p2 $0x5;
	s13 =	sor.u32 @!p5 s13, s16;
	_ =	swait.ge @!p4 [sflag:s4], $0x80  }
0xa4: {  	s21 =	sshrl.u32 @!p5 s13, $0x3;
	[sflag:s4] =	ssyncset.done @!p4 $0x0;
	s24 =	sld [smem:$0x7F9]  }
0xa5: {  	s13 =	simm.s32 @!p4 $0x7B00;
	[sflag:s4] =	ssyncadd.s32 @!p4 $0xFFFFFF80;
	s4 =	simm.s32 @!p4 $0x78  }
0xa6: {  	[tilespmem:s13], [sflag:$0x6] =	stream.indirect.gather @!p4 [hbm4b:s15+s4], $0x80, s17, s4, $0xb8;
	[tilespmem:$0x1F700] =	vst v63  }
0xa7: {  	s22 =	simm.s32 @!p2 $0x3F00;
	p6 =	seq.s32 s24, $0x1;
	_ =	swait.ge @!p2 [sflag:s9], $0x3C00  }
0xa8: {  	s20 =	simm.s32 @!p2 $0x78;
	p3 =	por p6, p1;
	[sflag:s9] =	ssyncset.done @!p2 $0x0  }
0xa9: {  	s4 =	simm.s32 @!p3 $0x8;
	[sflag:s9] =	ssyncadd.s32 @!p2 $0xFFFFC400;
	s9 =	simm.s32 @!p2 $0x200  }
0xaa: {  	[spmem:s3] =	stream.indirect.scatter.add.f32 @!p2 [tilespmem:s22], [sflag:$0x8], $0x80, s9, s20, $0xb8;
	[tilespmem:$0x1F700] =	vst v63  }
0xab: {  	_ =	swait.ge @!p3 [sflag:s4], $0x3C00  }
0xac: {  	s23 =	simm.s32 @!p0 $0x1;
	s20 =	simm.s32 @!p5 $0x0;
	[sflag:s4] =	ssyncset.done @!p3 $0x0  }
0xad: {  	s22 =	simm.s32 @!p5 $0x80;
	[sflag:s4] =	ssyncadd.s32 @!p3 $0xFFFFC400;
	s4 =	sadd.s32 @!p5 s1, s21  }
0xae: {  	[tilespmem:s22], [sflag:$0x2] =	stream.linear.gather @!p5 [hbm4b:s4+s20], $0x80, $0x38;
	[tilespmem:$0x1F700] =	vst v63  }
0xaf: {  	s24 =	simm.s32 @!p5 $0x200;
	s25 =	sld [smem:$0x7FA];
	s4 =	sadd.s32 @!p5 s5, s21  }
0xb0: {  	[tilespmem:s24], [sflag:$0x2] =	stream.linear.gather @!p5 [hbm4b:s4+s20], $0x80, $0x38;
	[tilespmem:$0x1F700] =	vst v63  }
0xb1: {  	s16 =	simm.s32 @!p0 $0x300;
	s17 =	simm.s32 @!p0 $0x78;
	_ =	swait.ge @!p0 [sflag:s23], $0x80  }
0xb2: {  	p4 =	seq.s32 s25, $0x1;
	[sflag:s23] =	ssyncset.done @!p0 $0x0;
	s20 =	sld [smem:$0x7FB]  }
0xb3: {  	p2 =	por p4, p1;
	p5 =	sge.u32 s2, s14;
	[sflag:s23] =	ssyncadd.s32 @!p0 $0xFFFFFF80  }
0xb4: {  	s4 =	sadd.s32 @!p5 $0x100, s19;
	s19 =	simm.s32 @!p2 $0x9;
	_ =	swait.ge @!p0 [sflag:s23], $0x80  }
0xb5: {  	p6 =	seq.s32 s20, $0x1;
	s20 =	sand.u32 @!p5 $0x1FC00, s4;
	s4 =	sand.u32 @!p5 $0x380, s4  }
0xb6: {  	[sflag:s23] =	ssyncset.done @!p0 $0x0;
	p3 =	por p6, p1;
	s20 =	sadd.s32 @!p5 s28, s20  }
0xb7: {  	[sflag:s23] =	ssyncadd.s32 @!p0 $0xFFFFFF80;
	s21 =	simm.s32 @!p3 $0x6;
	s4 =	sor.u32 @!p5 s4, s20  }
0xb8: {  	[tilespmem:s16], [sflag:$0x4] =	stream.indirect.gather @!p0 [hbm4b:s15+s17], $0x80, s18, s17, $0xb8;
	[tilespmem:$0x1F700] =	vst v63  }
0xb9: {  	s20 =	simm.s32 @!p3 $0x280;
	s4 =	sshrl.u32 @!p5 s4, $0x3;
	_ =	swait.ge @!p3 [sflag:s21], $0x3C00  }
0xba: {  	s24 =	simm.s32 @!p3 $0x7B00;
	s22 =	sadd.s32 @!p5 s1, s4;
	[sflag:s21] =	ssyncset.done @!p3 $0x0  }
0xbb: {  	s23 =	sadd.s32 @!p5 s5, s4;
	s4 =	simm.s32 @!p3 $0x78;
	[sflag:s21] =	ssyncadd.s32 @!p3 $0xFFFFC400  }
0xbc: {  	[spmem:s3] =	stream.indirect.scatter.add.f32 @!p3 [tilespmem:s24], [sflag:$0x9], $0x80, s20, s4, $0xb8;
	[tilespmem:$0x1F700] =	vst v63  }
0xbd: {  	_ =	swait.ge @!p2 [sflag:s19], $0x3C00  }
0xbe: {  	s21 =	sld [smem:$0x7FC];
	_ =	sdelay $0x2  }
0xbf: {  	p6 =	seq.s32 s21, $0x1  }
.Ltmp1:
0xc0: {  	_ = 	snop;
	(pc) =	sbr.rel @p6 .LBB2_4-.Ltmp1, $4  }
0xc1: {  	s0 =	smov.u32 s12;
	s12 =	sadd.s32 $0x180, s12;
	s13 =	simm.s32 @!p0 $0x4  }
0xc2: {  	s9 =	sadd.s32 $0x1, s6;
	p4 =	sgt.u32 s2, s14;
	s2 =	sadd.s32 $0x2, s6  }
0xc3: {  	s25 =	simm.s32 @!p5 $0x0;
	s30 =	simm.s32 @!p5 $0x280;
	p1 =	seq.s32 s6, $0x0  }
0xc4: {  	s18 =	simm.s32 @!p4 $0x2;
	p3 =	sge.u32 @!p1 s6, s29;
	s24 =	simm.s32 @!p5 $0x100  }
0xc5: {  	[sflag:s19] =	ssyncset.done @!p2 $0x0  }
0xc6: {  	[sflag:s19] =	ssyncadd.s32 @!p2 $0xFFFFC400  }
0xc7: {  	[tilespmem:s24], [sflag:$0x3] =	stream.linear.gather @!p5 [hbm4b:s22+s25], $0x80, $0x38;
	[tilespmem:$0x1F700] =	vst v63  }
0xc8: {  	_ = 	snop  }
0xc9: {  	[tilespmem:s30], [sflag:$0x3] =	stream.linear.gather @!p5 [hbm4b:s23+s25], $0x80, $0x38;
	[tilespmem:$0x1F700] =	vst v63  }
0xca: {  	_ =	swait.ge @!p4 [sflag:s18], $0x80  }
0xcb: {  	[sflag:s18] =	ssyncset.done @!p4 $0x0  }
0xcc: {  	[sflag:s18] =	ssyncadd.s32 @!p4 $0xFFFFFF80  }
0xcd: {  	_ =	swait.ge @!p4 [sflag:s18], $0x80  }
0xce: {  	s4 =	simm.s32 @!p4 $0x3F00;
	[sflag:s18] =	ssyncset.done @!p4 $0x0  }
0xcf: {  	s8 =	simm.s32 @!p4 $0x78;
	s12 =	simm.s32 @!p4 $0x80;
	[sflag:s18] =	ssyncadd.s32 @!p4 $0xFFFFFF80  }
0xd0: {  	[tilespmem:s4], [sflag:$0x5] =	stream.indirect.gather @!p4 [hbm4b:s15+s8], $0x80, s12, s8, $0xb8;
	[tilespmem:$0x1F700] =	vst v63  }
0xd1: {  	p2 =	sge.u32 @!p1 s6, s26;
	_ =	swait.ge @!p0 [sflag:s13], $0x3C00  }
0xd2: {  	p2 =	por p2, p1;
	[sflag:s13] =	ssyncset.done @!p0 $0x0  }
0xd3: {  	s4 =	simm.s32 @!p2 $0x7;
	[sflag:s13] =	ssyncadd.s32 @!p0 $0xFFFFC400  }
0xd4: {  	[spmem:s3] =	stream.indirect.scatter.add.f32 @!p0 [tilespmem:s16], [sflag:$0x7], $0x80, s7, s17, $0xb8;
	[tilespmem:$0x1F700] =	vst v63  }
0xd5: {  	_ =	swait.ge @!p2 [sflag:s4], $0x3C00  }
0xd6: {  	s30 =	sld [smem:$0x7FD];
	_ =	sdelay $0x2  }
0xd7: {  	p6 =	seq.s32 s30, $0x1  }
0xd8: {  	p4 =	sgt.u32 @!p1 s6, s14;
	[sflag:s4] =	ssyncset.done @!p2 $0x0;
	p0 =	por p6, p6  }
0xd9: {  	[sflag:s4] =	ssyncadd.s32 @!p2 $0xFFFFC400;
	p2 =	por p4, p1;
	s4 =	simm.s32 @!p0 $0x0  }
0xda: {  	[tilespmem:s4], [sflag:$0x1] =	stream.linear.gather @!p0 [hbm4b:s10+s4], $0x80, $0x38;
	[tilespmem:$0x1F700] =	vst v63  }
0xdb: {  	s7 =	simm.s32 @!p2 $0x3;
	s6 =	simm.s32 @!p0 $0x180  }
0xdc: {  	[tilespmem:s6], [sflag:$0x1] =	stream.linear.gather @!p0 [hbm4b:s11+s4], $0x80, $0x38;
	[tilespmem:$0x1F700] =	vst v63  }
0xdd: {  	_ =	swait.ge @!p2 [sflag:s7], $0x80  }
0xde: {  	[sflag:s7] =	ssyncset.done @!p2 $0x0  }
0xdf: {  	[sflag:s7] =	ssyncadd.s32 @!p2 $0xFFFFFF80  }
0xe0: {  	p3 =	por p3, p1;
	_ =	swait.ge @!p2 [sflag:s7], $0x80  }
0xe1: {  	s8 =	simm.s32 @!p3 $0x5;
	s10 =	simm.s32 @!p2 $0x100;
	[sflag:s7] =	ssyncset.done @!p2 $0x0  }
0xe2: {  	s11 =	simm.s32 @!p2 $0x7B00;
	[sflag:s7] =	ssyncadd.s32 @!p2 $0xFFFFFF80;
	s7 =	simm.s32 @!p2 $0x78  }
0xe3: {  	[tilespmem:s11], [sflag:$0x6] =	stream.indirect.gather @!p2 [hbm4b:s15+s7], $0x80, s10, s7, $0xb8;
	[tilespmem:$0x1F700] =	vst v63  }
0xe4: {  	_ =	swait.ge @!p3 [sflag:s8], $0x3C00  }
0xe5: {  	p2 =	sge.u32 s9, s14;
	s7 =	simm.s32 @!p3 $0x78;
	[sflag:s8] =	ssyncset.done @!p3 $0x0  }
0xe6: {  	s10 =	simm.s32 @!p3 $0x3F00;
	[sflag:s8] =	ssyncadd.s32 @!p3 $0xFFFFC400;
	s8 =	simm.s32 @!p3 $0x200  }
0xe7: {  	[spmem:s3] =	stream.indirect.scatter.add.f32 @!p3 [tilespmem:s10], [sflag:$0x8], $0x80, s8, s7, $0xb8;
	[tilespmem:$0x1F700] =	vst v63  }
0xe8: {  	p3 =	sge.u32 @!p1 s9, s26;
	s7 =	sadd.s32 @!p2 $0x80, s0  }
0xe9: {  	s8 =	sand.u32 @!p2 $0x1FC00, s7;
	p3 =	por p3, p1  }
0xea: {  	s7 =	sand.u32 @!p2 $0x380, s7;
	s8 =	sadd.s32 @!p2 s28, s8;
	s10 =	simm.s32 @!p3 $0x8  }
0xeb: {  	s7 =	sor.u32 @!p2 s7, s8;
	_ =	swait.ge @!p3 [sflag:s10], $0x3C00  }
0xec: {  	s11 =	simm.s32 @!p2 $0x80;
	s7 =	sshrl.u32 @!p2 s7, $0x3;
	[sflag:s10] =	ssyncset.done @!p3 $0x0  }
0xed: {  	s8 =	simm.s32 @!p2 $0x0;
	[sflag:s10] =	ssyncadd.s32 @!p3 $0xFFFFC400;
	s10 =	sadd.s32 @!p2 s1, s7  }
0xee: {  	[tilespmem:s11], [sflag:$0x2] =	stream.linear.gather @!p2 [hbm4b:s10+s8], $0x80, $0x38;
	[tilespmem:$0x1F700] =	vst v63  }
0xef: {  	s7 =	sadd.s32 @!p2 s5, s7;
	s10 =	simm.s32 @!p2 $0x200  }
0xf0: {  	[tilespmem:s10], [sflag:$0x2] =	stream.linear.gather @!p2 [hbm4b:s7+s8], $0x80, $0x38;
	[tilespmem:$0x1F700] =	vst v63  }
0xf1: {  	s7 =	simm.s32 @!p0 $0x1  }
0xf2: {  	_ =	swait.ge @!p0 [sflag:s7], $0x80  }
0xf3: {  	[sflag:s7] =	ssyncset.done @!p0 $0x0  }
0xf4: {  	[sflag:s7] =	ssyncadd.s32 @!p0 $0xFFFFFF80  }
0xf5: {  	p2 =	sge.u32 @!p1 s9, s29;
	_ =	swait.ge @!p0 [sflag:s7], $0x80  }
0xf6: {  	s8 =	simm.s32 @!p0 $0x78;
	p2 =	por p2, p1;
	[sflag:s7] =	ssyncset.done @!p0 $0x0  }
0xf7: {  	s9 =	simm.s32 @!p0 $0x300;
	s10 =	simm.s32 @!p2 $0x6;
	[sflag:s7] =	ssyncadd.s32 @!p0 $0xFFFFFF80  }
0xf8: {  	[tilespmem:s9], [sflag:$0x4] =	stream.indirect.gather @!p0 [hbm4b:s15+s8], $0x80, s4, s8, $0xb8;
	[tilespmem:$0x1F700] =	vst v63  }
0xf9: {  	_ =	swait.ge @!p2 [sflag:s10], $0x3C00  }
0xfa: {  	s7 =	simm.s32 @!p2 $0x7B00;
	[sflag:s10] =	ssyncset.done @!p2 $0x0  }
0xfb: {  	s4 =	simm.s32 @!p2 $0x280;
	[sflag:s10] =	ssyncadd.s32 @!p2 $0xFFFFC400;
	s10 =	simm.s32 @!p2 $0x78  }
0xfc: {  	[spmem:s3] =	stream.indirect.scatter.add.f32 @!p2 [tilespmem:s7], [sflag:$0x9], $0x80, s4, s10, $0xb8;
	[tilespmem:$0x1F700] =	vst v63  }
0xfd: {  	p2 =	sge.u32 s2, s14  }
0xfe: {  	p3 =	sge.u32 @!p1 s2, s26;
	s0 =	sadd.s32 @!p2 $0x100, s0  }
0xff: {  	p1 =	por p3, p1;
	s7 =	sand.u32 @!p2 $0x1FC00, s0  }
0x100: {  	s4 =	simm.s32 @!p1 $0x9;
	s0 =	sand.u32 @!p2 $0x380, s0;
	s7 =	sadd.s32 @!p2 s28, s7  }
0x101: {  	_ =	swait.ge @!p1 [sflag:s4], $0x3C00;
	s0 =	sor.u32 @!p2 s0, s7  }
0x102: {  	s10 =	simm.s32 @!p2 $0x100;
	[sflag:s4] =	ssyncset.done @!p1 $0x0;
	s0 =	sshrl.u32 @!p2 s0, $0x3  }
0x103: {  	[sflag:s4] =	ssyncadd.s32 @!p1 $0xFFFFC400;
	s7 =	simm.s32 @!p2 $0x0;
	s4 =	sadd.s32 @!p2 s1, s0  }
0x104: {  	[tilespmem:s10], [sflag:$0x3] =	stream.linear.gather @!p2 [hbm4b:s4+s7], $0x80, $0x38;
	[tilespmem:$0x1F700] =	vst v63  }
0x105: {  	p1 =	sgt.u32 s2, s14;
	s0 =	sadd.s32 @!p2 s5, s0;
	s4 =	simm.s32 @!p2 $0x280  }
0x106: {  	[tilespmem:s4], [sflag:$0x3] =	stream.linear.gather @!p2 [hbm4b:s0+s7], $0x80, $0x38;
	[tilespmem:$0x1F700] =	vst v63  }
0x107: {  	s0 =	simm.s32 @!p1 $0x2  }
0x108: {  	_ =	swait.ge @!p1 [sflag:s0], $0x80  }
0x109: {  	[sflag:s0] =	ssyncset.done @!p1 $0x0  }
0x10a: {  	[sflag:s0] =	ssyncadd.s32 @!p1 $0xFFFFFF80  }
0x10b: {  	_ =	swait.ge @!p1 [sflag:s0], $0x80  }
0x10c: {  	s2 =	simm.s32 @!p1 $0x3F00;
	[sflag:s0] =	ssyncset.done @!p1 $0x0  }
0x10d: {  	s4 =	simm.s32 @!p1 $0x80;
	[sflag:s0] =	ssyncadd.s32 @!p1 $0xFFFFFF80;
	s0 =	simm.s32 @!p1 $0x78  }
0x10e: {  	[tilespmem:s2], [sflag:$0x5] =	stream.indirect.gather @!p1 [hbm4b:s15+s0], $0x80, s4, s0, $0xb8;
	[tilespmem:$0x1F700] =	vst v63  }
0x10f: {  	s0 =	simm.s32 @!p0 $0x4  }
0x110: {  	_ =	swait.ge @!p0 [sflag:s0], $0x3C00  }
0x111: {  	[sflag:s0] =	ssyncset.done @!p0 $0x0  }
0x112: {  	[sflag:s0] =	ssyncadd.s32 @!p0 $0xFFFFC400  }
0x113: {  	[spmem:s3] =	stream.indirect.scatter.add.f32 @!p0 [tilespmem:s9], [sflag:$0x7], $0x80, s6, s8, $0xb8;
	[tilespmem:$0x1F700] =	vst v63  }
0x114: {  	s6 =	stileid.u32;
	[bflag:$0x0] =	sbarrier.arrive $0xFFFF  }
0x115: {  	s0 =	sshll.u32 s6, $0x6;
	s10 =	rddreg [dreg:$0xd]  }
0x116: {  	s0 =	sor.u32 $0x1C0A, s0;
	s8 =	rddreg [dreg:$0x5];
	s7 =	sshrl.u32 s10, $0x3  }
0x117: {  	[hbm:s8], [sflag:s0] =	dma.local [spmem:s7], $0x500  }
0x118: {  	_ =	swait.ge [sflag:s31], $0x500  }
0x119: {  	[sflag:s31] =	ssyncset.done $0x0;
	s8 =	rddreg [dreg:$0xf]  }
0x11a: {  	s11 =	rddreg [dreg:$0x6];
	[sflag:s31] =	ssyncadd.s32 $0xFFFFFB00;
	s9 =	sshrl.u32 s8, $0x3  }
0x11b: {  	[hbm:s11], [sflag:s0] =	dma.local [spmem:s9], $0x500  }
0x11c: {  	_ =	swait.ge [sflag:s31], $0x500  }
0x11d: {  	[sflag:s31] =	ssyncset.done $0x0;
	s9 =	rddreg [dreg:$0x10]  }
0x11e: {  	s13 =	rddreg [dreg:$0x7];
	[sflag:s31] =	ssyncadd.s32 $0xFFFFFB00;
	s12 =	sshrl.u32 s9, $0x3  }
0x11f: {  	[hbm:s13], [sflag:s0] =	dma.local [spmem:s12], $0x500  }
0x120: {  	_ =	swait.ge [sflag:s31], $0x500  }
0x121: {  	[sflag:s31] =	ssyncset.done $0x0;
	s11 =	rddreg [dreg:$0x11]  }
0x122: {  	s17 =	rddreg [dreg:$0x8];
	[sflag:s31] =	ssyncadd.s32 $0xFFFFFB00;
	s16 =	sshrl.u32 s11, $0x3  }
0x123: {  	[hbm:s17], [sflag:s0] =	dma.local [spmem:s16], $0x500  }
0x124: {  	_ =	swait.ge [sflag:s31], $0x500  }
0x125: {  	[sflag:s31] =	ssyncset.done $0x0;
	s12 =	rddreg [dreg:$0x12]  }
0x126: {  	s19 =	rddreg [dreg:$0x9];
	[sflag:s31] =	ssyncadd.s32 $0xFFFFFB00;
	s18 =	sshrl.u32 s12, $0x3  }
0x127: {  	[hbm:s19], [sflag:s0] =	dma.local [spmem:s18], $0x500  }
0x128: {  	_ =	swait.ge [sflag:s31], $0x500  }
0x129: {  	[sflag:s31] =	ssyncset.done $0x0;
	s7 =	rddreg [dreg:$0x13]  }
0x12a: {  	s21 =	rddreg [dreg:$0xa];
	[sflag:s31] =	ssyncadd.s32 $0xFFFFFB00;
	s20 =	sshrl.u32 s7, $0x3  }
0x12b: {  	[hbm:s21], [sflag:s0] =	dma.local [spmem:s20], $0x500  }
0x12c: {  	_ =	swait.ge [sflag:s31], $0x500  }
0x12d: {  	[sflag:s31] =	ssyncset.done $0x0;
	s13 =	rddreg [dreg:$0x14]  }
0x12e: {  	s23 =	rddreg [dreg:$0xb];
	[sflag:s31] =	ssyncadd.s32 $0xFFFFFB00;
	s22 =	sshrl.u32 s13, $0x3  }
0x12f: {  	[hbm:s23], [sflag:s0] =	dma.local [spmem:s22], $0x500  }
0x130: {  	_ =	swait.ge [sflag:s31], $0x500  }
0x131: {  	[sflag:s31] =	ssyncset.done $0x0;
	s6 =	rddreg [dreg:$0x16]  }
0x132: {  	s25 =	rddreg [dreg:$0xc];
	[sflag:s31] =	ssyncadd.s32 $0xFFFFFB00;
	s24 =	sshrl.u32 s6, $0x3  }
0x133: {  	[hbm:s25], [sflag:s0] =	dma.local [spmem:s24], $0x500  }
0x134: {  	_ =	swait.ge [sflag:s31], $0x500  }
0x135: {  	s20 =	rddreg [dreg:$0x4]  }
0x136: {  	s30 =	rddreg [dreg:$0xe];
	s20 =	sadd.s32 $0x1, s20  }
0x137: {  	p0 =	sne.s32 s20, s30  }
.Ltmp2:
0x138: {  	_ = 	snop;
	(pc) =	sbr.rel @p0 .LBB2_1-.Ltmp2, $3  }
0x139: {  	_ =	sdelay $0x1  }
0x13a: {  	[sflag:s31] =	ssyncset.done $0x0  }
0x13b: {  	[sflag:s31] =	ssyncadd.s32 $0xFFFFFB00  }
0x13c: {  	_ =	sfence.sel $0x180000  }
0x13d: {  	[bflag:$0x0] =	sbarrier.arrive $0xFFFF  }
0x13e: {  	_ =	strace $0x9000004A  }
0x13f: {  	s0 =	stileid.u32;
	[bflag:$0x2] =	sbarrier.arrive $0xFFFF  }
0x140: {  	p0 =	sne.s32 s0, $0x0;
	s0 =	rddreg [dreg:$0x3]  }
0x141: {  	s0 =	sadd.s32 @!p0 $0x100000, s0  }
0x142: {  	[sflag:s0] =	ssyncadd.tile.s32 @!p0 $0x1;
	_ =	shalt  }
.Lfunc_end2:
_tile_overlayer_lowered:
.L_overlay_start_2:
0x143: {  	(tag) =	ssettag $0x2  }
0x144: {  	s0 =	rddreg [dreg:$0x0];
	s2 =	stileid.u32  }
0x145: {  	s1 =	rddreg [dreg:$0x1];
	p0 =	sne.s32 s2, $0x0  }
0x146: {  	s3 =	rddreg [dreg:$0x2];
	[bflag:$0x3] =	sbarrier.arrive $0xFFFF;
	s2 =	simm.s32 @!p0 $0x1C0A  }
0x147: {  	[timem:s3], [sflag:s2] =	dma.local @!p0 [hbm:s0], s1  }
0x148: {  	s0 =	simm.s32 @!p0 $0xA  }
0x149: {  	_ =	swait.ge @!p0 [sflag:s0], s1  }
0x14a: {  	s1 =	ssub.s32 @!p0 $0x0, s1;
	[sflag:s0] =	ssyncset.done @!p0 $0x0  }
0x14b: {  	[sflag:s0] =	ssyncadd.s32 @!p0 s1  }
0x14c: {  	[bflag:$0x3] =	sbarrier.arrive $0xFFFF  }
0x14d: {  	_ =	shalt  }

// kernel: kernel.15.cloned.1.call-start
scs
__scs_entry_jumppad:
0x0: {  	(pc) =	sbr.rel $0x88, $3  }
0x1: {  	(tag) =	ssettag $0x0;
	lr =	simm.s32 $0x1  }
0x2: {  	[smem:$0x3F9B] =	sst lr;
	_ =	strace $0xD0000000  }
0x3: {  	_ = 	snop  }
0x4: {  	_ = 	snop  }
0x5: {  	_ = 	snop  }
0x6: {  	_ = 	snop  }
0x7: {  	_ = 	snop  }
__scs_overlays_trampoline_lowered:
0x8: {  	[smem:$0x3FAA] =	sst s0  }
0x9: {  	[smem:$0x3FAB] =	sst s1  }
0xa: {  	[smem:$0x3FAC] =	sst s2  }
0xb: {  	[smem:$0x3FAD] =	sst s3  }
0xc: {  	[smem:$0x3FAE] =	sst s4  }
0xd: {  	[smem:$0x3FAF] =	sst s5  }
0xe: {  	[smem:$0x3FB0] =	sst s6  }
0xf: {  	[smem:$0x3FB1] =	sst s7  }
0x10: {  	[smem:$0x3FB2] =	sst s8  }
0x11: {  	[smem:$0x3FB3] =	sst s9;
	s0 =	simm.s32 @!p0 $0x0  }
0x12: {  	s1 =	sld [smem:$0x3F99];
	s0 =	simm.s32 @p0 $0x1  }
0x13: {  	[smem:$0x3FB4] =	sst s0;
	s0 =	simm.s32 @!p1 $0x0  }
0x14: {  	s2 =	sld [smem:$0x3F98];
	s0 =	simm.s32 @p1 $0x1  }
0x15: {  	[smem:$0x3FB5] =	sst s0;
	s0 =	simm.s32 @!p2 $0x0  }
0x16: {  	s3 =	sld [smem:$0x3FDB];
	s0 =	simm.s32 @p2 $0x1  }
0x17: {  	s4 =	simm.s32 $0x1BF5;
	[smem:$0x3FB7] =	sst s0  }
0x18: {  	s0 =	sld [smem:$0x3F9A];
	_ =	swait.ge [sflag:s4], $0x0  }
0x19: {  	s7 =	sld [smem:$0x3F9B]  }
0x1a: {  	s8 =	sadd.s32 $0xFFFFE003, lr  }
0x1b: {  	s9 =	sadd.s32 $0xFFFFFEF7, lr;
	s5 =	simm.s32 $0xFFFFFFFF;
	p2 =	slt.u32 s8, $0xFFFFF086  }
0x1c: {  	p1 =	slt.u32 s9, $0xF7A;
	s5 =	simm.s32 @!p2 $0x0  }
0x1d: {  	s5 =	simm.s32 @p1 $0x1;
	p0 =	seq.s32 s7, s2  }
0x1e: {  	s7 =	smul.u32 @!p0 $0xF7A, s2;
	p2 =	seq.s32 @!p0 s5, $0x0  }
0x1f: {  	s9 =	smul.u32 $0xF7A, s1;
	s8 =	simm.s32 @!p0 $0x1BF5;
	p2 =	por !p2, p0  }
0x20: {  	[sflag:s8] =	ssyncset.s32 @!p0 $0xFFFFF086;
	s6 =	sadd.s32 @!p0 s3, s7;
	s7 =	simm.s32 @!p0 $0x108  }
0x21: {  	s3 =	sadd.s32 s3, s9;
	s6 =	sadd.s32 @!p0 $0x88, s6;
	s7 =	simm.s32 @p2 $0x1082  }
0x22: {  	[simem:s7], [sflag:s8] =	dma.local @!p0 [hbm:s6], $0xF7A  }
0x23: {  	s9 =	sor.u32 $0xD0000000, s2;
	s6 =	simm.s32 $0x108;
	_ =	swait.ge @!p0 [sflag:s8], $0x0  }
0x24: {  	s3 =	sadd.s32 $0x88, s3;
	s6 =	simm.s32 @!p1 $0x1082;
	[sflag:s4] =	ssyncset.s32 $0xFFFFF086  }
0x25: {  	[simem:s6], [sflag:s4] =	dma.local [hbm:s3], $0xF7A  }
0x26: {  	[smem:$0x3F9B] =	sst s1;
	(tag) =	ssettag s2;
	_ =	strace s9  }
0x27: {  	s1 =	sld [smem:$0x3FAB]  }
0x28: {  	s2 =	sld [smem:$0x3FAC]  }
0x29: {  	s4 =	sld [smem:$0x3FAE]  }
0x2a: {  	p0 =	seq.s32 s5, $0x0;
	s5 =	sld [smem:$0x3FAF]  }
0x2b: {  	s6 =	sld [smem:$0x3FB0]  }
0x2c: {  	s7 =	sld [smem:$0x3FB1]  }
0x2d: {  	s3 =	simm.s32 $0x108;
	s8 =	sld [smem:$0x3FB2]  }
0x2e: {  	s3 =	simm.s32 @!p0 $0x1082;
	s9 =	sld [smem:$0x3FB3]  }
0x2f: {  	lr =	sadd.s32 s0, s3;
	s0 =	sld [smem:$0x3FAA]  }
0x30: {  	s3 =	sld [smem:$0x3FAD]  }
0x31: {  	[smem:$0x3FB6] =	sst s10  }
0x32: {  	s10 =	sld [smem:$0x3FB4];
	_ =	sdelay $0x3  }
0x33: {  	p0 =	seq.s32 s10, $0x1;
	s10 =	sld [smem:$0x3FB6];
	_ =	sdelay $0x3  }
0x34: {  	[smem:$0x3FB6] =	sst s10  }
0x35: {  	s10 =	sld [smem:$0x3FB5];
	_ =	sdelay $0x3  }
0x36: {  	p1 =	seq.s32 s10, $0x1;
	s10 =	sld [smem:$0x3FB6];
	_ =	sdelay $0x3  }
0x37: {  	[smem:$0x3FB6] =	sst s10  }
0x38: {  	s10 =	sld [smem:$0x3FB7]  }
0x39: {  	_ = 	snop;
	(pc) =	sbr.ind lr, $3  }
0x3a: {  	_ = 	snop  }
0x3b: {  	_ = 	snop  }
0x3c: {  	p2 =	seq.s32 s10, $0x1;
	s10 =	sld [smem:$0x3FB6]  }
0x3d: {  	_ =	shalt  }
0x3e: {  	_ =	shalt  }
0x3f: {  	_ =	shalt  }
0x40: {  	_ =	shalt  }
0x41: {  	_ =	shalt  }
0x42: {  	_ =	shalt  }
0x43: {  	_ =	shalt  }
0x44: {  	_ =	shalt  }
0x45: {  	_ =	shalt  }
0x46: {  	_ =	shalt  }
0x47: {  	_ =	shalt  }
0x48: {  	_ =	shalt  }
0x49: {  	_ =	shalt  }
0x4a: {  	_ =	shalt  }
0x4b: {  	_ =	shalt  }
0x4c: {  	_ =	shalt  }
0x4d: {  	_ =	shalt  }
0x4e: {  	_ =	shalt  }
0x4f: {  	_ =	shalt  }
0x50: {  	_ =	shalt  }
0x51: {  	_ =	shalt  }
0x52: {  	_ =	shalt  }
0x53: {  	_ =	shalt  }
0x54: {  	_ =	shalt  }
0x55: {  	_ =	shalt  }
0x56: {  	_ =	shalt  }
0x57: {  	_ =	shalt  }
0x58: {  	_ =	shalt  }
0x59: {  	_ =	shalt  }
0x5a: {  	_ =	shalt  }
0x5b: {  	_ =	shalt  }
0x5c: {  	_ =	shalt  }
0x5d: {  	_ =	shalt  }
0x5e: {  	_ =	shalt  }
0x5f: {  	_ =	shalt  }
0x60: {  	_ =	shalt  }
0x61: {  	_ =	shalt  }
0x62: {  	_ =	shalt  }
0x63: {  	_ =	shalt  }
0x64: {  	_ =	shalt  }
0x65: {  	_ =	shalt  }
0x66: {  	_ =	shalt  }
0x67: {  	_ =	shalt  }
0x68: {  	_ =	shalt  }
0x69: {  	_ =	shalt  }
0x6a: {  	_ =	shalt  }
0x6b: {  	_ =	shalt  }
0x6c: {  	_ =	shalt  }
0x6d: {  	_ =	shalt  }
0x6e: {  	_ =	shalt  }
0x6f: {  	_ =	shalt  }
0x70: {  	_ =	shalt  }
0x71: {  	_ =	shalt  }
0x72: {  	_ =	shalt  }
0x73: {  	_ =	shalt  }
0x74: {  	_ =	shalt  }
0x75: {  	_ =	shalt  }
0x76: {  	_ =	shalt  }
0x77: {  	_ =	shalt  }
0x78: {  	_ =	shalt  }
0x79: {  	_ =	shalt  }
0x7a: {  	_ =	shalt  }
0x7b: {  	_ =	shalt  }
0x7c: {  	_ =	shalt  }
0x7d: {  	_ =	shalt  }
0x7e: {  	_ =	shalt  }
0x7f: {  	_ =	shalt  }
0x80: {  	_ =	shalt  }
0x81: {  	_ =	shalt  }
0x82: {  	_ =	shalt  }
0x83: {  	_ =	shalt  }
0x84: {  	_ =	shalt  }
0x85: {  	_ =	shalt  }
0x86: {  	_ =	shalt  }
0x87: {  	_ =	shalt  }
.Lfunc_end0:
.L_simem_size_0:
called_computation.2_lowered:
.L_overlay_start_0:
0x88: {  	s2 =	sld [smem:$0x3FD9]  }
0x89: {  	s3 =	sld [smem:$0x3FFE];
	_ =	sdelay $0x1  }
0x8a: {  	s1 =	srdreg.scid  }
0x8b: {  	s0 =	sand.u32 $0x1, s1  }
0x8c: {  	s17 =	sshll.u32 s0, $0xA;
	s2 =	sadd.s32 s3, s2  }
0x8d: {  	s2 =	sadd.s32 s2, s17  }
0x8e: {  	[smem:$0x3FC2] =	sst s2  }
0x8f: {  	_ = 	snop  }
0x90: {  	s2 =	sld [smem:$0x3FD0];
	(tm) =	ssettm $0x1  }
0x91: {  	s18 =	sld [smem:$0x3FFB];
	_ =	sdelay $0x3  }
0x92: {  	_ =	strace s18  }
0x93: {  	s3 =	sld [smem:$0x3FFC];
	_ =	sdelay $0x3  }
0x94: {  	_ =	strace s3  }
0x95: {  	s3 =	sld [smem:$0x3FFD];
	_ =	sdelay $0x3  }
0x96: {  	_ =	strace s3  }
0x97: {  	_ =	strace $0x8FFFFFFF  }
0x98: {  	s19 =	sld [smem:$0x3FDB];
	_ =	sdelay $0x1  }
0x99: {  	s4 =	simm.s32 $_scs_section_size  }
0x9a: {  	s5 =	simm.s32 $_size__tile_overlayer_lowered;
	s6 =	simm.s32 $_tile_overlayer_lowered  }
0x9b: {  	s22 =	simm.s32 $0x1BFF;
	s21 =	sshll.u32 s6, $0x1;
	s3 =	sadd.s32 s4, s19  }
0x9c: {  	s7 =	simm.s32 $0x0;
	s20 =	sshll.u32 s5, $0x1;
	s5 =	sadd.s32 s21, s3  }
0x9d: {  	[timem:s7], [sflag:s22] =	dma.local [hbm:s5], s20  }
0x9e: {  	_ =	swait.ge [sflag:s22], s20  }
0x9f: {  	s4 =	ssub.s32 $0x0, s20;
	[sflag:s22] =	ssyncset.done $0x0  }
0xa0: {  	[sflag:s22] =	ssyncadd.s32 s4;
	_ =	sdelay $0x1  }
0xa1: {  	s23 =	simm.s32 $0x1B8B  }
0xa2: {  	_ =	swait.ge [sflag:s23], $0x1  }
0xa3: {  	[sflag:s23] =	ssyncset.done $0x0  }
0xa4: {  	s25 =	simm.s32 $0x1B8E;
	s24 =	sld [smem:$0x3FFE];
	[sflag:s23] =	ssyncadd.s32 $0xFFFFFFFF  }
0xa5: {  	s26 =	simm.s32 $execute0_lowered;
	[smem:$0x3FD2] =	sst s25  }
0xa6: {  	s5 =	sshll.u32 s26, $0x1;
	_ =	strace $0x8000004C;
	[dreg:$0x1] =	wrdreg $0xFFFFFFFF  }
0xa7: {  	s28 =	simm.s32 $_size_execute0_lowered;
	s3 =	sadd.s32 s3, s5;
	[dreg:$0x0] =	wrdreg $0x0  }
0xa8: {  	s5 =	sshll.u32 s28, $0x1;
	[dreg:$0x2] =	wrdreg s3  }
0xa9: {  	[dreg:$0x3] =	wrdreg s5  }
0xaa: {  	[dreg:$0x4] =	wrdreg $0xC0  }
0xab: {  	_ =	task [dreg:s7], $0x5FFFF  }
0xac: {  	[dreg:$0x1] =	wrdreg $0xFFFFFFFF  }
0xad: {  	[dreg:$0x0] =	wrdreg $0x60  }
0xae: {  	[dreg:$0x2] =	wrdreg s2  }
0xaf: {  	[dreg:$0x3] =	wrdreg s24  }
0xb0: {  	[dreg:$0x4] =	wrdreg $0xB7000  }
0xb1: {  	[dreg:$0x5] =	wrdreg $0x9  }
0xb2: {  	_ =	task.clear_ibuf [dreg:s7], $0x6FFFF;
	_ =	strace $0x9000004C  }
0xb3: {  	s29 =	simm.s32 $0x9;
	_ =	strace $0x8000004E  }
0xb4: {  	_ =	swait.ge [sflag:s29], $0x1  }
0xb5: {  	[sflag:s29] =	ssyncadd.s32 $0xFFFFFFFF  }
0xb6: {  	_ =	strace $0x9000004E  }
0xb7: {  	_ =	sfence  }
0xb8: {  	s30 =	sld [smem:$0x0];
	_ =	sdelay $0x2  }
0xb9: {  	s31 =	sshll.u32 s1, $0xD;
	s1 =	sshrl.u32 s1, $0x2  }
0xba: {  	s3 =	sand.u32 $0x4000, s31;
	s1 =	sadd.s32 s1, s30  }
0xbb: {  	s0 =	sor.u32 s3, s0;
	s1 =	sshll.u32 s1, $0x11  }
0xbc: {  	s0 =	sor.u32 s1, s0  }
0xbd: {  	s0 =	sadd.s32 $0x8F2B, s0  }
0xbe: {  	[sflag:s0] =	ssyncadd.remote.s32 $0x1  }
0xbf: {  	_ =	sfence.sel $0xFFFF  }
0xc0: {  	[dreg:$0x0] =	wrdreg $0xFFFFFFFF;
	(pc) =	sbr.abs _section_cstart, $3  }
0xc1: {  	[dreg:$0x1] =	wrdreg $0xFFFFFFFF  }
0xc2: {  	_ =	task.clear_ibuf [dreg:s7], $0x2FFFF;
	_ =	strace $0x9FFFFFFF  }
0xc3: {  	(tm) =	ssettm $0x7FFFFFFF  }
tec
execute0_lowered:
.L_overlay_start_1:
0x0: {  	(tag) =	ssettag $0x1  }
0x1: {  	s1 =	rddreg [dreg:$0x0]  }
0x2: {  	s0 =	rddreg [dreg:$0x1]  }
0x3: {  	s3 =	rddreg [dreg:$0x2]  }
0x4: {  	s2 =	srdreg.scid;
	s4 =	stileid.u32  }
0x5: {  	s20 =	simm.s32 $0x0;
	s31 =	simm.s32 $0xA;
	s6 =	smul.u32 $0x280, s4  }
0x6: {  	s2 =	sand.u32 $0x1, s2;
	[smem:$0x7FF] =	sst s20;
	s28 =	smul.u32 $0x5400, s4  }
0x7: {  	s5 =	sadd.s32 $0x2400, s0;
	s11 =	sadd.s32 $0x34C00, s0;
	s7 =	smul.u32 $0x2800, s2  }
0x8: {  	_ =	strace $0x8000004D;
	s8 =	ssub.s32 $0x2, s2;
	p0 =	seq.s32 s2, $0x0  }
0x9: {  	s2 =	smul.u32 $0x3380, s2;
	s9 =	sshrl.u32 s8, $0x1;
	s21 =	sor.u32 $0x50, s6  }
0xa: {  	s12 =	sadd.s32 $0xA0, s6;
	s13 =	sadd.s32 $0xF0, s6;
	s16 =	sadd.s32 $0x140, s6  }
0xb: {  	s17 =	sadd.s32 $0x190, s6;
	s18 =	sadd.s32 $0x1E0, s6;
	s10 =	sadd.s32 s7, s6  }
0xc: {  	s8 =	ssub.s32 s8, s9;
	s14 =	sadd.s32 s7, s21;
	s6 =	sadd.s32 $0x230, s6  }
0xd: {  	s22 =	sadd.s32 s7, s12;
	s15 =	sadd.s32 s7, s13;
	s25 =	sadd.s32 s7, s17  }
0xe: {  	s26 =	sadd.s32 s7, s18;
	s21 =	sshll.u32 s21, $0x7;
	[dreg:$0x15] =	wrdreg s2  }
0xf: {  	s19 =	sshll.u32 s10, $0x4;
	s10 =	smul.u32 $0x50000, s4;
	s14 =	sshll.u32 s14, $0x4  }
0x10: {  	s15 =	sshll.u32 s15, $0x4;
	s9 =	sadd.s32 s11, s19;
	s14 =	sadd.s32 s11, s14  }
0x11: {  	s19 =	sadd.s32 s7, s16;
	s23 =	sadd.s32 s11, s15;
	[dreg:$0x5] =	wrdreg s9  }
0x12: {  	s15 =	sshll.u32 s26, $0x4;
	s7 =	sadd.s32 s7, s6;
	[dreg:$0x6] =	wrdreg s14  }
0x13: {  	s26 =	sshll.u32 s18, $0x7;
	[dreg:$0x8] =	wrdreg s23;
	s30 =	sadd.s32 s11, s15  }
0x14: {  	s24 =	sshll.u32 s19, $0x4;
	s19 =	smax.u32 s8, $0x1;
	[dreg:$0xb] =	wrdreg s30  }
0x15: {  	s14 =	sshll.u32 s22, $0x4;
	s8 =	sadd.s32 s21, s3;
	[dreg:$0xe] =	wrdreg s19  }
0x16: {  	s23 =	sshll.u32 s13, $0x7;
	s13 =	sadd.s32 s26, s3;
	[dreg:$0xf] =	wrdreg s8  }
0x17: {  	s7 =	sshll.u32 s7, $0x4;
	s14 =	sadd.s32 s11, s14;
	[dreg:$0x14] =	wrdreg s13  }
0x18: {  	s22 =	sshll.u32 s12, $0x7;
	s7 =	sadd.s32 s11, s7;
	[dreg:$0x7] =	wrdreg s14  }
0x19: {  	s15 =	sadd.s32 $0xCC00, s0;
	s9 =	sadd.s32 s22, s3;
	[dreg:$0xc] =	wrdreg s7  }
0x1a: {  	s30 =	sshll.u32 s6, $0x7;
	s14 =	sadd.s32 s11, s24;
	[dreg:$0x10] =	wrdreg s9  }
0x1b: {  	s24 =	sshll.u32 s16, $0x7;
	s6 =	sadd.s32 s30, s3;
	[dreg:$0x9] =	wrdreg s14  }
0x1c: {  	s14 =	sshll.u32 s25, $0x4;
	s12 =	sadd.s32 s24, s3;
	[dreg:$0x16] =	wrdreg s6  }
0x1d: {  	s25 =	sshll.u32 s17, $0x7;
	s14 =	sadd.s32 s11, s14;
	[dreg:$0x12] =	wrdreg s12  }
0x1e: {  	s11 =	sshrl.u32 s10, $0x2;
	s7 =	sadd.s32 s25, s3;
	[dreg:$0xa] =	wrdreg s14  }
0x1f: {  	s14 =	simm.s32 $0x67;
	s10 =	sadd.s32 s11, s3;
	[dreg:$0x13] =	wrdreg s7  }
0x20: {  	s11 =	sadd.s32 s23, s3;
	s14 =	simm.s32 @!p0 $0x40;
	[dreg:$0xd] =	wrdreg s10  }
0x21: {  	v0 =	vimm.f32 $0.0e+00;
	[dreg:$0x11] =	wrdreg s11;
	s26 =	sadd.s32 $0x3, s14;
	s29 =	sadd.s32 $0x2, s14  }
.LBB2_1:
0x22: {  	[dreg:$0x4] =	wrdreg s20;
	s0 =	simm.s32 $0x70;
	s2 =	simm.s32 $0x3C0  }
.LBB2_2:
0x23: {  	p0 =	sne.s32 s2, $0x9FC0;
	[tilespmem:s0+$0x300] =	vst v0  }
0x24: {  	[tilespmem:s0+$0x290] =	vst v0  }
0x25: {  	[tilespmem:s0+$0x2A0] =	vst v0  }
.Ltmp0:
0x26: {  	[tilespmem:s0+$0x2B0] =	vst v0;
	(pc) =	sbr.rel @p0 .LBB2_2-.Ltmp0, $4  }
0x27: {  	[tilespmem:s0+$0x2C0] =	vst v0  }
0x28: {  	[tilespmem:s0+$0x2D0] =	vst v0  }
0x29: {  	[tilespmem:s0+$0x2E0] =	vst v0  }
0x2a: {  	[tilespmem:s0+$0x2F0] =	vst v0;
	s0 =	sshra.s32 s2, $0x2;
	s2 =	sadd.s32 $0x200, s2  }
0x2b: {  	[tilespmem:s0+$0x300] =	vst v0  }
0x2c: {  	[tilespmem:s0+$0x290] =	vst v0  }
0x2d: {  	[tilespmem:s0+$0x2A0] =	vst v0  }
0x2e: {  	[tilespmem:s0+$0x2B0] =	vst v0  }
0x2f: {  	[tilespmem:s0+$0x2C0] =	vst v0  }
0x30: {  	[tilespmem:s0+$0x2D0] =	vst v0  }
0x31: {  	[tilespmem:s0+$0x2E0] =	vst v0  }
0x32: {  	[tilespmem:s0+$0x2F0] =	vst v0;
	s25 =	simm.s32 $0x300  }
0x33: {  	[spmem:s10] =	stream.linear.scatter [tilespmem:s25], [sflag:$0xA], $0x2800, $0x38;
	[tilespmem:$0x1F700] =	vst v63  }
0x34: {  	_ =	swait.ge [sflag:s31], $0x2800  }
0x35: {  	[sflag:s31] =	ssyncset.done $0x0  }
0x36: {  	[sflag:s31] =	ssyncadd.s32 $0xFFFFD800  }
0x37: {  	[spmem:s8] =	stream.linear.scatter [tilespmem:s25], [sflag:$0xA], $0x2800, $0x38;
	[tilespmem:$0x1F700] =	vst v63  }
0x38: {  	_ =	swait.ge [sflag:s31], $0x2800  }
0x39: {  	[sflag:s31] =	ssyncset.done $0x0  }
0x3a: {  	[sflag:s31] =	ssyncadd.s32 $0xFFFFD800  }
0x3b: {  	[spmem:s9] =	stream.linear.scatter [tilespmem:s25], [sflag:$0xA], $0x2800, $0x38;
	[tilespmem:$0x1F700] =	vst v63  }
0x3c: {  	_ =	swait.ge [sflag:s31], $0x2800  }
0x3d: {  	[sflag:s31] =	ssyncset.done $0x0  }
0x3e: {  	[sflag:s31] =	ssyncadd.s32 $0xFFFFD800  }
0x3f: {  	[spmem:s11] =	stream.linear.scatter [tilespmem:s25], [sflag:$0xA], $0x2800, $0x38;
	[tilespmem:$0x1F700] =	vst v63  }
0x40: {  	_ =	swait.ge [sflag:s31], $0x2800  }
0x41: {  	[sflag:s31] =	ssyncset.done $0x0  }
0x42: {  	[sflag:s31] =	ssyncadd.s32 $0xFFFFD800  }
0x43: {  	[spmem:s12] =	stream.linear.scatter [tilespmem:s25], [sflag:$0xA], $0x2800, $0x38;
	[tilespmem:$0x1F700] =	vst v63  }
0x44: {  	_ =	swait.ge [sflag:s31], $0x2800  }
0x45: {  	[sflag:s31] =	ssyncset.done $0x0  }
0x46: {  	[sflag:s31] =	ssyncadd.s32 $0xFFFFD800  }
0x47: {  	[spmem:s7] =	stream.linear.scatter [tilespmem:s25], [sflag:$0xA], $0x2800, $0x38;
	[tilespmem:$0x1F700] =	vst v63  }
0x48: {  	_ =	swait.ge [sflag:s31], $0x2800  }
0x49: {  	[sflag:s31] =	ssyncset.done $0x0  }
0x4a: {  	[sflag:s31] =	ssyncadd.s32 $0xFFFFD800  }
0x4b: {  	[spmem:s13] =	stream.linear.scatter [tilespmem:s25], [sflag:$0xA], $0x2800, $0x38;
	[tilespmem:$0x1F700] =	vst v63  }
0x4c: {  	_ =	swait.ge [sflag:s31], $0x2800  }
0x4d: {  	[sflag:s31] =	ssyncset.done $0x0  }
0x4e: {  	[sflag:s31] =	ssyncadd.s32 $0xFFFFD800  }
0x4f: {  	[spmem:s6] =	stream.linear.scatter [tilespmem:s25], [sflag:$0xA], $0x2800, $0x38;
	[tilespmem:$0x1F700] =	vst v63  }
0x50: {  	p0 =	sle.u32 s14, $0x0;
	p1 =	por $0x1, $0x1;
	_ =	swait.ge [sflag:s31], $0x2800  }
0x51: {  	p2 =	sle.u32 @!p1 s26, $0x0;
	p3 =	slt.u32 @!p1 s14, $0x0;
	s4 =	rddreg [dreg:$0x15]  }
0x52: {  	p2 =	por p2, p1;
	[sflag:s31] =	ssyncset.done $0x0;
	s0 =	sand.u32 @!p0 $0xFC00, s4  }
0x53: {  	[sflag:s31] =	ssyncadd.s32 $0xFFFFD800;
	s2 =	sand.u32 @!p0 $0x380, s4;
	s0 =	sadd.s32 @!p0 s28, s0  }
0x54: {  	s7 =	simm.s32 @!p2 $0x7;
	[bflag:$0x0] =	sbarrier.arrive $0xFFFF;
	s0 =	sor.u32 @!p0 s2, s0  }
0x55: {  	p6 =	sle.u32 @!p1 s29, $0x0;
	_ =	swait.ge @!p2 [sflag:s7], $0x3C00;
	s0 =	sshrl.u32 @!p0 s0, $0x3  }
0x56: {  	s2 =	sadd.s32 @!p0 s1, s0;
	s8 =	sadd.s32 @!p0 s5, s0;
	p0 =	por p0, p0  }
0x57: {  	p4 =	sle.u32 @!p1 s26, $0x1;
	[sflag:s7] =	ssyncset.done @!p2 $0x0;
	p0 =	por p0, p0  }
0x58: {  	p5 =	por p3, p1;
	[sflag:s7] =	ssyncadd.s32 @!p2 $0xFFFFC400;
	s18 =	simm.s32 @!p0 $0x0  }
0x59: {  	[tilespmem:s18], [sflag:$0x1] =	stream.linear.gather @!p0 [hbm4b:s2+s18], $0x80, $0x38;
	[tilespmem:$0x1F700] =	vst v63  }
0x5a: {  	p3 =	sle.u32 @!p1 s29, $0x1;
	s7 =	simm.s32 @!p0 $0x180;
	s2 =	simm.s32 @!p5 $0x3  }
0x5b: {  	[tilespmem:s7], [sflag:$0x1] =	stream.linear.gather @!p0 [hbm4b:s8+s18], $0x80, $0x38;
	[tilespmem:$0x1F700] =	vst v63  }
0x5c: {  	p6 =	por p6, p1;
	p3 =	por p3, p1;
	_ =	swait.ge @!p5 [sflag:s2], $0x80  }
0x5d: {  	p4 =	por p4, p1;
	s24 =	simm.s32 @!p3 $0x6;
	[sflag:s2] =	ssyncset.done @!p5 $0x0  }
0x5e: {  	s12 =	simm.s32 @!p5 $0x100;
	s13 =	simm.s32 @!p5 $0x7B00;
	[sflag:s2] =	ssyncadd.s32 @!p5 $0xFFFFFF80  }
0x5f: {  	s0 =	sadd.s32 $0x180, s4;
	p2 =	sle.u32 s14, $0x3;
	_ =	swait.ge @!p5 [sflag:s2], $0x80  }
0x60: {  	s9 =	sand.u32 @!p2 $0x380, s0;
	s8 =	sand.u32 @!p2 $0xFC00, s0;
	[sflag:s2] =	ssyncset.done @!p5 $0x0  }
0x61: {  	s10 =	sadd.s32 @!p2 s28, s8;
	[sflag:s2] =	ssyncadd.s32 @!p5 $0xFFFFFF80;
	s2 =	simm.s32 @!p5 $0x78  }
0x62: {  	[tilespmem:s13], [sflag:$0x6] =	stream.indirect.gather @!p5 [hbm4b:s15+s2], $0x80, s12, s2, $0xb8;
	[tilespmem:$0x1F700] =	vst v63  }
0x63: {  	s11 =	simm.s32 @!p6 $0x5;
	s6 =	simm.s32 $0x3;
	s2 =	sor.u32 @!p2 s9, s10  }
0x64: {  	p5 =	sle.u32 s14, $0x1;
	s10 =	simm.s32 @!p6 $0x78;
	_ =	swait.ge @!p6 [sflag:s11], $0x3C00  }
0x65: {  	s12 =	simm.s32 @!p6 $0x3F00;
	s9 =	sadd.s32 @!p5 $0x80, s4;
	[sflag:s11] =	ssyncset.done @!p6 $0x0  }
0x66: {  	s2 =	sshrl.u32 @!p2 s2, $0x3;
	[sflag:s11] =	ssyncadd.s32 @!p6 $0xFFFFC400;
	s11 =	simm.s32 @!p6 $0x200  }
0x67: {  	[spmem:s3] =	stream.indirect.scatter.add.f32 @!p6 [tilespmem:s12], [sflag:$0x8], $0x80, s11, s10, $0xb8;
	[tilespmem:$0x1F700] =	vst v63  }
0x68: {  	s11 =	sand.u32 @!p5 $0x1FC00, s9;
	s10 =	sadd.s32 @!p2 s1, s2;
	s9 =	sand.u32 @!p5 $0x380, s9  }
0x69: {  	s12 =	sadd.s32 @!p5 s28, s11;
	s11 =	sadd.s32 @!p2 s5, s2;
	p2 =	por p2, p2  }
0x6a: {  	s25 =	simm.s32 @!p3 $0x280;
	s2 =	sor.u32 @!p5 s9, s12;
	s9 =	simm.s32 @!p2 $0x0  }
0x6b: {  	s17 =	simm.s32 @!p0 $0x78;
	s16 =	simm.s32 @!p0 $0x300;
	s9 =	simm.s32 @p2 $0x1  }
0x6c: {  	s21 =	simm.s32 @!p0 $0x1;
	s12 =	simm.s32 @!p4 $0x8;
	[smem:$0x7FD] =	sst s9  }
0x6d: {  	s8 =	simm.s32 $0x6;
	s13 =	simm.s32 @!p0 $0x4;
	_ =	swait.ge @!p4 [sflag:s12], $0x3C00  }
0x6e: {  	s19 =	simm.s32 @!p5 $0x0;
	s2 =	sshrl.u32 @!p5 s2, $0x3;
	[sflag:s12] =	ssyncset.done @!p4 $0x0  }
0x6f: {  	s20 =	simm.s32 @!p5 $0x80;
	[sflag:s12] =	ssyncadd.s32 @!p4 $0xFFFFC400;
	s12 =	sadd.s32 @!p5 s1, s2  }
0x70: {  	[tilespmem:s20], [sflag:$0x2] =	stream.linear.gather @!p5 [hbm4b:s12+s19], $0x80, $0x38;
	[tilespmem:$0x1F700] =	vst v63  }
0x71: {  	s22 =	simm.s32 @!p5 $0x200;
	p6 =	sle.u32 @!p1 s26, $0x2;
	s2 =	sadd.s32 @!p5 s5, s2  }
0x72: {  	[tilespmem:s22], [sflag:$0x2] =	stream.linear.gather @!p5 [hbm4b:s2+s19], $0x80, $0x38;
	[tilespmem:$0x1F700] =	vst v63  }
0x73: {  	p2 =	por p6, p1;
	p1 =	por $0x0, $0x0;
	_ =	swait.ge @!p0 [sflag:s21], $0x80  }
0x74: {  	s9 =	simm.s32 $0x4;
	p5 =	sle.u32 s14, $0x2;
	[sflag:s21] =	ssyncset.done @!p0 $0x0  }
0x75: {  	p4 =	slt.u32 s14, $0x2;
	s12 =	sadd.s32 @!p5 $0x100, s4;
	[sflag:s21] =	ssyncadd.s32 @!p0 $0xFFFFFF80  }
0x76: {  	s2 =	simm.s32 $0x5;
	s20 =	sand.u32 @!p5 $0x1FC00, s12;
	_ =	swait.ge @!p0 [sflag:s21], $0x80  }
0x77: {  	s22 =	sand.u32 @!p5 $0x380, s12;
	s20 =	sadd.s32 @!p5 s28, s20;
	[sflag:s21] =	ssyncset.done @!p0 $0x0  }
0x78: {  	s19 =	simm.s32 @!p2 $0x9;
	s20 =	sor.u32 @!p5 s22, s20;
	[sflag:s21] =	ssyncadd.s32 @!p0 $0xFFFFFF80  }
0x79: {  	[tilespmem:s16], [sflag:$0x4] =	stream.indirect.gather @!p0 [hbm4b:s15+s17], $0x80, s18, s17, $0xb8;
	[tilespmem:$0x1F700] =	vst v63  }
0x7a: {  	s30 =	simm.s32 @!p5 $0x280;
	s18 =	sshrl.u32 @!p5 s20, $0x3;
	_ =	swait.ge @!p3 [sflag:s24], $0x3C00  }
0x7b: {  	s20 =	simm.s32 @!p3 $0x7B00;
	s22 =	sadd.s32 @!p5 s1, s18;
	[sflag:s24] =	ssyncset.done @!p3 $0x0  }
0x7c: {  	s23 =	sadd.s32 @!p5 s5, s18;
	s18 =	simm.s32 @!p3 $0x78;
	[sflag:s24] =	ssyncadd.s32 @!p3 $0xFFFFC400  }
0x7d: {  	[spmem:s3] =	stream.indirect.scatter.add.f32 @!p3 [tilespmem:s20], [sflag:$0x9], $0x80, s25, s18, $0xb8;
	[tilespmem:$0x1F700] =	vst v63  }
0x7e: {  	s12 =	sadd.s32 $0x180, s0;
	s24 =	simm.s32 @!p5 $0x100;
	s18 =	simm.s32 @!p4 $0x2  }
0x7f: {  	s25 =	simm.s32 @!p5 $0x0;
	p3 =	sle.u32 @!p1 s29, $0x3;
	_ =	swait.ge @!p2 [sflag:s19], $0x3C00  }
.LBB2_4:
0x80: {  	s4 =	simm.s32 @!p3 $0x0;
	p6 =	sge.u32 s8, s14;
	[sflag:s19] =	ssyncset.done @!p2 $0x0  }
0x81: {  	s21 =	smov.u32 s10;
	s20 =	smov.u32 s11;
	s4 =	simm.s32 @p3 $0x1  }
0x82: {  	p3 =	sge.u32 @!p1 s9, s26;
	s10 =	sand.u32 @!p6 $0xFC00, s12;
	[sflag:s19] =	ssyncadd.s32 @!p2 $0xFFFFC400  }
0x83: {  	[tilespmem:s24], [sflag:$0x3] =	stream.linear.gather @!p5 [hbm4b:s22+s25], $0x80, $0x38;
	[tilespmem:$0x1F700] =	vst v63  }
0x84: {  	s11 =	sand.u32 @!p6 $0x380, s12;
	[smem:$0x7F8] =	sst s4;
	s4 =	simm.s32 @!p3 $0x0  }
0x85: {  	[tilespmem:s30], [sflag:$0x3] =	stream.linear.gather @!p5 [hbm4b:s23+s25], $0x80, $0x38;
	[tilespmem:$0x1F700] =	vst v63  }
0x86: {  	s10 =	sadd.s32 @!p6 s28, s10;
	s4 =	simm.s32 @p3 $0x1;
	p5 =	sge.u32 @!p1 s9, s29  }
0x87: {  	s10 =	sor.u32 @!p6 s11, s10;
	[smem:$0x7F9] =	sst s4;
	s19 =	simm.s32 @!p5 $0x0  }
0x88: {  	s4 =	smov.u32 s8;
	s19 =	simm.s32 @p5 $0x1;
	p5 =	sge.u32 @!p1 s2, s26  }
0x89: {  	s8 =	sadd.s32 $0x3, s8;
	[smem:$0x7FB] =	sst s19;
	s11 =	simm.s32 @!p5 $0x0  }
0x8a: {  	_ =	swait.ge @!p4 [sflag:s18], $0x80;
	s11 =	simm.s32 @p5 $0x1;
	p5 =	sne.s32 s8, $0x6C  }
0x8b: {  	[smem:$0x7FA] =	sst s11;
	s11 =	sshrl.u32 @!p6 s10, $0x3;
	s10 =	simm.s32 @!p5 $0x0  }
0x8c: {  	[sflag:s18] =	ssyncset.done @!p4 $0x0;
	s10 =	simm.s32 @p5 $0x1  }
0x8d: {  	[sflag:s18] =	ssyncadd.s32 @!p4 $0xFFFFFF80;
	[smem:$0x7FC] =	sst s10  }
0x8e: {  	p2 =	sgt.u32 @!p1 s6, s14;
	_ =	swait.ge @!p4 [sflag:s18], $0x80  }
0x8f: {  	s19 =	simm.s32 @!p4 $0x3F00;
	p5 =	sge.u32 @!p1 s6, s26;
	[sflag:s18] =	ssyncset.done @!p4 $0x0  }
0x90: {  	s6 =	simm.s32 @!p4 $0x78;
	[sflag:s18] =	ssyncadd.s32 @!p4 $0xFFFFFF80;
	s18 =	simm.s32 @!p4 $0x80  }
0x91: {  	[tilespmem:s19], [sflag:$0x5] =	stream.indirect.gather @!p4 [hbm4b:s15+s6], $0x80, s18, s6, $0xb8;
	[tilespmem:$0x1F700] =	vst v63  }
0x92: {  	_ =	swait.ge @!p0 [sflag:s13], $0x3C00  }
0x93: {  	p5 =	por p5, p1;
	[sflag:s13] =	ssyncset.done @!p0 $0x0  }
0x94: {  	s6 =	smov.u32 s4;
	s4 =	simm.s32 @!p5 $0x7;
	[sflag:s13] =	ssyncadd.s32 @!p0 $0xFFFFC400  }
0x95: {  	[spmem:s3] =	stream.indirect.scatter.add.f32 @!p0 [tilespmem:s16], [sflag:$0x7], $0x80, s7, s17, $0xb8;
	[tilespmem:$0x1F700] =	vst v63  }
0x96: {  	_ =	swait.ge @!p5 [sflag:s4], $0x3C00  }
0x97: {  	p4 =	por p6, p6;
	s22 =	sld [smem:$0x7FD]  }
0x98: {  	s10 =	sadd.s32 @!p6 s1, s11;
	s7 =	simm.s32 @!p4 $0x0  }
0x99: {  	s19 =	smov.u32 s0;
	s7 =	simm.s32 @p4 $0x1;
	s23 =	sld [smem:$0x7F8]  }
0x9a: {  	p4 =	por p2, p1;
	[sflag:s4] =	ssyncset.done @!p5 $0x0;
	p3 =	seq.s32 s22, $0x1  }
0x9b: {  	[smem:$0x7FD] =	sst s7;
	[sflag:s4] =	ssyncadd.s32 @!p5 $0xFFFFC400;
	p0 =	por p3, p3  }
0x9c: {  	s4 =	simm.s32 @!p4 $0x3;
	p5 =	seq.s32 s23, $0x1;
	s18 =	simm.s32 @!p0 $0x0  }
0x9d: {  	[tilespmem:s18], [sflag:$0x1] =	stream.linear.gather @!p0 [hbm4b:s21+s18], $0x80, $0x38;
	[tilespmem:$0x1F700] =	vst v63  }
0x9e: {  	p2 =	por p5, p1;
	p5 =	sge.u32 s9, s14;
	s7 =	simm.s32 @!p0 $0x180  }
0x9f: {  	[tilespmem:s7], [sflag:$0x1] =	stream.linear.gather @!p0 [hbm4b:s20+s18], $0x80, $0x38;
	[tilespmem:$0x1F700] =	vst v63  }
0xa0: {  	s11 =	sadd.s32 @!p6 s5, s11;
	s13 =	sadd.s32 @!p5 $0x80, s19;
	_ =	swait.ge @!p4 [sflag:s4], $0x80  }
0xa1: {  	s17 =	simm.s32 @!p4 $0x100;
	s16 =	sand.u32 @!p5 $0x1FC00, s13;
	[sflag:s4] =	ssyncset.done @!p4 $0x0  }
0xa2: {  	s13 =	sand.u32 @!p5 $0x380, s13;
	s16 =	sadd.s32 @!p5 s28, s16;
	[sflag:s4] =	ssyncadd.s32 @!p4 $0xFFFFFF80  }
0xa3: {  	s9 =	simm.s32 @!p2 $0x5;
	s13 =	sor.u32 @!p5 s13, s16;
	_ =	swait.ge @!p4 [sflag:s4], $0x80  }
0xa4: {  	s21 =	sshrl.u32 @!p5 s13, $0x3;
	[sflag:s4] =	ssyncset.done @!p4 $0x0;
	s24 =	sld [smem:$0x7F9]  }
0xa5: {  	s13 =	simm.s32 @!p4 $0x7B00;
	[sflag:s4] =	ssyncadd.s32 @!p4 $0xFFFFFF80;
	s4 =	simm.s32 @!p4 $0x78  }
0xa6: {  	[tilespmem:s13], [sflag:$0x6] =	stream.indirect.gather @!p4 [hbm4b:s15+s4], $0x80, s17, s4, $0xb8;
	[tilespmem:$0x1F700] =	vst v63  }
0xa7: {  	s22 =	simm.s32 @!p2 $0x3F00;
	p6 =	seq.s32 s24, $0x1;
	_ =	swait.ge @!p2 [sflag:s9], $0x3C00  }
0xa8: {  	s20 =	simm.s32 @!p2 $0x78;
	p3 =	por p6, p1;
	[sflag:s9] =	ssyncset.done @!p2 $0x0  }
0xa9: {  	s4 =	simm.s32 @!p3 $0x8;
	[sflag:s9] =	ssyncadd.s32 @!p2 $0xFFFFC400;
	s9 =	simm.s32 @!p2 $0x200  }
0xaa: {  	[spmem:s3] =	stream.indirect.scatter.add.f32 @!p2 [tilespmem:s22], [sflag:$0x8], $0x80, s9, s20, $0xb8;
	[tilespmem:$0x1F700] =	vst v63  }
0xab: {  	_ =	swait.ge @!p3 [sflag:s4], $0x3C00  }
0xac: {  	s23 =	simm.s32 @!p0 $0x1;
	s20 =	simm.s32 @!p5 $0x0;
	[sflag:s4] =	ssyncset.done @!p3 $0x0  }
0xad: {  	s22 =	simm.s32 @!p5 $0x80;
	[sflag:s4] =	ssyncadd.s32 @!p3 $0xFFFFC400;
	s4 =	sadd.s32 @!p5 s1, s21  }
0xae: {  	[tilespmem:s22], [sflag:$0x2] =	stream.linear.gather @!p5 [hbm4b:s4+s20], $0x80, $0x38;
	[tilespmem:$0x1F700] =	vst v63  }
0xaf: {  	s24 =	simm.s32 @!p5 $0x200;
	s25 =	sld [smem:$0x7FA];
	s4 =	sadd.s32 @!p5 s5, s21  }
0xb0: {  	[tilespmem:s24], [sflag:$0x2] =	stream.linear.gather @!p5 [hbm4b:s4+s20], $0x80, $0x38;
	[tilespmem:$0x1F700] =	vst v63  }
0xb1: {  	s16 =	simm.s32 @!p0 $0x300;
	s17 =	simm.s32 @!p0 $0x78;
	_ =	swait.ge @!p0 [sflag:s23], $0x80  }
0xb2: {  	p4 =	seq.s32 s25, $0x1;
	[sflag:s23] =	ssyncset.done @!p0 $0x0;
	s20 =	sld [smem:$0x7FB]  }
0xb3: {  	p2 =	por p4, p1;
	p5 =	sge.u32 s2, s14;
	[sflag:s23] =	ssyncadd.s32 @!p0 $0xFFFFFF80  }
0xb4: {  	s4 =	sadd.s32 @!p5 $0x100, s19;
	s19 =	simm.s32 @!p2 $0x9;
	_ =	swait.ge @!p0 [sflag:s23], $0x80  }
0xb5: {  	p6 =	seq.s32 s20, $0x1;
	s20 =	sand.u32 @!p5 $0x1FC00, s4;
	s4 =	sand.u32 @!p5 $0x380, s4  }
0xb6: {  	[sflag:s23] =	ssyncset.done @!p0 $0x0;
	p3 =	por p6, p1;
	s20 =	sadd.s32 @!p5 s28, s20  }
0xb7: {  	[sflag:s23] =	ssyncadd.s32 @!p0 $0xFFFFFF80;
	s21 =	simm.s32 @!p3 $0x6;
	s4 =	sor.u32 @!p5 s4, s20  }
0xb8: {  	[tilespmem:s16], [sflag:$0x4] =	stream.indirect.gather @!p0 [hbm4b:s15+s17], $0x80, s18, s17, $0xb8;
	[tilespmem:$0x1F700] =	vst v63  }
0xb9: {  	s20 =	simm.s32 @!p3 $0x280;
	s4 =	sshrl.u32 @!p5 s4, $0x3;
	_ =	swait.ge @!p3 [sflag:s21], $0x3C00  }
0xba: {  	s24 =	simm.s32 @!p3 $0x7B00;
	s22 =	sadd.s32 @!p5 s1, s4;
	[sflag:s21] =	ssyncset.done @!p3 $0x0  }
0xbb: {  	s23 =	sadd.s32 @!p5 s5, s4;
	s4 =	simm.s32 @!p3 $0x78;
	[sflag:s21] =	ssyncadd.s32 @!p3 $0xFFFFC400  }
0xbc: {  	[spmem:s3] =	stream.indirect.scatter.add.f32 @!p3 [tilespmem:s24], [sflag:$0x9], $0x80, s20, s4, $0xb8;
	[tilespmem:$0x1F700] =	vst v63  }
0xbd: {  	_ =	swait.ge @!p2 [sflag:s19], $0x3C00  }
0xbe: {  	s21 =	sld [smem:$0x7FC];
	_ =	sdelay $0x2  }
0xbf: {  	p6 =	seq.s32 s21, $0x1  }
.Ltmp1:
0xc0: {  	_ = 	snop;
	(pc) =	sbr.rel @p6 .LBB2_4-.Ltmp1, $4  }
0xc1: {  	s0 =	smov.u32 s12;
	s12 =	sadd.s32 $0x180, s12;
	s13 =	simm.s32 @!p0 $0x4  }
0xc2: {  	s9 =	sadd.s32 $0x1, s6;
	p4 =	sgt.u32 s2, s14;
	s2 =	sadd.s32 $0x2, s6  }
0xc3: {  	s25 =	simm.s32 @!p5 $0x0;
	s30 =	simm.s32 @!p5 $0x280;
	p1 =	seq.s32 s6, $0x0  }
0xc4: {  	s18 =	simm.s32 @!p4 $0x2;
	p3 =	sge.u32 @!p1 s6, s29;
	s24 =	simm.s32 @!p5 $0x100  }
0xc5: {  	[sflag:s19] =	ssyncset.done @!p2 $0x0  }
0xc6: {  	[sflag:s19] =	ssyncadd.s32 @!p2 $0xFFFFC400  }
0xc7: {  	[tilespmem:s24], [sflag:$0x3] =	stream.linear.gather @!p5 [hbm4b:s22+s25], $0x80, $0x38;
	[tilespmem:$0x1F700] =	vst v63  }
0xc8: {  	_ = 	snop  }
0xc9: {  	[tilespmem:s30], [sflag:$0x3] =	stream.linear.gather @!p5 [hbm4b:s23+s25], $0x80, $0x38;
	[tilespmem:$0x1F700] =	vst v63  }
0xca: {  	_ =	swait.ge @!p4 [sflag:s18], $0x80  }
0xcb: {  	[sflag:s18] =	ssyncset.done @!p4 $0x0  }
0xcc: {  	[sflag:s18] =	ssyncadd.s32 @!p4 $0xFFFFFF80  }
0xcd: {  	_ =	swait.ge @!p4 [sflag:s18], $0x80  }
0xce: {  	s4 =	simm.s32 @!p4 $0x3F00;
	[sflag:s18] =	ssyncset.done @!p4 $0x0  }
0xcf: {  	s8 =	simm.s32 @!p4 $0x78;
	s12 =	simm.s32 @!p4 $0x80;
	[sflag:s18] =	ssyncadd.s32 @!p4 $0xFFFFFF80  }
0xd0: {  	[tilespmem:s4], [sflag:$0x5] =	stream.indirect.gather @!p4 [hbm4b:s15+s8], $0x80, s12, s8, $0xb8;
	[tilespmem:$0x1F700] =	vst v63  }
0xd1: {  	p2 =	sge.u32 @!p1 s6, s26;
	_ =	swait.ge @!p0 [sflag:s13], $0x3C00  }
0xd2: {  	p2 =	por p2, p1;
	[sflag:s13] =	ssyncset.done @!p0 $0x0  }
0xd3: {  	s4 =	simm.s32 @!p2 $0x7;
	[sflag:s13] =	ssyncadd.s32 @!p0 $0xFFFFC400  }
0xd4: {  	[spmem:s3] =	stream.indirect.scatter.add.f32 @!p0 [tilespmem:s16], [sflag:$0x7], $0x80, s7, s17, $0xb8;
	[tilespmem:$0x1F700] =	vst v63  }
0xd5: {  	_ =	swait.ge @!p2 [sflag:s4], $0x3C00  }
0xd6: {  	s30 =	sld [smem:$0x7FD];
	_ =	sdelay $0x2  }
0xd7: {  	p6 =	seq.s32 s30, $0x1  }
0xd8: {  	p4 =	sgt.u32 @!p1 s6, s14;
	[sflag:s4] =	ssyncset.done @!p2 $0x0;
	p0 =	por p6, p6  }
0xd9: {  	[sflag:s4] =	ssyncadd.s32 @!p2 $0xFFFFC400;
	p2 =	por p4, p1;
	s4 =	simm.s32 @!p0 $0x0  }
0xda: {  	[tilespmem:s4], [sflag:$0x1] =	stream.linear.gather @!p0 [hbm4b:s10+s4], $0x80, $0x38;
	[tilespmem:$0x1F700] =	vst v63  }
0xdb: {  	s7 =	simm.s32 @!p2 $0x3;
	s6 =	simm.s32 @!p0 $0x180  }
0xdc: {  	[tilespmem:s6], [sflag:$0x1] =	stream.linear.gather @!p0 [hbm4b:s11+s4], $0x80, $0x38;
	[tilespmem:$0x1F700] =	vst v63  }
0xdd: {  	_ =	swait.ge @!p2 [sflag:s7], $0x80  }
0xde: {  	[sflag:s7] =	ssyncset.done @!p2 $0x0  }
0xdf: {  	[sflag:s7] =	ssyncadd.s32 @!p2 $0xFFFFFF80  }
0xe0: {  	p3 =	por p3, p1;
	_ =	swait.ge @!p2 [sflag:s7], $0x80  }
0xe1: {  	s8 =	simm.s32 @!p3 $0x5;
	s10 =	simm.s32 @!p2 $0x100;
	[sflag:s7] =	ssyncset.done @!p2 $0x0  }
0xe2: {  	s11 =	simm.s32 @!p2 $0x7B00;
	[sflag:s7] =	ssyncadd.s32 @!p2 $0xFFFFFF80;
	s7 =	simm.s32 @!p2 $0x78  }
0xe3: {  	[tilespmem:s11], [sflag:$0x6] =	stream.indirect.gather @!p2 [hbm4b:s15+s7], $0x80, s10, s7, $0xb8;
	[tilespmem:$0x1F700] =	vst v63  }
0xe4: {  	_ =	swait.ge @!p3 [sflag:s8], $0x3C00  }
0xe5: {  	p2 =	sge.u32 s9, s14;
	s7 =	simm.s32 @!p3 $0x78;
	[sflag:s8] =	ssyncset.done @!p3 $0x0  }
0xe6: {  	s10 =	simm.s32 @!p3 $0x3F00;
	[sflag:s8] =	ssyncadd.s32 @!p3 $0xFFFFC400;
	s8 =	simm.s32 @!p3 $0x200  }
0xe7: {  	[spmem:s3] =	stream.indirect.scatter.add.f32 @!p3 [tilespmem:s10], [sflag:$0x8], $0x80, s8, s7, $0xb8;
	[tilespmem:$0x1F700] =	vst v63  }
0xe8: {  	p3 =	sge.u32 @!p1 s9, s26;
	s7 =	sadd.s32 @!p2 $0x80, s0  }
0xe9: {  	s8 =	sand.u32 @!p2 $0x1FC00, s7;
	p3 =	por p3, p1  }
0xea: {  	s7 =	sand.u32 @!p2 $0x380, s7;
	s8 =	sadd.s32 @!p2 s28, s8;
	s10 =	simm.s32 @!p3 $0x8  }
0xeb: {  	s7 =	sor.u32 @!p2 s7, s8;
	_ =	swait.ge @!p3 [sflag:s10], $0x3C00  }
0xec: {  	s11 =	simm.s32 @!p2 $0x80;
	s7 =	sshrl.u32 @!p2 s7, $0x3;
	[sflag:s10] =	ssyncset.done @!p3 $0x0  }
0xed: {  	s8 =	simm.s32 @!p2 $0x0;
	[sflag:s10] =	ssyncadd.s32 @!p3 $0xFFFFC400;
	s10 =	sadd.s32 @!p2 s1, s7  }
0xee: {  	[tilespmem:s11], [sflag:$0x2] =	stream.linear.gather @!p2 [hbm4b:s10+s8], $0x80, $0x38;
	[tilespmem:$0x1F700] =	vst v63  }
0xef: {  	s7 =	sadd.s32 @!p2 s5, s7;
	s10 =	simm.s32 @!p2 $0x200  }
0xf0: {  	[tilespmem:s10], [sflag:$0x2] =	stream.linear.gather @!p2 [hbm4b:s7+s8], $0x80, $0x38;
	[tilespmem:$0x1F700] =	vst v63  }
0xf1: {  	s7 =	simm.s32 @!p0 $0x1  }
0xf2: {  	_ =	swait.ge @!p0 [sflag:s7], $0x80  }
0xf3: {  	[sflag:s7] =	ssyncset.done @!p0 $0x0  }
0xf4: {  	[sflag:s7] =	ssyncadd.s32 @!p0 $0xFFFFFF80  }
0xf5: {  	p2 =	sge.u32 @!p1 s9, s29;
	_ =	swait.ge @!p0 [sflag:s7], $0x80  }
0xf6: {  	s8 =	simm.s32 @!p0 $0x78;
	p2 =	por p2, p1;
	[sflag:s7] =	ssyncset.done @!p0 $0x0  }
0xf7: {  	s9 =	simm.s32 @!p0 $0x300;
	s10 =	simm.s32 @!p2 $0x6;
	[sflag:s7] =	ssyncadd.s32 @!p0 $0xFFFFFF80  }
0xf8: {  	[tilespmem:s9], [sflag:$0x4] =	stream.indirect.gather @!p0 [hbm4b:s15+s8], $0x80, s4, s8, $0xb8;
	[tilespmem:$0x1F700] =	vst v63  }
0xf9: {  	_ =	swait.ge @!p2 [sflag:s10], $0x3C00  }
0xfa: {  	s7 =	simm.s32 @!p2 $0x7B00;
	[sflag:s10] =	ssyncset.done @!p2 $0x0  }
0xfb: {  	s4 =	simm.s32 @!p2 $0x280;
	[sflag:s10] =	ssyncadd.s32 @!p2 $0xFFFFC400;
	s10 =	simm.s32 @!p2 $0x78  }
0xfc: {  	[spmem:s3] =	stream.indirect.scatter.add.f32 @!p2 [tilespmem:s7], [sflag:$0x9], $0x80, s4, s10, $0xb8;
	[tilespmem:$0x1F700] =	vst v63  }
0xfd: {  	p2 =	sge.u32 s2, s14  }
0xfe: {  	p3 =	sge.u32 @!p1 s2, s26;
	s0 =	sadd.s32 @!p2 $0x100, s0  }
0xff: {  	p1 =	por p3, p1;
	s7 =	sand.u32 @!p2 $0x1FC00, s0  }
0x100: {  	s4 =	simm.s32 @!p1 $0x9;
	s0 =	sand.u32 @!p2 $0x380, s0;
	s7 =	sadd.s32 @!p2 s28, s7  }
0x101: {  	_ =	swait.ge @!p1 [sflag:s4], $0x3C00;
	s0 =	sor.u32 @!p2 s0, s7  }
0x102: {  	s10 =	simm.s32 @!p2 $0x100;
	[sflag:s4] =	ssyncset.done @!p1 $0x0;
	s0 =	sshrl.u32 @!p2 s0, $0x3  }
0x103: {  	[sflag:s4] =	ssyncadd.s32 @!p1 $0xFFFFC400;
	s7 =	simm.s32 @!p2 $0x0;
	s4 =	sadd.s32 @!p2 s1, s0  }
0x104: {  	[tilespmem:s10], [sflag:$0x3] =	stream.linear.gather @!p2 [hbm4b:s4+s7], $0x80, $0x38;
	[tilespmem:$0x1F700] =	vst v63  }
0x105: {  	p1 =	sgt.u32 s2, s14;
	s0 =	sadd.s32 @!p2 s5, s0;
	s4 =	simm.s32 @!p2 $0x280  }
0x106: {  	[tilespmem:s4], [sflag:$0x3] =	stream.linear.gather @!p2 [hbm4b:s0+s7], $0x80, $0x38;
	[tilespmem:$0x1F700] =	vst v63  }
0x107: {  	s0 =	simm.s32 @!p1 $0x2  }
0x108: {  	_ =	swait.ge @!p1 [sflag:s0], $0x80  }
0x109: {  	[sflag:s0] =	ssyncset.done @!p1 $0x0  }
0x10a: {  	[sflag:s0] =	ssyncadd.s32 @!p1 $0xFFFFFF80  }
0x10b: {  	_ =	swait.ge @!p1 [sflag:s0], $0x80  }
0x10c: {  	s2 =	simm.s32 @!p1 $0x3F00;
	[sflag:s0] =	ssyncset.done @!p1 $0x0  }
0x10d: {  	s4 =	simm.s32 @!p1 $0x80;
	[sflag:s0] =	ssyncadd.s32 @!p1 $0xFFFFFF80;
	s0 =	simm.s32 @!p1 $0x78  }
0x10e: {  	[tilespmem:s2], [sflag:$0x5] =	stream.indirect.gather @!p1 [hbm4b:s15+s0], $0x80, s4, s0, $0xb8;
	[tilespmem:$0x1F700] =	vst v63  }
0x10f: {  	s0 =	simm.s32 @!p0 $0x4  }
0x110: {  	_ =	swait.ge @!p0 [sflag:s0], $0x3C00  }
0x111: {  	[sflag:s0] =	ssyncset.done @!p0 $0x0  }
0x112: {  	[sflag:s0] =	ssyncadd.s32 @!p0 $0xFFFFC400  }
0x113: {  	[spmem:s3] =	stream.indirect.scatter.add.f32 @!p0 [tilespmem:s9], [sflag:$0x7], $0x80, s6, s8, $0xb8;
	[tilespmem:$0x1F700] =	vst v63  }
0x114: {  	s6 =	stileid.u32;
	[bflag:$0x0] =	sbarrier.arrive $0xFFFF  }
0x115: {  	s0 =	sshll.u32 s6, $0x6;
	s10 =	rddreg [dreg:$0xd]  }
0x116: {  	s0 =	sor.u32 $0x1C0A, s0;
	s8 =	rddreg [dreg:$0x5];
	s7 =	sshrl.u32 s10, $0x3  }
0x117: {  	[hbm:s8], [sflag:s0] =	dma.local [spmem:s7], $0x500  }
0x118: {  	_ =	swait.ge [sflag:s31], $0x500  }
0x119: {  	[sflag:s31] =	ssyncset.done $0x0;
	s8 =	rddreg [dreg:$0xf]  }
0x11a: {  	s11 =	rddreg [dreg:$0x6];
	[sflag:s31] =	ssyncadd.s32 $0xFFFFFB00;
	s9 =	sshrl.u32 s8, $0x3  }
0x11b: {  	[hbm:s11], [sflag:s0] =	dma.local [spmem:s9], $0x500  }
0x11c: {  	_ =	swait.ge [sflag:s31], $0x500  }
0x11d: {  	[sflag:s31] =	ssyncset.done $0x0;
	s9 =	rddreg [dreg:$0x10]  }
0x11e: {  	s13 =	rddreg [dreg:$0x7];
	[sflag:s31] =	ssyncadd.s32 $0xFFFFFB00;
	s12 =	sshrl.u32 s9, $0x3  }
0x11f: {  	[hbm:s13], [sflag:s0] =	dma.local [spmem:s12], $0x500  }
0x120: {  	_ =	swait.ge [sflag:s31], $0x500  }
0x121: {  	[sflag:s31] =	ssyncset.done $0x0;
	s11 =	rddreg [dreg:$0x11]  }
0x122: {  	s17 =	rddreg [dreg:$0x8];
	[sflag:s31] =	ssyncadd.s32 $0xFFFFFB00;
	s16 =	sshrl.u32 s11, $0x3  }
0x123: {  	[hbm:s17], [sflag:s0] =	dma.local [spmem:s16], $0x500  }
0x124: {  	_ =	swait.ge [sflag:s31], $0x500  }
0x125: {  	[sflag:s31] =	ssyncset.done $0x0;
	s12 =	rddreg [dreg:$0x12]  }
0x126: {  	s19 =	rddreg [dreg:$0x9];
	[sflag:s31] =	ssyncadd.s32 $0xFFFFFB00;
	s18 =	sshrl.u32 s12, $0x3  }
0x127: {  	[hbm:s19], [sflag:s0] =	dma.local [spmem:s18], $0x500  }
0x128: {  	_ =	swait.ge [sflag:s31], $0x500  }
0x129: {  	[sflag:s31] =	ssyncset.done $0x0;
	s7 =	rddreg [dreg:$0x13]  }
0x12a: {  	s21 =	rddreg [dreg:$0xa];
	[sflag:s31] =	ssyncadd.s32 $0xFFFFFB00;
	s20 =	sshrl.u32 s7, $0x3  }
0x12b: {  	[hbm:s21], [sflag:s0] =	dma.local [spmem:s20], $0x500  }
0x12c: {  	_ =	swait.ge [sflag:s31], $0x500  }
0x12d: {  	[sflag:s31] =	ssyncset.done $0x0;
	s13 =	rddreg [dreg:$0x14]  }
0x12e: {  	s23 =	rddreg [dreg:$0xb];
	[sflag:s31] =	ssyncadd.s32 $0xFFFFFB00;
	s22 =	sshrl.u32 s13, $0x3  }
0x12f: {  	[hbm:s23], [sflag:s0] =	dma.local [spmem:s22], $0x500  }
0x130: {  	_ =	swait.ge [sflag:s31], $0x500  }
0x131: {  	[sflag:s31] =	ssyncset.done $0x0;
	s6 =	rddreg [dreg:$0x16]  }
0x132: {  	s25 =	rddreg [dreg:$0xc];
	[sflag:s31] =	ssyncadd.s32 $0xFFFFFB00;
	s24 =	sshrl.u32 s6, $0x3  }
0x133: {  	[hbm:s25], [sflag:s0] =	dma.local [spmem:s24], $0x500  }
0x134: {  	_ =	swait.ge [sflag:s31], $0x500  }
0x135: {  	s20 =	rddreg [dreg:$0x4]  }
0x136: {  	s30 =	rddreg [dreg:$0xe];
	s20 =	sadd.s32 $0x1, s20  }
0x137: {  	p0 =	sne.s32 s20, s30  }
.Ltmp2:
0x138: {  	_ = 	snop;
	(pc) =	sbr.rel @p0 .LBB2_1-.Ltmp2, $3  }
0x139: {  	_ =	sdelay $0x1  }
0x13a: {  	[sflag:s31] =	ssyncset.done $0x0  }
0x13b: {  	[sflag:s31] =	ssyncadd.s32 $0xFFFFFB00  }
0x13c: {  	_ =	sfence.sel $0x180000  }
0x13d: {  	[bflag:$0x0] =	sbarrier.arrive $0xFFFF  }
0x13e: {  	_ =	strace $0x9000004D  }
0x13f: {  	s0 =	stileid.u32;
	[bflag:$0x2] =	sbarrier.arrive $0xFFFF  }
0x140: {  	p0 =	sne.s32 s0, $0x0;
	s0 =	rddreg [dreg:$0x3]  }
0x141: {  	s0 =	sadd.s32 @!p0 $0x100000, s0  }
0x142: {  	[sflag:s0] =	ssyncadd.tile.s32 @!p0 $0x1;
	_ =	shalt  }
.Lfunc_end2:
_tile_overlayer_lowered:
.L_overlay_start_2:
0x143: {  	(tag) =	ssettag $0x2  }
0x144: {  	s0 =	rddreg [dreg:$0x0];
	s2 =	stileid.u32  }
0x145: {  	s1 =	rddreg [dreg:$0x1];
	p0 =	sne.s32 s2, $0x0  }
0x146: {  	s3 =	rddreg [dreg:$0x2];
	[bflag:$0x3] =	sbarrier.arrive $0xFFFF;
	s2 =	simm.s32 @!p0 $0x1C0A  }
0x147: {  	[timem:s3], [sflag:s2] =	dma.local @!p0 [hbm:s0], s1  }
0x148: {  	s0 =	simm.s32 @!p0 $0xA  }
0x149: {  	_ =	swait.ge @!p0 [sflag:s0], s1  }
0x14a: {  	s1 =	ssub.s32 @!p0 $0x0, s1;
	[sflag:s0] =	ssyncset.done @!p0 $0x0  }
0x14b: {  	[sflag:s0] =	ssyncadd.s32 @!p0 s1  }
0x14c: {  	[bflag:$0x3] =	sbarrier.arrive $0xFFFF  }
0x14d: {  	_ =	shalt  }

// kernel: kernel.9.cloned.1.call-start
scs
__scs_entry_jumppad:
0x0: {  	(pc) =	sbr.rel $0x88, $3  }
0x1: {  	(tag) =	ssettag $0x0;
	lr =	simm.s32 $0x1  }
0x2: {  	[smem:$0x3F9B] =	sst lr;
	_ =	strace $0xD0000000  }
0x3: {  	_ = 	snop  }
0x4: {  	_ = 	snop  }
0x5: {  	_ = 	snop  }
0x6: {  	_ = 	snop  }
0x7: {  	_ = 	snop  }
__scs_overlays_trampoline_lowered:
0x8: {  	[smem:$0x3FAA] =	sst s0  }
0x9: {  	[smem:$0x3FAB] =	sst s1  }
0xa: {  	[smem:$0x3FAC] =	sst s2  }
0xb: {  	[smem:$0x3FAD] =	sst s3  }
0xc: {  	[smem:$0x3FAE] =	sst s4  }
0xd: {  	[smem:$0x3FAF] =	sst s5  }
0xe: {  	[smem:$0x3FB0] =	sst s6  }
0xf: {  	[smem:$0x3FB1] =	sst s7  }
0x10: {  	[smem:$0x3FB2] =	sst s8  }
0x11: {  	[smem:$0x3FB3] =	sst s9;
	s0 =	simm.s32 @!p0 $0x0  }
0x12: {  	s1 =	sld [smem:$0x3F99];
	s0 =	simm.s32 @p0 $0x1  }
0x13: {  	[smem:$0x3FB4] =	sst s0;
	s0 =	simm.s32 @!p1 $0x0  }
0x14: {  	s2 =	sld [smem:$0x3F98];
	s0 =	simm.s32 @p1 $0x1  }
0x15: {  	[smem:$0x3FB5] =	sst s0;
	s0 =	simm.s32 @!p2 $0x0  }
0x16: {  	s3 =	sld [smem:$0x3FDB];
	s0 =	simm.s32 @p2 $0x1  }
0x17: {  	s4 =	simm.s32 $0x1BF5;
	[smem:$0x3FB7] =	sst s0  }
0x18: {  	s0 =	sld [smem:$0x3F9A];
	_ =	swait.ge [sflag:s4], $0x0  }
0x19: {  	s7 =	sld [smem:$0x3F9B]  }
0x1a: {  	s8 =	sadd.s32 $0xFFFFE003, lr  }
0x1b: {  	s9 =	sadd.s32 $0xFFFFFEF7, lr;
	s5 =	simm.s32 $0xFFFFFFFF;
	p2 =	slt.u32 s8, $0xFFFFF086  }
0x1c: {  	p1 =	slt.u32 s9, $0xF7A;
	s5 =	simm.s32 @!p2 $0x0  }
0x1d: {  	s5 =	simm.s32 @p1 $0x1;
	p0 =	seq.s32 s7, s2  }
0x1e: {  	s7 =	smul.u32 @!p0 $0xF7A, s2;
	p2 =	seq.s32 @!p0 s5, $0x0  }
0x1f: {  	s9 =	smul.u32 $0xF7A, s1;
	s8 =	simm.s32 @!p0 $0x1BF5;
	p2 =	por !p2, p0  }
0x20: {  	[sflag:s8] =	ssyncset.s32 @!p0 $0xFFFFF086;
	s6 =	sadd.s32 @!p0 s3, s7;
	s7 =	simm.s32 @!p0 $0x108  }
0x21: {  	s3 =	sadd.s32 s3, s9;
	s6 =	sadd.s32 @!p0 $0x88, s6;
	s7 =	simm.s32 @p2 $0x1082  }
0x22: {  	[simem:s7], [sflag:s8] =	dma.local @!p0 [hbm:s6], $0xF7A  }
0x23: {  	s9 =	sor.u32 $0xD0000000, s2;
	s6 =	simm.s32 $0x108;
	_ =	swait.ge @!p0 [sflag:s8], $0x0  }
0x24: {  	s3 =	sadd.s32 $0x88, s3;
	s6 =	simm.s32 @!p1 $0x1082;
	[sflag:s4] =	ssyncset.s32 $0xFFFFF086  }
0x25: {  	[simem:s6], [sflag:s4] =	dma.local [hbm:s3], $0xF7A  }
0x26: {  	[smem:$0x3F9B] =	sst s1;
	(tag) =	ssettag s2;
	_ =	strace s9  }
0x27: {  	s1 =	sld [smem:$0x3FAB]  }
0x28: {  	s2 =	sld [smem:$0x3FAC]  }
0x29: {  	s4 =	sld [smem:$0x3FAE]  }
0x2a: {  	p0 =	seq.s32 s5, $0x0;
	s5 =	sld [smem:$0x3FAF]  }
0x2b: {  	s6 =	sld [smem:$0x3FB0]  }
0x2c: {  	s7 =	sld [smem:$0x3FB1]  }
0x2d: {  	s3 =	simm.s32 $0x108;
	s8 =	sld [smem:$0x3FB2]  }
0x2e: {  	s3 =	simm.s32 @!p0 $0x1082;
	s9 =	sld [smem:$0x3FB3]  }
0x2f: {  	lr =	sadd.s32 s0, s3;
	s0 =	sld [smem:$0x3FAA]  }
0x30: {  	s3 =	sld [smem:$0x3FAD]  }
0x31: {  	[smem:$0x3FB6] =	sst s10  }
0x32: {  	s10 =	sld [smem:$0x3FB4];
	_ =	sdelay $0x3  }
0x33: {  	p0 =	seq.s32 s10, $0x1;
	s10 =	sld [smem:$0x3FB6];
	_ =	sdelay $0x3  }
0x34: {  	[smem:$0x3FB6] =	sst s10  }
0x35: {  	s10 =	sld [smem:$0x3FB5];
	_ =	sdelay $0x3  }
0x36: {  	p1 =	seq.s32 s10, $0x1;
	s10 =	sld [smem:$0x3FB6];
	_ =	sdelay $0x3  }
0x37: {  	[smem:$0x3FB6] =	sst s10  }
0x38: {  	s10 =	sld [smem:$0x3FB7]  }
0x39: {  	_ = 	snop;
	(pc) =	sbr.ind lr, $3  }
0x3a: {  	_ = 	snop  }
0x3b: {  	_ = 	snop  }
0x3c: {  	p2 =	seq.s32 s10, $0x1;
	s10 =	sld [smem:$0x3FB6]  }
0x3d: {  	_ =	shalt  }
0x3e: {  	_ =	shalt  }
0x3f: {  	_ =	shalt  }
0x40: {  	_ =	shalt  }
0x41: {  	_ =	shalt  }
0x42: {  	_ =	shalt  }
0x43: {  	_ =	shalt  }
0x44: {  	_ =	shalt  }
0x45: {  	_ =	shalt  }
0x46: {  	_ =	shalt  }
0x47: {  	_ =	shalt  }
0x48: {  	_ =	shalt  }
0x49: {  	_ =	shalt  }
0x4a: {  	_ =	shalt  }
0x4b: {  	_ =	shalt  }
0x4c: {  	_ =	shalt  }
0x4d: {  	_ =	shalt  }
0x4e: {  	_ =	shalt  }
0x4f: {  	_ =	shalt  }
0x50: {  	_ =	shalt  }
0x51: {  	_ =	shalt  }
0x52: {  	_ =	shalt  }
0x53: {  	_ =	shalt  }
0x54: {  	_ =	shalt  }
0x55: {  	_ =	shalt  }
0x56: {  	_ =	shalt  }
0x57: {  	_ =	shalt  }
0x58: {  	_ =	shalt  }
0x59: {  	_ =	shalt  }
0x5a: {  	_ =	shalt  }
0x5b: {  	_ =	shalt  }
0x5c: {  	_ =	shalt  }
0x5d: {  	_ =	shalt  }
0x5e: {  	_ =	shalt  }
0x5f: {  	_ =	shalt  }
0x60: {  	_ =	shalt  }
0x61: {  	_ =	shalt  }
0x62: {  	_ =	shalt  }
0x63: {  	_ =	shalt  }
0x64: {  	_ =	shalt  }
0x65: {  	_ =	shalt  }
0x66: {  	_ =	shalt  }
0x67: {  	_ =	shalt  }
0x68: {  	_ =	shalt  }
0x69: {  	_ =	shalt  }
0x6a: {  	_ =	shalt  }
0x6b: {  	_ =	shalt  }
0x6c: {  	_ =	shalt  }
0x6d: {  	_ =	shalt  }
0x6e: {  	_ =	shalt  }
0x6f: {  	_ =	shalt  }
0x70: {  	_ =	shalt  }
0x71: {  	_ =	shalt  }
0x72: {  	_ =	shalt  }
0x73: {  	_ =	shalt  }
0x74: {  	_ =	shalt  }
0x75: {  	_ =	shalt  }
0x76: {  	_ =	shalt  }
0x77: {  	_ =	shalt  }
0x78: {  	_ =	shalt  }
0x79: {  	_ =	shalt  }
0x7a: {  	_ =	shalt  }
0x7b: {  	_ =	shalt  }
0x7c: {  	_ =	shalt  }
0x7d: {  	_ =	shalt  }
0x7e: {  	_ =	shalt  }
0x7f: {  	_ =	shalt  }
0x80: {  	_ =	shalt  }
0x81: {  	_ =	shalt  }
0x82: {  	_ =	shalt  }
0x83: {  	_ =	shalt  }
0x84: {  	_ =	shalt  }
0x85: {  	_ =	shalt  }
0x86: {  	_ =	shalt  }
0x87: {  	_ =	shalt  }
.Lfunc_end0:
.L_simem_size_0:
called_computation_lowered:
.L_overlay_start_0:
0x88: {  	s2 =	sld [smem:$0x3FD9]  }
0x89: {  	s3 =	sld [smem:$0x3FFE];
	_ =	sdelay $0x1  }
0x8a: {  	s1 =	srdreg.scid  }
0x8b: {  	s0 =	sand.u32 $0x1, s1  }
0x8c: {  	s16 =	sshll.u32 s0, $0xA;
	s2 =	sadd.s32 s3, s2  }
0x8d: {  	s2 =	sadd.s32 s2, s16  }
0x8e: {  	[smem:$0x3FC2] =	sst s2  }
0x8f: {  	_ = 	snop  }
0x90: {  	(tm) =	ssettm $0x1  }
0x91: {  	s17 =	sld [smem:$0x3FFB];
	_ =	sdelay $0x3  }
0x92: {  	_ =	strace s17  }
0x93: {  	s2 =	sld [smem:$0x3FFC];
	_ =	sdelay $0x3  }
0x94: {  	_ =	strace s2  }
0x95: {  	s2 =	sld [smem:$0x3FFD];
	_ =	sdelay $0x3  }
0x96: {  	_ =	strace s2  }
0x97: {  	_ =	strace $0x8FFFFFFF  }
0x98: {  	s18 =	sld [smem:$0x3FDB];
	_ =	sdelay $0x1  }
0x99: {  	s19 =	simm.s32 $_scs_section_size  }
0x9a: {  	s4 =	simm.s32 $_size__tile_overlayer_lowered;
	s5 =	simm.s32 $_tile_overlayer_lowered  }
0x9b: {  	s22 =	simm.s32 $0x1BFF;
	s21 =	sshll.u32 s5, $0x1;
	s2 =	sadd.s32 s19, s18  }
0x9c: {  	s6 =	simm.s32 $0x0;
	s20 =	sshll.u32 s4, $0x1;
	s4 =	sadd.s32 s21, s2  }
0x9d: {  	[timem:s6], [sflag:s22] =	dma.local [hbm:s4], s20  }
0x9e: {  	_ =	swait.ge [sflag:s22], s20  }
0x9f: {  	s3 =	ssub.s32 $0x0, s20;
	[sflag:s22] =	ssyncset.done $0x0  }
0xa0: {  	[sflag:s22] =	ssyncadd.s32 s3;
	_ =	sdelay $0x1  }
0xa1: {  	s23 =	simm.s32 $0x1B8B  }
0xa2: {  	_ =	swait.ge [sflag:s23], $0x1  }
0xa3: {  	[sflag:s23] =	ssyncset.done $0x0  }
0xa4: {  	s25 =	simm.s32 $0x1B8E;
	s24 =	sld [smem:$0x3FFE];
	[sflag:s23] =	ssyncadd.s32 $0xFFFFFFFF  }
0xa5: {  	s26 =	simm.s32 $execute0_lowered;
	[smem:$0x3FD2] =	sst s25  }
0xa6: {  	s4 =	sshll.u32 s26, $0x1;
	_ =	strace $0x80000046;
	[dreg:$0x1] =	wrdreg $0xFFFFFFFF  }
0xa7: {  	s28 =	simm.s32 $_size_execute0_lowered;
	s2 =	sadd.s32 s2, s4;
	[dreg:$0x0] =	wrdreg $0x0  }
0xa8: {  	s4 =	sshll.u32 s28, $0x1;
	[dreg:$0x2] =	wrdreg s2  }
0xa9: {  	[dreg:$0x3] =	wrdreg s4  }
0xaa: {  	[dreg:$0x4] =	wrdreg $0xC0  }
0xab: {  	_ =	task [dreg:s6], $0x5FFFF  }
0xac: {  	[dreg:$0x1] =	wrdreg $0xFFFFFFFF  }
0xad: {  	[dreg:$0x0] =	wrdreg $0x60  }
0xae: {  	[dreg:$0x2] =	wrdreg s24  }
0xaf: {  	[dreg:$0x3] =	wrdreg $0x4800  }
0xb0: {  	[dreg:$0x4] =	wrdreg $0x9  }
0xb1: {  	_ =	task.clear_ibuf [dreg:s6], $0x5FFFF;
	_ =	strace $0x90000046  }
0xb2: {  	s29 =	simm.s32 $0x9;
	_ =	strace $0x80000048  }
0xb3: {  	_ =	swait.ge [sflag:s29], $0x1  }
0xb4: {  	[sflag:s29] =	ssyncadd.s32 $0xFFFFFFFF  }
0xb5: {  	_ =	strace $0x90000048  }
0xb6: {  	_ =	sfence  }
0xb7: {  	s30 =	sld [smem:$0x0];
	_ =	sdelay $0x2  }
0xb8: {  	s31 =	sshll.u32 s1, $0xD;
	s1 =	sshrl.u32 s1, $0x2  }
0xb9: {  	s3 =	sand.u32 $0x4000, s31;
	s1 =	sadd.s32 s1, s30  }
0xba: {  	s0 =	sor.u32 s3, s0;
	s1 =	sshll.u32 s1, $0x11  }
0xbb: {  	s0 =	sor.u32 s1, s0  }
0xbc: {  	s0 =	sadd.s32 $0x8F2B, s0  }
0xbd: {  	[sflag:s0] =	ssyncadd.remote.s32 $0x1  }
0xbe: {  	_ =	sfence.sel $0xFFFF  }
0xbf: {  	[dreg:$0x0] =	wrdreg $0xFFFFFFFF;
	(pc) =	sbr.abs _section_cstart, $3  }
0xc0: {  	[dreg:$0x1] =	wrdreg $0xFFFFFFFF  }
0xc1: {  	_ =	task.clear_ibuf [dreg:s6], $0x2FFFF;
	_ =	strace $0x9FFFFFFF  }
0xc2: {  	(tm) =	ssettm $0x7FFFFFFF  }
0xc3: {  	_ =	shalt  }
tec
execute0_lowered:
.L_overlay_start_1:
0x0: {  	(tag) =	ssettag $0x1  }
0x1: {  	s1 =	srdreg.scid;
	s6 =	rddreg [dreg:$0x0]  }
0x2: {  	s0 =	stileid.u32;
	s2 =	rddreg [dreg:$0x1];
	s3 =	simm.s32 $0x0  }
0x3: {  	s11 =	sand.u32 $0x1, s1;
	s7 =	smul.u32 $0x280, s0;
	s1 =	rddreg [dreg:$0x2]  }
0x4: {  	s13 =	simm.s32 $0x7;
	[smem:$0x7FF] =	sst s3;
	s4 =	smul.u32 $0x2800, s11  }
0x5: {  	_ =	strace $0x80000047;
	s9 =	ssub.s32 $0x2, s11;
	p0 =	seq.s32 s11, $0x0  }
0x6: {  	s11 =	smul.u32 $0x2E00, s11;
	s31 =	sshrl.u32 s9, $0x1;
	s5 =	sadd.s32 s7, s4  }
0x7: {  	s4 =	sadd.s32 $0x2400, s6;
	s8 =	sshrl.u32 s5, $0x3;
	s5 =	simm.s32 $0x5C  }
0x8: {  	s12 =	ssub.s32 s9, s31;
	s10 =	sadd.s32 s8, s6;
	s5 =	simm.s32 @!p0 $0x4B  }
0x9: {  	s6 =	sadd.s32 s7, s2;
	s8 =	smul.u32 $0x5400, s0;
	s7 =	sadd.s32 $0x2, s5  }
0xa: {  	v0 =	vimm.f32 $1.000000000e+00;
	v1 =	vimm.f32 $0.0e+00;
	s9 =	sadd.s32 $0xCC00, s10;
	s10 =	smax.u32 s12, $0x1;
	s12 =	simm.s32 $0x200  }
.LBB2_1:
0xb: {  	[tilespmem:$0x180] =	vst v0  }
0xc: {  	[tilespmem:$0x190] =	vst v0  }
0xd: {  	[tilespmem:$0x1A0] =	vst v0  }
0xe: {  	[tilespmem:$0x1B0] =	vst v0  }
0xf: {  	[tilespmem:$0x1C0] =	vst v0  }
0x10: {  	[tilespmem:$0x1D0] =	vst v0  }
0x11: {  	[tilespmem:$0x1E0] =	vst v0  }
0x12: {  	[tilespmem:$0x1F0] =	vst v0  }
0x13: {  	[tilespmem:$0x200] =	vst v1  }
0x14: {  	[tilespmem:$0x210] =	vst v1  }
0x15: {  	[tilespmem:$0x220] =	vst v1  }
0x16: {  	[tilespmem:$0x230] =	vst v1  }
0x17: {  	[tilespmem:$0x240] =	vst v1  }
0x18: {  	[tilespmem:$0x250] =	vst v1  }
0x19: {  	[tilespmem:$0x260] =	vst v1  }
0x1a: {  	[tilespmem:$0x270] =	vst v1  }
0x1b: {  	[tilespmem:$0x280] =	vst v1  }
0x1c: {  	[tilespmem:$0x290] =	vst v1  }
0x1d: {  	[tilespmem:$0x2A0] =	vst v1  }
0x1e: {  	[tilespmem:$0x2B0] =	vst v1  }
0x1f: {  	[tilespmem:$0x2C0] =	vst v1  }
0x20: {  	[tilespmem:$0x2D0] =	vst v1  }
0x21: {  	[tilespmem:$0x2E0] =	vst v1  }
0x22: {  	[tilespmem:$0x2F0] =	vst v1  }
0x23: {  	[tilespmem:$0x300] =	vst v1  }
0x24: {  	[tilespmem:$0x310] =	vst v1  }
0x25: {  	[tilespmem:$0x320] =	vst v1  }
0x26: {  	[tilespmem:$0x330] =	vst v1  }
0x27: {  	[tilespmem:$0x340] =	vst v1  }
0x28: {  	[tilespmem:$0x350] =	vst v1  }
0x29: {  	[tilespmem:$0x360] =	vst v1  }
0x2a: {  	[tilespmem:$0x370] =	vst v1  }
0x2b: {  	[tilespmem:$0x380] =	vst v1  }
0x2c: {  	[tilespmem:$0x390] =	vst v1  }
0x2d: {  	[tilespmem:$0x3A0] =	vst v1  }
0x2e: {  	[tilespmem:$0x3B0] =	vst v1  }
0x2f: {  	[tilespmem:$0x3C0] =	vst v1  }
0x30: {  	[tilespmem:$0x3D0] =	vst v1  }
0x31: {  	[tilespmem:$0x3E0] =	vst v1  }
0x32: {  	[tilespmem:$0x3F0] =	vst v1  }
0x33: {  	[tilespmem:$0x400] =	vst v1  }
0x34: {  	[tilespmem:$0x410] =	vst v1  }
0x35: {  	[tilespmem:$0x420] =	vst v1  }
0x36: {  	[tilespmem:$0x430] =	vst v1  }
0x37: {  	[tilespmem:$0x440] =	vst v1  }
0x38: {  	[tilespmem:$0x450] =	vst v1  }
0x39: {  	[tilespmem:$0x460] =	vst v1  }
0x3a: {  	[tilespmem:$0x470] =	vst v1;
	p1 =	por $0x1, $0x1  }
0x3b: {  	[spmem:s6] =	stream.linear.scatter [tilespmem:s12], [sflag:$0x7], $0x280, $0x38;
	[tilespmem:$0x700] =	vst v63  }
0x3c: {  	p0 =	sle.u32 s5, $0x0;
	p2 =	sle.u32 @!p1 s7, $0x0  }
0x3d: {  	p3 =	slt.u32 @!p1 s5, $0x0;
	s14 =	sand.u32 @!p0 $0x7C00, s11;
	s16 =	sand.u32 @!p0 $0x380, s11  }
0x3e: {  	p4 =	sle.u32 @!p1 s7, $0x1;
	_ =	swait.ge [sflag:s13], $0x280;
	p2 =	por p2, p1  }
0x3f: {  	s14 =	sadd.s32 @!p0 s8, s14;
	p3 =	por p3, p1;
	[sflag:s13] =	ssyncset.done $0x0  }
0x40: {  	p1 =	por p4, p1;
	s15 =	simm.s32 @!p2 $0x5;
	[sflag:s13] =	ssyncadd.s32 $0xFFFFFD80  }
0x41: {  	s14 =	sor.u32 @!p0 s16, s14;
	s16 =	simm.s32 @!p0 $0x0;
	[bflag:$0x0] =	sbarrier.arrive $0xFFFF  }
0x42: {  	s17 =	simm.s32 @!p3 $0x180;
	s14 =	sshrl.u32 @!p0 s14, $0x3;
	_ =	swait.ge @!p2 [sflag:s15], $0x78  }
0x43: {  	s20 =	simm.s32 @!p1 $0x6;
	s14 =	sadd.s32 @!p0 s4, s14;
	[sflag:s15] =	ssyncset.done @!p2 $0x0  }
0x44: {  	[sflag:s15] =	ssyncadd.s32 @!p2 $0xFFFFFF88;
	s15 =	simm.s32 @!p3 $0x3;
	p2 =	sle.u32 s5, $0x1  }
0x45: {  	[tilespmem:s16], [sflag:$0x1] =	stream.linear.gather @!p0 [hbm4b:s14+s16], $0x80, $0x38;
	[tilespmem:$0x700] =	vst v63  }
0x46: {  	s14 =	simm.s32 @!p3 $0x100;
	s18 =	sadd.s32 @!p2 $0x80, s11;
	_ =	swait.ge @!p3 [sflag:s15], $0x80  }
0x47: {  	s19 =	sand.u32 @!p2 $0xFC00, s18;
	s18 =	sand.u32 @!p2 $0x380, s18;
	[sflag:s15] =	ssyncset.done @!p3 $0x0  }
0x48: {  	s19 =	sadd.s32 @!p2 s8, s19;
	[sflag:s15] =	ssyncadd.s32 @!p3 $0xFFFFFF80;
	s15 =	simm.s32 @!p3 $0x78  }
0x49: {  	[spmem:s2] =	stream.indirect.scatter.add.f32 @!p3 [tilespmem:s17], [sflag:$0x6], $0x1, s14, s15, $0xb8;
	[tilespmem:$0x700] =	vst v63  }
0x4a: {  	s14 =	sor.u32 @!p2 s18, s19;
	s15 =	simm.s32 @!p2 $0x0;
	_ =	swait.ge @!p1 [sflag:s20], $0x78  }
0x4b: {  	s17 =	simm.s32 @!p0 $0x1;
	s14 =	sshrl.u32 @!p2 s14, $0x3;
	[sflag:s20] =	ssyncset.done @!p1 $0x0  }
0x4c: {  	s18 =	simm.s32 @!p2 $0x80;
	s14 =	sadd.s32 @!p2 s4, s14;
	[sflag:s20] =	ssyncadd.s32 @!p1 $0xFFFFFF88  }
0x4d: {  	[tilespmem:s18], [sflag:$0x2] =	stream.linear.gather @!p2 [hbm4b:s14+s15], $0x80, $0x38;
	[tilespmem:$0x700] =	vst v63  }
0x4e: {  	p3 =	slt.u32 s5, $0x2;
	s20 =	simm.s32 @!p0 $0x180;
	p2 =	sle.u32 s5, $0x2  }
0x4f: {  	s14 =	simm.s32 $0x5;
	_ =	swait.ge @!p0 [sflag:s17], $0x80;
	s18 =	sadd.s32 @!p2 $0x100, s11  }
0x50: {  	s15 =	simm.s32 @!p0 $0x4;
	[sflag:s17] =	ssyncset.done @!p0 $0x0;
	s19 =	sand.u32 @!p2 $0x380, s18  }
0x51: {  	s18 =	sand.u32 @!p2 $0xFC00, s18;
	[sflag:s17] =	ssyncadd.s32 @!p0 $0xFFFFFF80;
	s17 =	simm.s32 @!p0 $0x78  }
0x52: {  	[spmem:s2] =	stream.indirect.scatter.add.f32 @!p0 [tilespmem:s20], [sflag:$0x4], $0x1, s16, s17, $0xb8;
	[tilespmem:$0x700] =	vst v63  }
0x53: {  	s17 =	sadd.s32 @!p2 s8, s18;
	s16 =	simm.s32 @!p2 $0x100;
	_ =	swait.ge @!p0 [sflag:s15], $0x78  }
0x54: {  	s18 =	simm.s32 @!p3 $0x80;
	s17 =	sor.u32 @!p2 s19, s17;
	[sflag:s15] =	ssyncset.done @!p0 $0x0  }
0x55: {  	s19 =	simm.s32 @!p2 $0x0;
	[sflag:s15] =	ssyncadd.s32 @!p0 $0xFFFFFF88;
	s15 =	sshrl.u32 @!p2 s17, $0x3  }
0x56: {  	s17 =	simm.s32 @!p3 $0x2;
	s20 =	sadd.s32 @!p2 s4, s15;
	s15 =	sadd.s32 $0x180, s11  }
.LBB2_2:
0x57: {  	[tilespmem:s16], [sflag:$0x3] =	stream.linear.gather @!p2 [hbm4b:s20+s19], $0x80, $0x38;
	[tilespmem:$0x700] =	vst v63  }
0x58: {  	s19 =	simm.s32 @!p3 $0x78;
	s20 =	simm.s32 @!p3 $0x180;
	_ =	swait.ge @!p3 [sflag:s17], $0x80  }
0x59: {  	s16 =	smov.u32 s14;
	s14 =	sadd.s32 $0x3, s14;
	[sflag:s17] =	ssyncset.done @!p3 $0x0  }
0x5a: {  	p0 =	sne.s32 s14, $0x62;
	[sflag:s17] =	ssyncadd.s32 @!p3 $0xFFFFFF80  }
0x5b: {  	[spmem:s2] =	stream.indirect.scatter.add.f32 @!p3 [tilespmem:s20], [sflag:$0x5], $0x1, s18, s19, $0xb8;
	[tilespmem:$0x700] =	vst v63  }
0x5c: {  	p2 =	seq.s32 s16, $0x2;
	s17 =	sadd.s32 $0xFFFFFFFE, s16;
	s18 =	sadd.s32 $0xFFFFFFFF, s16  }
0x5d: {  	p3 =	sge.u32 @!p2 s17, s7;
	p1 =	sge.u32 s17, s5;
	p4 =	sgt.u32 @!p2 s17, s5  }
0x5e: {  	p6 =	por p3, p2;
	s17 =	sand.u32 @!p1 $0x7C00, s15;
	p3 =	sge.u32 @!p2 s18, s7  }
0x5f: {  	s20 =	sand.u32 @!p1 $0x380, s15;
	s19 =	simm.s32 @!p6 $0x5;
	s17 =	sadd.s32 @!p1 s8, s17  }
0x60: {  	s17 =	sor.u32 @!p1 s20, s17;
	s20 =	simm.s32 @!p1 $0x0;
	_ =	swait.ge @!p6 [sflag:s19], $0x78  }
0x61: {  	p5 =	por p4, p2;
	s17 =	sshrl.u32 @!p1 s17, $0x3;
	[sflag:s19] =	ssyncset.done @!p6 $0x0  }
0x62: {  	s17 =	sadd.s32 @!p1 s4, s17;
	[sflag:s19] =	ssyncadd.s32 @!p6 $0xFFFFFF88;
	s19 =	simm.s32 @!p5 $0x3  }
0x63: {  	[tilespmem:s20], [sflag:$0x1] =	stream.linear.gather @!p1 [hbm4b:s17+s20], $0x80, $0x38;
	[tilespmem:$0x700] =	vst v63  }
0x64: {  	p4 =	sge.u32 s18, s5;
	s17 =	simm.s32 @!p5 $0x100;
	_ =	swait.ge @!p5 [sflag:s19], $0x80  }
0x65: {  	s18 =	simm.s32 @!p5 $0x180;
	s21 =	sadd.s32 @!p4 $0x80, s15;
	[sflag:s19] =	ssyncset.done @!p5 $0x0  }
0x66: {  	s22 =	sand.u32 @!p4 $0x380, s21;
	[sflag:s19] =	ssyncadd.s32 @!p5 $0xFFFFFF80;
	s19 =	simm.s32 @!p5 $0x78  }
0x67: {  	p2 =	por p3, p2;
	s21 =	sand.u32 @!p4 $0xFC00, s21  }
0x68: {  	s23 =	simm.s32 @!p2 $0x6;
	s21 =	sadd.s32 @!p4 s8, s21  }
0x69: {  	[spmem:s2] =	stream.indirect.scatter.add.f32 @!p5 [tilespmem:s18], [sflag:$0x6], $0x1, s17, s19, $0xb8;
	[tilespmem:$0x700] =	vst v63  }
0x6a: {  	s17 =	sor.u32 @!p4 s22, s21;
	s18 =	simm.s32 @!p4 $0x0;
	_ =	swait.ge @!p2 [sflag:s23], $0x78  }
0x6b: {  	s19 =	simm.s32 @!p1 $0x1;
	s17 =	sshrl.u32 @!p4 s17, $0x3;
	[sflag:s23] =	ssyncset.done @!p2 $0x0  }
0x6c: {  	s21 =	simm.s32 @!p4 $0x80;
	s17 =	sadd.s32 @!p4 s4, s17;
	[sflag:s23] =	ssyncadd.s32 @!p2 $0xFFFFFF88  }
0x6d: {  	[tilespmem:s21], [sflag:$0x2] =	stream.linear.gather @!p4 [hbm4b:s17+s18], $0x80, $0x38;
	[tilespmem:$0x700] =	vst v63  }
0x6e: {  	p2 =	sge.u32 s16, s5;
	_ =	swait.ge @!p1 [sflag:s19], $0x80  }
0x6f: {  	s17 =	simm.s32 @!p1 $0x4;
	s18 =	sadd.s32 @!p2 $0x100, s15;
	[sflag:s19] =	ssyncset.done @!p1 $0x0  }
0x70: {  	s21 =	sand.u32 @!p2 $0x380, s18;
	[sflag:s19] =	ssyncadd.s32 @!p1 $0xFFFFFF80;
	s19 =	simm.s32 @!p1 $0x78  }
0x71: {  	p3 =	sgt.u32 s16, s5;
	s22 =	simm.s32 @!p1 $0x180;
	s18 =	sand.u32 @!p2 $0xFC00, s18  }
0x72: {  	[spmem:s2] =	stream.indirect.scatter.add.f32 @!p1 [tilespmem:s22], [sflag:$0x4], $0x1, s20, s19, $0xb8;
	[tilespmem:$0x700] =	vst v63  }
.Ltmp0:
0x73: {  	_ = 	snop;
	(pc) =	sbr.rel @p0 .LBB2_2-.Ltmp0, $4  }
0x74: {  	s16 =	simm.s32 @!p2 $0x100;
	s18 =	sadd.s32 @!p2 s8, s18;
	_ =	swait.ge @!p1 [sflag:s17], $0x78  }
0x75: {  	s18 =	sor.u32 @!p2 s21, s18;
	s19 =	simm.s32 @!p2 $0x0;
	[sflag:s17] =	ssyncset.done @!p1 $0x0  }
0x76: {  	s18 =	sshrl.u32 @!p2 s18, $0x3;
	[sflag:s17] =	ssyncadd.s32 @!p1 $0xFFFFFF88;
	s17 =	simm.s32 @!p3 $0x2  }
0x77: {  	s15 =	sadd.s32 $0x180, s15;
	s20 =	sadd.s32 @!p2 s4, s18;
	s18 =	simm.s32 @!p3 $0x80  }
0x78: {  	[tilespmem:s16], [sflag:$0x3] =	stream.linear.gather @!p2 [hbm4b:s20+s19], $0x80, $0x38;
	[tilespmem:$0x700] =	vst v63  }
0x79: {  	s14 =	simm.s32 @!p3 $0x78;
	s15 =	simm.s32 @!p3 $0x180;
	_ =	swait.ge @!p3 [sflag:s17], $0x80  }
0x7a: {  	s30 =	sshll.u32 s0, $0x6;
	s3 =	sadd.s32 $0x1, s3;
	[sflag:s17] =	ssyncset.done @!p3 $0x0  }
0x7b: {  	s31 =	sshrl.u32 s6, $0x3;
	p0 =	sne.s32 s3, s10;
	[sflag:s17] =	ssyncadd.s32 @!p3 $0xFFFFFF80  }
0x7c: {  	[spmem:s2] =	stream.indirect.scatter.add.f32 @!p3 [tilespmem:s15], [sflag:$0x5], $0x1, s18, s14, $0xb8;
	[tilespmem:$0x700] =	vst v63  }
.Ltmp1:
0x7d: {  	s14 =	sor.u32 $0x1C07, s30;
	[bflag:$0x0] =	sbarrier.arrive $0xFFFF;
	(pc) =	sbr.rel @p0 .LBB2_1-.Ltmp1, $4  }
0x7e: {  	[hbm:s9], [sflag:s14] =	dma.local [spmem:s31], $0x50  }
0x7f: {  	_ =	swait.ge [sflag:s13], $0x50  }
0x80: {  	[sflag:s13] =	ssyncset.done $0x0  }
0x81: {  	[sflag:s13] =	ssyncadd.s32 $0xFFFFFFB0  }
0x82: {  	_ =	sfence.sel $0x180000  }
0x83: {  	[bflag:$0x0] =	sbarrier.arrive $0xFFFF  }
0x84: {  	p0 =	sne.s32 s0, $0x0;
	_ =	strace $0x90000047  }
0x85: {  	s0 =	sadd.s32 @!p0 $0x100000, s1;
	[bflag:$0x2] =	sbarrier.arrive $0xFFFF  }
0x86: {  	[sflag:s0] =	ssyncadd.tile.s32 @!p0 $0x1;
	_ =	shalt  }
.Lfunc_end2:
_tile_overlayer_lowered:
.L_overlay_start_2:
0x87: {  	(tag) =	ssettag $0x2  }
0x88: {  	s0 =	rddreg [dreg:$0x0];
	s2 =	stileid.u32  }
0x89: {  	s1 =	rddreg [dreg:$0x1];
	p0 =	sne.s32 s2, $0x0  }
0x8a: {  	s3 =	rddreg [dreg:$0x2];
	[bflag:$0x3] =	sbarrier.arrive $0xFFFF;
	s2 =	simm.s32 @!p0 $0x1C07  }
0x8b: {  	[timem:s3], [sflag:s2] =	dma.local @!p0 [hbm:s0], s1  }
0x8c: {  	s0 =	simm.s32 @!p0 $0x7  }
0x8d: {  	_ =	swait.ge @!p0 [sflag:s0], s1  }
0x8e: {  	s1 =	ssub.s32 @!p0 $0x0, s1;
	[sflag:s0] =	ssyncset.done @!p0 $0x0  }
0x8f: {  	[sflag:s0] =	ssyncadd.s32 @!p0 s1  }
0x90: {  	[bflag:$0x3] =	sbarrier.arrive $0xFFFF  }
0x91: {  	_ =	shalt  }

</sc_bundles>
